<compile_context>
chip_gen: v7x
topology: tpu7x:2x2x1
jax: 0.10.2.dev20260603
libtpu: 0.0.44.dev20260713+nightly
codegen_flags: <defaults>
</compile_context>

<pallas_src>
import functools

import jax
import jax.numpy as jnp
from jax import lax
from jax.experimental import pallas as pl
from jax.experimental.pallas import tpu as pltpu
from jax.experimental.pallas import tpu_sc as plsc

_N = 10000
_E2 = 640000
_D = 128
_H1 = 32
_H2 = 16
_NC = 2
_NS = 16
_T = 160
_B = 125

_MESH = plsc.VectorSubcoreMesh(core_axis_name="c", subcore_axis_name="s")
_F32 = jnp.float32
_SC_PARAMS = pltpu.CompilerParams(use_tc_tiling_on_sc=False)



_DW = 8


@functools.partial(
    pl.kernel,
    out_type=jax.ShapeDtypeStruct((_NC, _N, _DW), _F32),
    mesh=_MESH,
    compiler_params=_SC_PARAMS,
    scratch_types=[
        pltpu.VMEM((_T, _B), jnp.int32),
        pltpu.VMEM((_B, _DW), _F32),
        pltpu.VMEM_SHARED((_N, _DW), _F32),
    ],
)
def _sc_degree(ei_hbm, ones_hbm, zeros_hbm, out_hbm, dst_v, ones_v, acc):
    c = lax.axis_index("c")
    s = lax.axis_index("s")
    rows = 1000

    @pl.when(s < 10)
    def _():
        pltpu.sync_copy(zeros_hbm.at[pl.ds(s * rows, rows)],
                        acc.at[pl.ds(s * rows, rows)])

    pltpu.sync_copy(ei_hbm.at[1 - c, s], dst_v)
    pltpu.sync_copy(ones_hbm, ones_v)
    plsc.subcore_barrier()

    def body(t, carry):
        pltpu.sync_copy(ones_v, acc.at[dst_v.at[t]], add=True)
        return carry

    lax.fori_loop(0, _T, body, 0)
    plsc.subcore_barrier()

    @pl.when(s < 10)
    def _():
        pltpu.sync_copy(acc.at[pl.ds(s * rows, rows)],
                        out_hbm.at[c, pl.ds(s * rows, rows)])


def _make_sc_pass(F):

    NBUF = 8

    @functools.partial(
        pl.kernel,
        out_type=jax.ShapeDtypeStruct((_NC, _N, F), _F32),
        mesh=_MESH,
        compiler_params=_SC_PARAMS,
        scratch_types=[
            pltpu.VMEM((_T, _B), jnp.int32),
            pltpu.VMEM((_T, _B), jnp.int32),
            [pltpu.VMEM((_B, F), _F32)] * NBUF,
            pltpu.VMEM_SHARED((_N, F), _F32),
            [pltpu.SemaphoreType.DMA] * NBUF,
        ],
    )
    def _sc_pass(g_hbm, ei_hbm, zeros_hbm, out_hbm,
                 src_v, dst_v, bufs, acc, gsems):
        c = lax.axis_index("c")
        s = lax.axis_index("s")
        rows = 1000

        @pl.when(s < 10)
        def _():
            pltpu.sync_copy(zeros_hbm.at[pl.ds(s * rows, rows)],
                            acc.at[pl.ds(s * rows, rows)])

        pltpu.sync_copy(ei_hbm.at[c, s], src_v)
        pltpu.sync_copy(ei_hbm.at[1 - c, s], dst_v)
        plsc.subcore_barrier()

        def gath(t, b):
            pltpu.async_copy(g_hbm.at[src_v.at[t]], bufs[b], gsems[b])

        def gath_wait(t, b):
            pltpu.make_async_copy(g_hbm.at[src_v.at[t]], bufs[b], gsems[b]).wait()

        for j in range(NBUF):
            gath(j, j)

        def body(i, carry):
            t = i * NBUF
            for j in range(NBUF):
                gath_wait(t + j, j)
                pltpu.sync_copy(bufs[j], acc.at[dst_v.at[t + j]], add=True)

                @pl.when(t + NBUF + j < _T)
                def _():
                    gath(t + NBUF + j, j)

            return carry

        lax.fori_loop(0, _T // NBUF, body, 0)
        plsc.subcore_barrier()

        @pl.when(s < 10)
        def _():
            pltpu.sync_copy(acc.at[pl.ds(s * rows, rows)],
                            out_hbm.at[c, pl.ds(s * rows, rows)])

    return _sc_pass


_sc_pass32 = _make_sc_pass(_H1)
_sc_pass16 = _make_sc_pass(_H2)



def _tc_a_body(degp, x, w1, dis_out, g1_out):
    deg = degp[0, :, 0:1] + degp[1, :, 0:1] + 1.0
    dis = lax.rsqrt(deg)
    h = lax.dot_general(x[...], w1[...], (((1,), (1,)), ((), ())),
                        preferred_element_type=_F32)
    dis_out[...] = dis
    g1_out[...] = h * dis


_tc_a = pl.pallas_call(
    _tc_a_body,
    out_shape=(jax.ShapeDtypeStruct((_N, 1), _F32),
               jax.ShapeDtypeStruct((_N, _H1), _F32)),
)


def _tc_b_body(p, g1, dis, b1, w2, g2_out):
    dis_v = dis[...]
    t = jnp.maximum((p[0] + p[1] + g1[...]) * dis_v + b1[...], 0.0)
    h2 = lax.dot_general(t, w2[...], (((1,), (1,)), ((), ())),
                         preferred_element_type=_F32)
    g2_out[...] = h2 * dis_v


_tc_b = pl.pallas_call(
    _tc_b_body,
    out_shape=jax.ShapeDtypeStruct((_N, _H2), _F32),
)


def _tc_c1_body(q, g2, dis, b2, z_out):
    z_out[...] = (q[0] + q[1] + g2[...]) * dis[...] + b2[...]


_tc_c1 = pl.pallas_call(
    _tc_c1_body,
    out_shape=jax.ShapeDtypeStruct((_N, _H2), _F32),
)


_BM = 256


def _tc_c2_body(zi, zf, out):
    out[...] = lax.dot_general(zi[...], zf[...], (((1,), (1,)), ((), ())),
                               preferred_element_type=_F32)


_tc_c2 = pl.pallas_call(
    _tc_c2_body,
    grid=(pl.cdiv(_N, _BM),),
    in_specs=[pl.BlockSpec((_BM, _H2), lambda i: (i, 0)),
              pl.BlockSpec((_N, _H2), lambda i: (0, 0))],

    out_specs=pl.BlockSpec((_BM, _N), lambda i: (i, 0)),
    out_shape=jax.ShapeDtypeStruct((_N, _N), _F32),
)



def kernel(x, edge_index, W1, b1, W2, b2):
    ei_r = edge_index.reshape(2, _NS, _T, _B)
    ones = jnp.ones((_B, _DW), _F32)
    zeros1 = jnp.zeros((_N, _DW), _F32)
    zeros32 = jnp.zeros((_N, _H1), _F32)
    zeros16 = jnp.zeros((_N, _H2), _F32)

    degp = _sc_degree(ei_r, ones, zeros1)
    dis, g1 = _tc_a(degp, x, W1)
    p = _sc_pass32(g1, ei_r, zeros32)
    g2 = _tc_b(p, g1, dis, b1, W2)
    q = _sc_pass16(g2, ei_r, zeros16)
    z = _tc_c1(q, g2, dis, b2)
    return _tc_c2(z, z)

# --- scband reference (transcript-rebuilt; emitter-appended) ---
"""Pipeline reference for scband-gae-43662637531914 (READ-ONLY COPY).

The authoritative reference and input builder live on the scoring server;
editing this copy changes nothing except your own understanding.
"""

import jax, jax.numpy as jnp
import numpy as np

N = 10000
E = 320000
D = 128
H1 = 32
H2 = 16


def _glorot(key, shape):
    fan_in, fan_out = shape[1], shape[0]
    limit = np.sqrt(6.0 / (fan_in + fan_out))
    return jax.random.uniform(key, shape, dtype=jnp.float32, minval=-limit, maxval=limit)


def setup_inputs(seed: int = 0) -> dict:
    key = jax.random.key(seed)
    k1, k2, k3, k4 = jax.random.split(key, 4)
    x = jax.random.normal(k1, (N, D), dtype=jnp.float32)
    edge_index = jax.random.randint(k2, (2, E), 0, N, dtype=jnp.int32)
    W1 = _glorot(k3, (H1, D))
    b1 = jnp.zeros((H1,), dtype=jnp.float32)
    W2 = _glorot(k4, (H2, H1))
    b2 = jnp.zeros((H2,), dtype=jnp.float32)
    return {"x": x, "edge_index": edge_index, "W1": W1, "b1": b1, "W2": W2, "b2": b2}


def _gcn_conv(x, src, dst, W, b, n_nodes):
    # GCNConv with self-loops and symmetric normalization (PyG semantics)
    loop = jnp.arange(n_nodes, dtype=src.dtype)
    s = jnp.concatenate([src, loop])
    d = jnp.concatenate([dst, loop])
    ones = jnp.ones(s.shape[0], dtype=x.dtype)
    deg = jnp.zeros((n_nodes,), dtype=x.dtype).at[d].add(ones)
    dis = jnp.where(deg > 0, jax.lax.rsqrt(deg), 0.0)
    norm = dis[s] * dis[d]
    h = x @ W.T
    msg = jnp.take(h, s, axis=0) * norm[:, None]
    out = jnp.zeros((n_nodes, h.shape[1]), dtype=x.dtype).at[d].add(msg)
    return out + b


def reference(x, edge_index, W1, b1, W2, b2):
    # to_undirected: symmetrize edge list (duplicates kept; coalescing omitted)
    ei = jnp.concatenate([edge_index, edge_index[::-1]], axis=1)
    src, dst = ei[0], ei[1]
    # encode
    h = jax.nn.relu(_gcn_conv(x, src, dst, W1, b1, N))
    z = _gcn_conv(h, src, dst, W2, b2, N)
    # decode: dense inner-product edge logits
    logits = z @ z.T
    return logits

if __name__ == "__main__":
    import jax
    _d = setup_inputs()
    print(jax.jit(kernel)(*tuple(_d.values())))

</pallas_src>

<mosaic_0001>
#map = affine_map<(d0, d1) -> (0, 0, 0, 0)>
#map1 = affine_map<(d0, d1) -> (0, 0)>
#map2 = affine_map<(d0, d1) -> (0, 0, 0)>
module attributes {stable_mosaic.version = 14 : i64} {
  func.func @_sc_degree(%arg0: i32, %arg1: i32, %arg2: memref<2x16x160x125xi32, #tpu.memory_space<hbm>>, %arg3: memref<125x8xf32, #tpu.memory_space<hbm>>, %arg4: memref<10000x8xf32, #tpu.memory_space<hbm>>, %arg5: memref<2x10000x8xf32, #tpu.memory_space<hbm>>, %arg6: memref<160x125xi32, #tpu.memory_space<vmem>>, %arg7: memref<125x8xf32, #tpu.memory_space<vmem>>, %arg8: memref<10000x8xf32, #tpu.memory_space<vmem_shared>>) attributes {dimension_semantics = [#tpu.dimension_semantics<core_parallel>, #tpu.dimension_semantics<subcore_parallel>], iteration_bounds = array<i64: 2, 16>, scalar_prefetch = 0 : i64, scratch_operands = 3 : i64, tpu.core_type = #tpu.core_type<sc_vector_subcore>, window_params = [{transform_indices = #map}, {transform_indices = #map1}, {transform_indices = #map1}, {transform_indices = #map2}]} {
    %lt3A = arith.constant 10 : i32
    %lt3A_0 = arith.cmpi slt, %arg1, %lt3A : i32
    %convert_element_type3A = arith.extui %lt3A_0 : i1 to i32
    %cond3A = arith.constant 0 : i32
    %cond3A_1 = arith.cmpi ne, %convert_element_type3A, %cond3A : i32
    scf.if %cond3A_1 {
      %mul3A = arith.constant 1000 : i32
      %mul3A_14 = arith.muli %arg1, %mul3A : i32
      %mul3A_15 = arith.constant 1000 : i32
      %mul3A_16 = arith.muli %arg1, %mul3A_15 : i32
      "tpu.region"() ({
        %run_scoped3A = tpu.sem_alloc : memref<!tpu.dma_semaphore, #tpu.memory_space<semaphore_mem>>
        %dma_start3A = arith.constant 0 : i32
        %dma_start3A_17 = tpu.memref_slice %arg8[%mul3A_16, %dma_start3A] : memref<10000x8xf32, #tpu.memory_space<vmem_shared>> -> memref<1000x8xf32, #tpu.memory_space<vmem_shared>>
        %dma_start3A_18 = arith.constant 0 : i32
        %dma_start3A_19 = tpu.memref_slice %arg4[%mul3A_14, %dma_start3A_18] : memref<10000x8xf32, #tpu.memory_space<hbm>> -> memref<1000x8xf32, #tpu.memory_space<hbm>>
        tpu.enqueue_dma source(%dma_start3A_19 : memref<1000x8xf32, #tpu.memory_space<hbm>>) target(%dma_start3A_17 : memref<1000x8xf32, #tpu.memory_space<vmem_shared>>) target_semaphore(%run_scoped3A : memref<!tpu.dma_semaphore, #tpu.memory_space<semaphore_mem>>)
        %dma_wait3A = arith.constant 0 : i32
        %dma_wait3A_20 = tpu.memref_slice %arg8[%mul3A_16, %dma_wait3A] : memref<10000x8xf32, #tpu.memory_space<vmem_shared>> -> memref<1000x8xf32, #tpu.memory_space<vmem_shared>>
        %dma_wait3A_21 = arith.constant 0 : i32
        %dma_wait3A_22 = tpu.memref_slice %arg4[%mul3A_14, %dma_wait3A_21] : memref<10000x8xf32, #tpu.memory_space<hbm>> -> memref<1000x8xf32, #tpu.memory_space<hbm>>
        tpu.wait_dma2 semaphore(%run_scoped3A : memref<!tpu.dma_semaphore, #tpu.memory_space<semaphore_mem>>) src(%dma_wait3A_22 : memref<1000x8xf32, #tpu.memory_space<hbm>>) dst(%dma_wait3A_20 : memref<1000x8xf32, #tpu.memory_space<vmem_shared>>)
        tpu.yield
      }) : () -> ()
    } else {
    }
    %sub3A = arith.constant 1 : i32
    %sub3A_2 = arith.subi %sub3A, %arg0 : i32
    "tpu.region"() ({
      %run_scoped3A = tpu.sem_alloc : memref<!tpu.dma_semaphore, #tpu.memory_space<semaphore_mem>>
      %dma_start3A = arith.constant 0 : i32
      %dma_start3A_14 = arith.constant 0 : i32
      %dma_start3A_15 = tpu.memref_slice %arg2[%sub3A_2, %arg1, %dma_start3A, %dma_start3A_14] : memref<2x16x160x125xi32, #tpu.memory_space<hbm>> -> memref<1x1x160x125xi32, #tpu.memory_space<hbm>>
      %dma_start3A_16 = tpu.memref_squeeze %dma_start3A_15 : memref<1x1x160x125xi32, #tpu.memory_space<hbm>> -> memref<160x125xi32, #tpu.memory_space<hbm>>
      %dma_start3A_17 = arith.constant 0 : i32
      %dma_start3A_18 = arith.constant 0 : i32
      %dma_start3A_19 = tpu.memref_slice %arg2[%sub3A_2, %arg1, %dma_start3A_17, %dma_start3A_18] : memref<2x16x160x125xi32, #tpu.memory_space<hbm>> -> memref<1x1x160x125xi32, #tpu.memory_space<hbm>>
      %dma_start3A_20 = tpu.memref_squeeze %dma_start3A_19 : memref<1x1x160x125xi32, #tpu.memory_space<hbm>> -> memref<160x125xi32, #tpu.memory_space<hbm>>
      tpu.enqueue_dma source(%dma_start3A_20 : memref<160x125xi32, #tpu.memory_space<hbm>>) target(%arg6 : memref<160x125xi32, #tpu.memory_space<vmem>>) target_semaphore(%run_scoped3A : memref<!tpu.dma_semaphore, #tpu.memory_space<semaphore_mem>>)
      %dma_wait3A = arith.constant 0 : i32
      %dma_wait3A_21 = arith.constant 0 : i32
      %dma_wait3A_22 = tpu.memref_slice %arg2[%sub3A_2, %arg1, %dma_wait3A, %dma_wait3A_21] : memref<2x16x160x125xi32, #tpu.memory_space<hbm>> -> memref<1x1x160x125xi32, #tpu.memory_space<hbm>>
      %dma_wait3A_23 = tpu.memref_squeeze %dma_wait3A_22 : memref<1x1x160x125xi32, #tpu.memory_space<hbm>> -> memref<160x125xi32, #tpu.memory_space<hbm>>
      %dma_wait3A_24 = arith.constant 0 : i32
      %dma_wait3A_25 = arith.constant 0 : i32
      %dma_wait3A_26 = tpu.memref_slice %arg2[%sub3A_2, %arg1, %dma_wait3A_24, %dma_wait3A_25] : memref<2x16x160x125xi32, #tpu.memory_space<hbm>> -> memref<1x1x160x125xi32, #tpu.memory_space<hbm>>
      %dma_wait3A_27 = tpu.memref_squeeze %dma_wait3A_26 : memref<1x1x160x125xi32, #tpu.memory_space<hbm>> -> memref<160x125xi32, #tpu.memory_space<hbm>>
      tpu.wait_dma2 semaphore(%run_scoped3A : memref<!tpu.dma_semaphore, #tpu.memory_space<semaphore_mem>>) src(%dma_wait3A_27 : memref<160x125xi32, #tpu.memory_space<hbm>>) dst(%arg6 : memref<160x125xi32, #tpu.memory_space<vmem>>)
      tpu.yield
    }) : () -> ()
    "tpu.region"() ({
      %run_scoped3A = tpu.sem_alloc : memref<!tpu.dma_semaphore, #tpu.memory_space<semaphore_mem>>
      tpu.enqueue_dma source(%arg3 : memref<125x8xf32, #tpu.memory_space<hbm>>) target(%arg7 : memref<125x8xf32, #tpu.memory_space<vmem>>) target_semaphore(%run_scoped3A : memref<!tpu.dma_semaphore, #tpu.memory_space<semaphore_mem>>)
      tpu.wait_dma2 semaphore(%run_scoped3A : memref<!tpu.dma_semaphore, #tpu.memory_space<semaphore_mem>>) src(%arg3 : memref<125x8xf32, #tpu.memory_space<hbm>>) dst(%arg7 : memref<125x8xf32, #tpu.memory_space<vmem>>)
      tpu.yield
    }) : () -> ()
    %barrier3A = arith.constant 0 : index
    tpu.barrier barrier_id(%barrier3A)
    %scan3A = arith.constant 0 : i32
    %scan3A_3 = arith.constant 0 : i32
    %scan3A_4 = arith.constant 160 : i32
    %scan3A_5 = arith.addi %scan3A_3, %scan3A_4 : i32
    %scan3A_6 = arith.constant 1 : i32
    scf.for %scan3A_14 = %scan3A_3 to %scan3A_5 step %scan3A_6  : i32 {
      "tpu.region"() ({
        %run_scoped3A = tpu.sem_alloc : memref<!tpu.dma_semaphore, #tpu.memory_space<semaphore_mem>>
        %dma_start3A = arith.constant 0 : i32
        %dma_start3A_15 = tpu.memref_slice %arg6[%scan3A_14, %dma_start3A] : memref<160x125xi32, #tpu.memory_space<vmem>> -> memref<1x125xi32, #tpu.memory_space<vmem>>
        %dma_start3A_16 = tpu.memref_squeeze %dma_start3A_15 : memref<1x125xi32, #tpu.memory_space<vmem>> -> memref<125xi32, #tpu.memory_space<vmem>>
        %dma_start3A_17 = arith.constant 0 : i32
        %dma_start3A_18 = arith.constant 0 : i32
        %dma_start3A_19 = tpu.memref_slice %arg8[%dma_start3A_17, %dma_start3A_18] : memref<10000x8xf32, #tpu.memory_space<vmem_shared>> -> memref<10000x8xf32, #tpu.memory_space<vmem_shared>>
        tpu.enqueue_indirect_dma source(%arg7 : memref<125x8xf32, #tpu.memory_space<vmem>>) target(%dma_start3A_19 : memref<10000x8xf32, #tpu.memory_space<vmem_shared>>) offsets(%dma_start3A_16 : memref<125xi32, #tpu.memory_space<vmem>>) semaphore(%run_scoped3A : memref<!tpu.dma_semaphore, #tpu.memory_space<semaphore_mem>>) {add = true}
        %dma_wait3A = arith.constant 0 : i32
        %dma_wait3A_20 = tpu.memref_slice %arg6[%scan3A_14, %dma_wait3A] : memref<160x125xi32, #tpu.memory_space<vmem>> -> memref<1x125xi32, #tpu.memory_space<vmem>>
        %dma_wait3A_21 = tpu.memref_squeeze %dma_wait3A_20 : memref<1x125xi32, #tpu.memory_space<vmem>> -> memref<125xi32, #tpu.memory_space<vmem>>
        %dma_wait3A_22 = arith.constant 0 : i32
        %dma_wait3A_23 = arith.constant 0 : i32
        %dma_wait3A_24 = tpu.memref_slice %arg8[%dma_wait3A_22, %dma_wait3A_23] : memref<10000x8xf32, #tpu.memory_space<vmem_shared>> -> memref<10000x8xf32, #tpu.memory_space<vmem_shared>>
        tpu.wait_indirect_dma semaphore(%run_scoped3A : memref<!tpu.dma_semaphore, #tpu.memory_space<semaphore_mem>>) src(%arg7 : memref<125x8xf32, #tpu.memory_space<vmem>>) dst(%dma_wait3A_24 : memref<10000x8xf32, #tpu.memory_space<vmem_shared>>)
        tpu.yield
      }) : () -> ()
    }
    %scan3A_7 = arith.constant 160 : i32
    %barrier3A_8 = arith.constant 0 : index
    tpu.barrier barrier_id(%barrier3A_8)
    %lt3A_9 = arith.constant 10 : i32
    %lt3A_10 = arith.cmpi slt, %arg1, %lt3A_9 : i32
    %convert_element_type3A_11 = arith.extui %lt3A_10 : i1 to i32
    %cond3A_12 = arith.constant 0 : i32
    %cond3A_13 = arith.cmpi ne, %convert_element_type3A_11, %cond3A_12 : i32
    scf.if %cond3A_13 {
      %mul3A = arith.constant 1000 : i32
      %mul3A_14 = arith.muli %arg1, %mul3A : i32
      %mul3A_15 = arith.constant 1000 : i32
      %mul3A_16 = arith.muli %arg1, %mul3A_15 : i32
      "tpu.region"() ({
        %run_scoped3A = tpu.sem_alloc : memref<!tpu.dma_semaphore, #tpu.memory_space<semaphore_mem>>
        %dma_start3A = arith.constant 0 : i32
        %dma_start3A_17 = tpu.memref_slice %arg5[%arg0, %mul3A_16, %dma_start3A] : memref<2x10000x8xf32, #tpu.memory_space<hbm>> -> memref<1x1000x8xf32, #tpu.memory_space<hbm>>
        %dma_start3A_18 = tpu.memref_squeeze %dma_start3A_17 : memref<1x1000x8xf32, #tpu.memory_space<hbm>> -> memref<1000x8xf32, #tpu.memory_space<hbm>>
        %dma_start3A_19 = arith.constant 0 : i32
        %dma_start3A_20 = tpu.memref_slice %arg8[%mul3A_14, %dma_start3A_19] : memref<10000x8xf32, #tpu.memory_space<vmem_shared>> -> memref<1000x8xf32, #tpu.memory_space<vmem_shared>>
        tpu.enqueue_dma source(%dma_start3A_20 : memref<1000x8xf32, #tpu.memory_space<vmem_shared>>) target(%dma_start3A_18 : memref<1000x8xf32, #tpu.memory_space<hbm>>) target_semaphore(%run_scoped3A : memref<!tpu.dma_semaphore, #tpu.memory_space<semaphore_mem>>)
        %dma_wait3A = arith.constant 0 : i32
        %dma_wait3A_21 = tpu.memref_slice %arg5[%arg0, %mul3A_16, %dma_wait3A] : memref<2x10000x8xf32, #tpu.memory_space<hbm>> -> memref<1x1000x8xf32, #tpu.memory_space<hbm>>
        %dma_wait3A_22 = tpu.memref_squeeze %dma_wait3A_21 : memref<1x1000x8xf32, #tpu.memory_space<hbm>> -> memref<1000x8xf32, #tpu.memory_space<hbm>>
        %dma_wait3A_23 = arith.constant 0 : i32
        %dma_wait3A_24 = tpu.memref_slice %arg8[%mul3A_14, %dma_wait3A_23] : memref<10000x8xf32, #tpu.memory_space<vmem_shared>> -> memref<1000x8xf32, #tpu.memory_space<vmem_shared>>
        tpu.wait_dma2 semaphore(%run_scoped3A : memref<!tpu.dma_semaphore, #tpu.memory_space<semaphore_mem>>) src(%dma_wait3A_24 : memref<1000x8xf32, #tpu.memory_space<vmem_shared>>) dst(%dma_wait3A_22 : memref<1000x8xf32, #tpu.memory_space<hbm>>)
        tpu.yield
      }) : () -> ()
    } else {
    }
    return
  }
}

#map = affine_map<(d0, d1) -> (0, 0)>
#map1 = affine_map<(d0, d1) -> (0, 0, 0, 0)>
#map2 = affine_map<(d0, d1) -> (0, 0, 0)>
module attributes {stable_mosaic.version = 14 : i64} {
  func.func @_sc_pass(%arg0: i32, %arg1: i32, %arg2: memref<10000x32xf32, #tpu.memory_space<hbm>>, %arg3: memref<2x16x160x125xi32, #tpu.memory_space<hbm>>, %arg4: memref<10000x32xf32, #tpu.memory_space<hbm>>, %arg5: memref<2x10000x32xf32, #tpu.memory_space<hbm>>, %arg6: memref<160x125xi32, #tpu.memory_space<vmem>>, %arg7: memref<160x125xi32, #tpu.memory_space<vmem>>, %arg8: memref<125x32xf32, #tpu.memory_space<vmem>>, %arg9: memref<125x32xf32, #tpu.memory_space<vmem>>, %arg10: memref<125x32xf32, #tpu.memory_space<vmem>>, %arg11: memref<125x32xf32, #tpu.memory_space<vmem>>, %arg12: memref<125x32xf32, #tpu.memory_space<vmem>>, %arg13: memref<125x32xf32, #tpu.memory_space<vmem>>, %arg14: memref<125x32xf32, #tpu.memory_space<vmem>>, %arg15: memref<125x32xf32, #tpu.memory_space<vmem>>, %arg16: memref<10000x32xf32, #tpu.memory_space<vmem_shared>>, %arg17: memref<!tpu.dma_semaphore, #tpu.memory_space<semaphore_mem>>, %arg18: memref<!tpu.dma_semaphore, #tpu.memory_space<semaphore_mem>>, %arg19: memref<!tpu.dma_semaphore, #tpu.memory_space<semaphore_mem>>, %arg20: memref<!tpu.dma_semaphore, #tpu.memory_space<semaphore_mem>>, %arg21: memref<!tpu.dma_semaphore, #tpu.memory_space<semaphore_mem>>, %arg22: memref<!tpu.dma_semaphore, #tpu.memory_space<semaphore_mem>>, %arg23: memref<!tpu.dma_semaphore, #tpu.memory_space<semaphore_mem>>, %arg24: memref<!tpu.dma_semaphore, #tpu.memory_space<semaphore_mem>>) attributes {dimension_semantics = [#tpu.dimension_semantics<core_parallel>, #tpu.dimension_semantics<subcore_parallel>], iteration_bounds = array<i64: 2, 16>, scalar_prefetch = 0 : i64, scratch_operands = 19 : i64, tpu.core_type = #tpu.core_type<sc_vector_subcore>, window_params = [{transform_indices = #map}, {transform_indices = #map1}, {transform_indices = #map}, {transform_indices = #map2}]} {
    %lt3A = arith.constant 10 : i32
    %lt3A_0 = arith.cmpi slt, %arg1, %lt3A : i32
    %convert_element_type3A = arith.extui %lt3A_0 : i1 to i32
    %cond3A = arith.constant 0 : i32
    %cond3A_1 = arith.cmpi ne, %convert_element_type3A, %cond3A : i32
    scf.if %cond3A_1 {
      %mul3A = arith.constant 1000 : i32
      %mul3A_69 = arith.muli %arg1, %mul3A : i32
      %mul3A_70 = arith.constant 1000 : i32
      %mul3A_71 = arith.muli %arg1, %mul3A_70 : i32
      "tpu.region"() ({
        %run_scoped3A = tpu.sem_alloc : memref<!tpu.dma_semaphore, #tpu.memory_space<semaphore_mem>>
        %dma_start3A_72 = arith.constant 0 : i32
        %dma_start3A_73 = tpu.memref_slice %arg16[%mul3A_71, %dma_start3A_72] : memref<10000x32xf32, #tpu.memory_space<vmem_shared>> -> memref<1000x32xf32, #tpu.memory_space<vmem_shared>>
        %dma_start3A_74 = arith.constant 0 : i32
        %dma_start3A_75 = tpu.memref_slice %arg4[%mul3A_69, %dma_start3A_74] : memref<10000x32xf32, #tpu.memory_space<hbm>> -> memref<1000x32xf32, #tpu.memory_space<hbm>>
        tpu.enqueue_dma source(%dma_start3A_75 : memref<1000x32xf32, #tpu.memory_space<hbm>>) target(%dma_start3A_73 : memref<1000x32xf32, #tpu.memory_space<vmem_shared>>) target_semaphore(%run_scoped3A : memref<!tpu.dma_semaphore, #tpu.memory_space<semaphore_mem>>)
        %dma_wait3A = arith.constant 0 : i32
        %dma_wait3A_76 = tpu.memref_slice %arg16[%mul3A_71, %dma_wait3A] : memref<10000x32xf32, #tpu.memory_space<vmem_shared>> -> memref<1000x32xf32, #tpu.memory_space<vmem_shared>>
        %dma_wait3A_77 = arith.constant 0 : i32
        %dma_wait3A_78 = tpu.memref_slice %arg4[%mul3A_69, %dma_wait3A_77] : memref<10000x32xf32, #tpu.memory_space<hbm>> -> memref<1000x32xf32, #tpu.memory_space<hbm>>
        tpu.wait_dma2 semaphore(%run_scoped3A : memref<!tpu.dma_semaphore, #tpu.memory_space<semaphore_mem>>) src(%dma_wait3A_78 : memref<1000x32xf32, #tpu.memory_space<hbm>>) dst(%dma_wait3A_76 : memref<1000x32xf32, #tpu.memory_space<vmem_shared>>)
        tpu.yield
      }) : () -> ()
    } else {
    }
    "tpu.region"() ({
      %run_scoped3A = tpu.sem_alloc : memref<!tpu.dma_semaphore, #tpu.memory_space<semaphore_mem>>
      %dma_start3A_69 = arith.constant 0 : i32
      %dma_start3A_70 = arith.constant 0 : i32
      %dma_start3A_71 = tpu.memref_slice %arg3[%arg0, %arg1, %dma_start3A_69, %dma_start3A_70] : memref<2x16x160x125xi32, #tpu.memory_space<hbm>> -> memref<1x1x160x125xi32, #tpu.memory_space<hbm>>
      %dma_start3A_72 = tpu.memref_squeeze %dma_start3A_71 : memref<1x1x160x125xi32, #tpu.memory_space<hbm>> -> memref<160x125xi32, #tpu.memory_space<hbm>>
      %dma_start3A_73 = arith.constant 0 : i32
      %dma_start3A_74 = arith.constant 0 : i32
      %dma_start3A_75 = tpu.memref_slice %arg3[%arg0, %arg1, %dma_start3A_73, %dma_start3A_74] : memref<2x16x160x125xi32, #tpu.memory_space<hbm>> -> memref<1x1x160x125xi32, #tpu.memory_space<hbm>>
      %dma_start3A_76 = tpu.memref_squeeze %dma_start3A_75 : memref<1x1x160x125xi32, #tpu.memory_space<hbm>> -> memref<160x125xi32, #tpu.memory_space<hbm>>
      tpu.enqueue_dma source(%dma_start3A_76 : memref<160x125xi32, #tpu.memory_space<hbm>>) target(%arg6 : memref<160x125xi32, #tpu.memory_space<vmem>>) target_semaphore(%run_scoped3A : memref<!tpu.dma_semaphore, #tpu.memory_space<semaphore_mem>>)
      %dma_wait3A = arith.constant 0 : i32
      %dma_wait3A_77 = arith.constant 0 : i32
      %dma_wait3A_78 = tpu.memref_slice %arg3[%arg0, %arg1, %dma_wait3A, %dma_wait3A_77] : memref<2x16x160x125xi32, #tpu.memory_space<hbm>> -> memref<1x1x160x125xi32, #tpu.memory_space<hbm>>
      %dma_wait3A_79 = tpu.memref_squeeze %dma_wait3A_78 : memref<1x1x160x125xi32, #tpu.memory_space<hbm>> -> memref<160x125xi32, #tpu.memory_space<hbm>>
      %dma_wait3A_80 = arith.constant 0 : i32
      %dma_wait3A_81 = arith.constant 0 : i32
      %dma_wait3A_82 = tpu.memref_slice %arg3[%arg0, %arg1, %dma_wait3A_80, %dma_wait3A_81] : memref<2x16x160x125xi32, #tpu.memory_space<hbm>> -> memref<1x1x160x125xi32, #tpu.memory_space<hbm>>
      %dma_wait3A_83 = tpu.memref_squeeze %dma_wait3A_82 : memref<1x1x160x125xi32, #tpu.memory_space<hbm>> -> memref<160x125xi32, #tpu.memory_space<hbm>>
      tpu.wait_dma2 semaphore(%run_scoped3A : memref<!tpu.dma_semaphore, #tpu.memory_space<semaphore_mem>>) src(%dma_wait3A_83 : memref<160x125xi32, #tpu.memory_space<hbm>>) dst(%arg6 : memref<160x125xi32, #tpu.memory_space<vmem>>)
      tpu.yield
    }) : () -> ()
    %sub3A = arith.constant 1 : i32
    %sub3A_2 = arith.subi %sub3A, %arg0 : i32
    "tpu.region"() ({
      %run_scoped3A = tpu.sem_alloc : memref<!tpu.dma_semaphore, #tpu.memory_space<semaphore_mem>>
      %dma_start3A_69 = arith.constant 0 : i32
      %dma_start3A_70 = arith.constant 0 : i32
      %dma_start3A_71 = tpu.memref_slice %arg3[%sub3A_2, %arg1, %dma_start3A_69, %dma_start3A_70] : memref<2x16x160x125xi32, #tpu.memory_space<hbm>> -> memref<1x1x160x125xi32, #tpu.memory_space<hbm>>
      %dma_start3A_72 = tpu.memref_squeeze %dma_start3A_71 : memref<1x1x160x125xi32, #tpu.memory_space<hbm>> -> memref<160x125xi32, #tpu.memory_space<hbm>>
      %dma_start3A_73 = arith.constant 0 : i32
      %dma_start3A_74 = arith.constant 0 : i32
      %dma_start3A_75 = tpu.memref_slice %arg3[%sub3A_2, %arg1, %dma_start3A_73, %dma_start3A_74] : memref<2x16x160x125xi32, #tpu.memory_space<hbm>> -> memref<1x1x160x125xi32, #tpu.memory_space<hbm>>
      %dma_start3A_76 = tpu.memref_squeeze %dma_start3A_75 : memref<1x1x160x125xi32, #tpu.memory_space<hbm>> -> memref<160x125xi32, #tpu.memory_space<hbm>>
      tpu.enqueue_dma source(%dma_start3A_76 : memref<160x125xi32, #tpu.memory_space<hbm>>) target(%arg7 : memref<160x125xi32, #tpu.memory_space<vmem>>) target_semaphore(%run_scoped3A : memref<!tpu.dma_semaphore, #tpu.memory_space<semaphore_mem>>)
      %dma_wait3A = arith.constant 0 : i32
      %dma_wait3A_77 = arith.constant 0 : i32
      %dma_wait3A_78 = tpu.memref_slice %arg3[%sub3A_2, %arg1, %dma_wait3A, %dma_wait3A_77] : memref<2x16x160x125xi32, #tpu.memory_space<hbm>> -> memref<1x1x160x125xi32, #tpu.memory_space<hbm>>
      %dma_wait3A_79 = tpu.memref_squeeze %dma_wait3A_78 : memref<1x1x160x125xi32, #tpu.memory_space<hbm>> -> memref<160x125xi32, #tpu.memory_space<hbm>>
      %dma_wait3A_80 = arith.constant 0 : i32
      %dma_wait3A_81 = arith.constant 0 : i32
      %dma_wait3A_82 = tpu.memref_slice %arg3[%sub3A_2, %arg1, %dma_wait3A_80, %dma_wait3A_81] : memref<2x16x160x125xi32, #tpu.memory_space<hbm>> -> memref<1x1x160x125xi32, #tpu.memory_space<hbm>>
      %dma_wait3A_83 = tpu.memref_squeeze %dma_wait3A_82 : memref<1x1x160x125xi32, #tpu.memory_space<hbm>> -> memref<160x125xi32, #tpu.memory_space<hbm>>
      tpu.wait_dma2 semaphore(%run_scoped3A : memref<!tpu.dma_semaphore, #tpu.memory_space<semaphore_mem>>) src(%dma_wait3A_83 : memref<160x125xi32, #tpu.memory_space<hbm>>) dst(%arg7 : memref<160x125xi32, #tpu.memory_space<vmem>>)
      tpu.yield
    }) : () -> ()
    %barrier3A = arith.constant 0 : index
    tpu.barrier barrier_id(%barrier3A)
    %dma_start3A = arith.constant 0 : i32
    %dma_start3A_3 = arith.constant 0 : i32
    %dma_start3A_4 = tpu.memref_slice %arg6[%dma_start3A, %dma_start3A_3] : memref<160x125xi32, #tpu.memory_space<vmem>> -> memref<1x125xi32, #tpu.memory_space<vmem>>
    %dma_start3A_5 = tpu.memref_squeeze %dma_start3A_4 : memref<1x125xi32, #tpu.memory_space<vmem>> -> memref<125xi32, #tpu.memory_space<vmem>>
    %dma_start3A_6 = arith.constant 0 : i32
    %dma_start3A_7 = arith.constant 0 : i32
    %dma_start3A_8 = tpu.memref_slice %arg2[%dma_start3A_6, %dma_start3A_7] : memref<10000x32xf32, #tpu.memory_space<hbm>> -> memref<10000x32xf32, #tpu.memory_space<hbm>>
    tpu.enqueue_indirect_dma source(%dma_start3A_8 : memref<10000x32xf32, #tpu.memory_space<hbm>>) target(%arg8 : memref<125x32xf32, #tpu.memory_space<vmem>>) offsets(%dma_start3A_5 : memref<125xi32, #tpu.memory_space<vmem>>) semaphore(%arg17 : memref<!tpu.dma_semaphore, #tpu.memory_space<semaphore_mem>>)
    %dma_start3A_9 = arith.constant 1 : i32
    %dma_start3A_10 = arith.constant 0 : i32
    %dma_start3A_11 = tpu.memref_slice %arg6[%dma_start3A_9, %dma_start3A_10] : memref<160x125xi32, #tpu.memory_space<vmem>> -> memref<1x125xi32, #tpu.memory_space<vmem>>
    %dma_start3A_12 = tpu.memref_squeeze %dma_start3A_11 : memref<1x125xi32, #tpu.memory_space<vmem>> -> memref<125xi32, #tpu.memory_space<vmem>>
    %dma_start3A_13 = arith.constant 0 : i32
    %dma_start3A_14 = arith.constant 0 : i32
    %dma_start3A_15 = tpu.memref_slice %arg2[%dma_start3A_13, %dma_start3A_14] : memref<10000x32xf32, #tpu.memory_space<hbm>> -> memref<10000x32xf32, #tpu.memory_space<hbm>>
    tpu.enqueue_indirect_dma source(%dma_start3A_15 : memref<10000x32xf32, #tpu.memory_space<hbm>>) target(%arg9 : memref<125x32xf32, #tpu.memory_space<vmem>>) offsets(%dma_start3A_12 : memref<125xi32, #tpu.memory_space<vmem>>) semaphore(%arg18 : memref<!tpu.dma_semaphore, #tpu.memory_space<semaphore_mem>>)
    %dma_start3A_16 = arith.constant 2 : i32
    %dma_start3A_17 = arith.constant 0 : i32
    %dma_start3A_18 = tpu.memref_slice %arg6[%dma_start3A_16, %dma_start3A_17] : memref<160x125xi32, #tpu.memory_space<vmem>> -> memref<1x125xi32, #tpu.memory_space<vmem>>
    %dma_start3A_19 = tpu.memref_squeeze %dma_start3A_18 : memref<1x125xi32, #tpu.memory_space<vmem>> -> memref<125xi32, #tpu.memory_space<vmem>>
    %dma_start3A_20 = arith.constant 0 : i32
    %dma_start3A_21 = arith.constant 0 : i32
    %dma_start3A_22 = tpu.memref_slice %arg2[%dma_start3A_20, %dma_start3A_21] : memref<10000x32xf32, #tpu.memory_space<hbm>> -> memref<10000x32xf32, #tpu.memory_space<hbm>>
    tpu.enqueue_indirect_dma source(%dma_start3A_22 : memref<10000x32xf32, #tpu.memory_space<hbm>>) target(%arg10 : memref<125x32xf32, #tpu.memory_space<vmem>>) offsets(%dma_start3A_19 : memref<125xi32, #tpu.memory_space<vmem>>) semaphore(%arg19 : memref<!tpu.dma_semaphore, #tpu.memory_space<semaphore_mem>>)
    %dma_start3A_23 = arith.constant 3 : i32
    %dma_start3A_24 = arith.constant 0 : i32
    %dma_start3A_25 = tpu.memref_slice %arg6[%dma_start3A_23, %dma_start3A_24] : memref<160x125xi32, #tpu.memory_space<vmem>> -> memref<1x125xi32, #tpu.memory_space<vmem>>
    %dma_start3A_26 = tpu.memref_squeeze %dma_start3A_25 : memref<1x125xi32, #tpu.memory_space<vmem>> -> memref<125xi32, #tpu.memory_space<vmem>>
    %dma_start3A_27 = arith.constant 0 : i32
    %dma_start3A_28 = arith.constant 0 : i32
    %dma_start3A_29 = tpu.memref_slice %arg2[%dma_start3A_27, %dma_start3A_28] : memref<10000x32xf32, #tpu.memory_space<hbm>> -> memref<10000x32xf32, #tpu.memory_space<hbm>>
    tpu.enqueue_indirect_dma source(%dma_start3A_29 : memref<10000x32xf32, #tpu.memory_space<hbm>>) target(%arg11 : memref<125x32xf32, #tpu.memory_space<vmem>>) offsets(%dma_start3A_26 : memref<125xi32, #tpu.memory_space<vmem>>) semaphore(%arg20 : memref<!tpu.dma_semaphore, #tpu.memory_space<semaphore_mem>>)
    %dma_start3A_30 = arith.constant 4 : i32
    %dma_start3A_31 = arith.constant 0 : i32
    %dma_start3A_32 = tpu.memref_slice %arg6[%dma_start3A_30, %dma_start3A_31] : memref<160x125xi32, #tpu.memory_space<vmem>> -> memref<1x125xi32, #tpu.memory_space<vmem>>
    %dma_start3A_33 = tpu.memref_squeeze %dma_start3A_32 : memref<1x125xi32, #tpu.memory_space<vmem>> -> memref<125xi32, #tpu.memory_space<vmem>>
    %dma_start3A_34 = arith.constant 0 : i32
    %dma_start3A_35 = arith.constant 0 : i32
    %dma_start3A_36 = tpu.memref_slice %arg2[%dma_start3A_34, %dma_start3A_35] : memref<10000x32xf32, #tpu.memory_space<hbm>> -> memref<10000x32xf32, #tpu.memory_space<hbm>>
    tpu.enqueue_indirect_dma source(%dma_start3A_36 : memref<10000x32xf32, #tpu.memory_space<hbm>>) target(%arg12 : memref<125x32xf32, #tpu.memory_space<vmem>>) offsets(%dma_start3A_33 : memref<125xi32, #tpu.memory_space<vmem>>) semaphore(%arg21 : memref<!tpu.dma_semaphore, #tpu.memory_space<semaphore_mem>>)
    %dma_start3A_37 = arith.constant 5 : i32
    %dma_start3A_38 = arith.constant 0 : i32
    %dma_start3A_39 = tpu.memref_slice %arg6[%dma_start3A_37, %dma_start3A_38] : memref<160x125xi32, #tpu.memory_space<vmem>> -> memref<1x125xi32, #tpu.memory_space<vmem>>
    %dma_start3A_40 = tpu.memref_squeeze %dma_start3A_39 : memref<1x125xi32, #tpu.memory_space<vmem>> -> memref<125xi32, #tpu.memory_space<vmem>>
    %dma_start3A_41 = arith.constant 0 : i32
    %dma_start3A_42 = arith.constant 0 : i32
    %dma_start3A_43 = tpu.memref_slice %arg2[%dma_start3A_41, %dma_start3A_42] : memref<10000x32xf32, #tpu.memory_space<hbm>> -> memref<10000x32xf32, #tpu.memory_space<hbm>>
    tpu.enqueue_indirect_dma source(%dma_start3A_43 : memref<10000x32xf32, #tpu.memory_space<hbm>>) target(%arg13 : memref<125x32xf32, #tpu.memory_space<vmem>>) offsets(%dma_start3A_40 : memref<125xi32, #tpu.memory_space<vmem>>) semaphore(%arg22 : memref<!tpu.dma_semaphore, #tpu.memory_space<semaphore_mem>>)
    %dma_start3A_44 = arith.constant 6 : i32
    %dma_start3A_45 = arith.constant 0 : i32
    %dma_start3A_46 = tpu.memref_slice %arg6[%dma_start3A_44, %dma_start3A_45] : memref<160x125xi32, #tpu.memory_space<vmem>> -> memref<1x125xi32, #tpu.memory_space<vmem>>
    %dma_start3A_47 = tpu.memref_squeeze %dma_start3A_46 : memref<1x125xi32, #tpu.memory_space<vmem>> -> memref<125xi32, #tpu.memory_space<vmem>>
    %dma_start3A_48 = arith.constant 0 : i32
    %dma_start3A_49 = arith.constant 0 : i32
    %dma_start3A_50 = tpu.memref_slice %arg2[%dma_start3A_48, %dma_start3A_49] : memref<10000x32xf32, #tpu.memory_space<hbm>> -> memref<10000x32xf32, #tpu.memory_space<hbm>>
    tpu.enqueue_indirect_dma source(%dma_start3A_50 : memref<10000x32xf32, #tpu.memory_space<hbm>>) target(%arg14 : memref<125x32xf32, #tpu.memory_space<vmem>>) offsets(%dma_start3A_47 : memref<125xi32, #tpu.memory_space<vmem>>) semaphore(%arg23 : memref<!tpu.dma_semaphore, #tpu.memory_space<semaphore_mem>>)
    %dma_start3A_51 = arith.constant 7 : i32
    %dma_start3A_52 = arith.constant 0 : i32
    %dma_start3A_53 = tpu.memref_slice %arg6[%dma_start3A_51, %dma_start3A_52] : memref<160x125xi32, #tpu.memory_space<vmem>> -> memref<1x125xi32, #tpu.memory_space<vmem>>
    %dma_start3A_54 = tpu.memref_squeeze %dma_start3A_53 : memref<1x125xi32, #tpu.memory_space<vmem>> -> memref<125xi32, #tpu.memory_space<vmem>>
    %dma_start3A_55 = arith.constant 0 : i32
    %dma_start3A_56 = arith.constant 0 : i32
    %dma_start3A_57 = tpu.memref_slice %arg2[%dma_start3A_55, %dma_start3A_56] : memref<10000x32xf32, #tpu.memory_space<hbm>> -> memref<10000x32xf32, #tpu.memory_space<hbm>>
    tpu.enqueue_indirect_dma source(%dma_start3A_57 : memref<10000x32xf32, #tpu.memory_space<hbm>>) target(%arg15 : memref<125x32xf32, #tpu.memory_space<vmem>>) offsets(%dma_start3A_54 : memref<125xi32, #tpu.memory_space<vmem>>) semaphore(%arg24 : memref<!tpu.dma_semaphore, #tpu.memory_space<semaphore_mem>>)
    %scan3A = arith.constant 0 : i32
    %scan3A_58 = arith.constant 0 : i32
    %scan3A_59 = arith.constant 20 : i32
    %scan3A_60 = arith.addi %scan3A_58, %scan3A_59 : i32
    %scan3A_61 = arith.constant 1 : i32
    scf.for %scan3A_69 = %scan3A_58 to %scan3A_60 step %scan3A_61  : i32 {
      %mul3A = arith.constant 8 : i32
      %mul3A_70 = arith.muli %scan3A_69, %mul3A : i32
      %add3A = arith.constant 0 : i32
      %add3A_71 = arith.addi %mul3A_70, %add3A : i32
      %dma_wait3A = arith.constant 0 : i32
      %dma_wait3A_72 = tpu.memref_slice %arg6[%add3A_71, %dma_wait3A] : memref<160x125xi32, #tpu.memory_space<vmem>> -> memref<1x125xi32, #tpu.memory_space<vmem>>
      %dma_wait3A_73 = tpu.memref_squeeze %dma_wait3A_72 : memref<1x125xi32, #tpu.memory_space<vmem>> -> memref<125xi32, #tpu.memory_space<vmem>>
      %dma_wait3A_74 = arith.constant 0 : i32
      %dma_wait3A_75 = arith.constant 0 : i32
      %dma_wait3A_76 = tpu.memref_slice %arg2[%dma_wait3A_74, %dma_wait3A_75] : memref<10000x32xf32, #tpu.memory_space<hbm>> -> memref<10000x32xf32, #tpu.memory_space<hbm>>
      tpu.wait_indirect_dma semaphore(%arg17 : memref<!tpu.dma_semaphore, #tpu.memory_space<semaphore_mem>>) src(%dma_wait3A_76 : memref<10000x32xf32, #tpu.memory_space<hbm>>) dst(%arg8 : memref<125x32xf32, #tpu.memory_space<vmem>>)
      %add3A_77 = arith.constant 0 : i32
      %add3A_78 = arith.addi %mul3A_70, %add3A_77 : i32
      "tpu.region"() ({
        %run_scoped3A = tpu.sem_alloc : memref<!tpu.dma_semaphore, #tpu.memory_space<semaphore_mem>>
        %dma_start3A_221 = arith.constant 0 : i32
        %dma_start3A_222 = tpu.memref_slice %arg7[%add3A_78, %dma_start3A_221] : memref<160x125xi32, #tpu.memory_space<vmem>> -> memref<1x125xi32, #tpu.memory_space<vmem>>
        %dma_start3A_223 = tpu.memref_squeeze %dma_start3A_222 : memref<1x125xi32, #tpu.memory_space<vmem>> -> memref<125xi32, #tpu.memory_space<vmem>>
        %dma_start3A_224 = arith.constant 0 : i32
        %dma_start3A_225 = arith.constant 0 : i32
        %dma_start3A_226 = tpu.memref_slice %arg16[%dma_start3A_224, %dma_start3A_225] : memref<10000x32xf32, #tpu.memory_space<vmem_shared>> -> memref<10000x32xf32, #tpu.memory_space<vmem_shared>>
        tpu.enqueue_indirect_dma source(%arg8 : memref<125x32xf32, #tpu.memory_space<vmem>>) target(%dma_start3A_226 : memref<10000x32xf32, #tpu.memory_space<vmem_shared>>) offsets(%dma_start3A_223 : memref<125xi32, #tpu.memory_space<vmem>>) semaphore(%run_scoped3A : memref<!tpu.dma_semaphore, #tpu.memory_space<semaphore_mem>>) {add = true}
        %dma_wait3A_227 = arith.constant 0 : i32
        %dma_wait3A_228 = tpu.memref_slice %arg7[%add3A_78, %dma_wait3A_227] : memref<160x125xi32, #tpu.memory_space<vmem>> -> memref<1x125xi32, #tpu.memory_space<vmem>>
        %dma_wait3A_229 = tpu.memref_squeeze %dma_wait3A_228 : memref<1x125xi32, #tpu.memory_space<vmem>> -> memref<125xi32, #tpu.memory_space<vmem>>
        %dma_wait3A_230 = arith.constant 0 : i32
        %dma_wait3A_231 = arith.constant 0 : i32
        %dma_wait3A_232 = tpu.memref_slice %arg16[%dma_wait3A_230, %dma_wait3A_231] : memref<10000x32xf32, #tpu.memory_space<vmem_shared>> -> memref<10000x32xf32, #tpu.memory_space<vmem_shared>>
        tpu.wait_indirect_dma semaphore(%run_scoped3A : memref<!tpu.dma_semaphore, #tpu.memory_space<semaphore_mem>>) src(%arg8 : memref<125x32xf32, #tpu.memory_space<vmem>>) dst(%dma_wait3A_232 : memref<10000x32xf32, #tpu.memory_space<vmem_shared>>)
        tpu.yield
      }) : () -> ()
      %add3A_79 = arith.constant 8 : i32
      %add3A_80 = arith.addi %mul3A_70, %add3A_79 : i32
      %add3A_81 = arith.constant 0 : i32
      %add3A_82 = arith.addi %add3A_80, %add3A_81 : i32
      %lt3A_83 = arith.constant 160 : i32
      %lt3A_84 = arith.cmpi slt, %add3A_82, %lt3A_83 : i32
      %convert_element_type3A_85 = arith.extui %lt3A_84 : i1 to i32
      %cond3A_86 = arith.constant 0 : i32
      %cond3A_87 = arith.cmpi ne, %convert_element_type3A_85, %cond3A_86 : i32
      scf.if %cond3A_87 {
        %add3A_221 = arith.constant 8 : i32
        %add3A_222 = arith.addi %mul3A_70, %add3A_221 : i32
        %add3A_223 = arith.constant 0 : i32
        %add3A_224 = arith.addi %add3A_222, %add3A_223 : i32
        %dma_start3A_225 = arith.constant 0 : i32
        %dma_start3A_226 = tpu.memref_slice %arg6[%add3A_224, %dma_start3A_225] : memref<160x125xi32, #tpu.memory_space<vmem>> -> memref<1x125xi32, #tpu.memory_space<vmem>>
        %dma_start3A_227 = tpu.memref_squeeze %dma_start3A_226 : memref<1x125xi32, #tpu.memory_space<vmem>> -> memref<125xi32, #tpu.memory_space<vmem>>
        %dma_start3A_228 = arith.constant 0 : i32
        %dma_start3A_229 = arith.constant 0 : i32
        %dma_start3A_230 = tpu.memref_slice %arg2[%dma_start3A_228, %dma_start3A_229] : memref<10000x32xf32, #tpu.memory_space<hbm>> -> memref<10000x32xf32, #tpu.memory_space<hbm>>
        tpu.enqueue_indirect_dma source(%dma_start3A_230 : memref<10000x32xf32, #tpu.memory_space<hbm>>) target(%arg8 : memref<125x32xf32, #tpu.memory_space<vmem>>) offsets(%dma_start3A_227 : memref<125xi32, #tpu.memory_space<vmem>>) semaphore(%arg17 : memref<!tpu.dma_semaphore, #tpu.memory_space<semaphore_mem>>)
      } else {
      }
      %add3A_88 = arith.constant 1 : i32
      %add3A_89 = arith.addi %mul3A_70, %add3A_88 : i32
      %dma_wait3A_90 = arith.constant 0 : i32
      %dma_wait3A_91 = tpu.memref_slice %arg6[%add3A_89, %dma_wait3A_90] : memref<160x125xi32, #tpu.memory_space<vmem>> -> memref<1x125xi32, #tpu.memory_space<vmem>>
      %dma_wait3A_92 = tpu.memref_squeeze %dma_wait3A_91 : memref<1x125xi32, #tpu.memory_space<vmem>> -> memref<125xi32, #tpu.memory_space<vmem>>
      %dma_wait3A_93 = arith.constant 0 : i32
      %dma_wait3A_94 = arith.constant 0 : i32
      %dma_wait3A_95 = tpu.memref_slice %arg2[%dma_wait3A_93, %dma_wait3A_94] : memref<10000x32xf32, #tpu.memory_space<hbm>> -> memref<10000x32xf32, #tpu.memory_space<hbm>>
      tpu.wait_indirect_dma semaphore(%arg18 : memref<!tpu.dma_semaphore, #tpu.memory_space<semaphore_mem>>) src(%dma_wait3A_95 : memref<10000x32xf32, #tpu.memory_space<hbm>>) dst(%arg9 : memref<125x32xf32, #tpu.memory_space<vmem>>)
      %add3A_96 = arith.constant 1 : i32
      %add3A_97 = arith.addi %mul3A_70, %add3A_96 : i32
      "tpu.region"() ({
        %run_scoped3A = tpu.sem_alloc : memref<!tpu.dma_semaphore, #tpu.memory_space<semaphore_mem>>
        %dma_start3A_221 = arith.constant 0 : i32
        %dma_start3A_222 = tpu.memref_slice %arg7[%add3A_97, %dma_start3A_221] : memref<160x125xi32, #tpu.memory_space<vmem>> -> memref<1x125xi32, #tpu.memory_space<vmem>>
        %dma_start3A_223 = tpu.memref_squeeze %dma_start3A_222 : memref<1x125xi32, #tpu.memory_space<vmem>> -> memref<125xi32, #tpu.memory_space<vmem>>
        %dma_start3A_224 = arith.constant 0 : i32
        %dma_start3A_225 = arith.constant 0 : i32
        %dma_start3A_226 = tpu.memref_slice %arg16[%dma_start3A_224, %dma_start3A_225] : memref<10000x32xf32, #tpu.memory_space<vmem_shared>> -> memref<10000x32xf32, #tpu.memory_space<vmem_shared>>
        tpu.enqueue_indirect_dma source(%arg9 : memref<125x32xf32, #tpu.memory_space<vmem>>) target(%dma_start3A_226 : memref<10000x32xf32, #tpu.memory_space<vmem_shared>>) offsets(%dma_start3A_223 : memref<125xi32, #tpu.memory_space<vmem>>) semaphore(%run_scoped3A : memref<!tpu.dma_semaphore, #tpu.memory_space<semaphore_mem>>) {add = true}
        %dma_wait3A_227 = arith.constant 0 : i32
        %dma_wait3A_228 = tpu.memref_slice %arg7[%add3A_97, %dma_wait3A_227] : memref<160x125xi32, #tpu.memory_space<vmem>> -> memref<1x125xi32, #tpu.memory_space<vmem>>
        %dma_wait3A_229 = tpu.memref_squeeze %dma_wait3A_228 : memref<1x125xi32, #tpu.memory_space<vmem>> -> memref<125xi32, #tpu.memory_space<vmem>>
        %dma_wait3A_230 = arith.constant 0 : i32
        %dma_wait3A_231 = arith.constant 0 : i32
        %dma_wait3A_232 = tpu.memref_slice %arg16[%dma_wait3A_230, %dma_wait3A_231] : memref<10000x32xf32, #tpu.memory_space<vmem_shared>> -> memref<10000x32xf32, #tpu.memory_space<vmem_shared>>
        tpu.wait_indirect_dma semaphore(%run_scoped3A : memref<!tpu.dma_semaphore, #tpu.memory_space<semaphore_mem>>) src(%arg9 : memref<125x32xf32, #tpu.memory_space<vmem>>) dst(%dma_wait3A_232 : memref<10000x32xf32, #tpu.memory_space<vmem_shared>>)
        tpu.yield
      }) : () -> ()
      %add3A_98 = arith.constant 8 : i32
      %add3A_99 = arith.addi %mul3A_70, %add3A_98 : i32
      %add3A_100 = arith.constant 1 : i32
      %add3A_101 = arith.addi %add3A_99, %add3A_100 : i32
      %lt3A_102 = arith.constant 160 : i32
      %lt3A_103 = arith.cmpi slt, %add3A_101, %lt3A_102 : i32
      %convert_element_type3A_104 = arith.extui %lt3A_103 : i1 to i32
      %cond3A_105 = arith.constant 0 : i32
      %cond3A_106 = arith.cmpi ne, %convert_element_type3A_104, %cond3A_105 : i32
      scf.if %cond3A_106 {
        %add3A_221 = arith.constant 8 : i32
        %add3A_222 = arith.addi %mul3A_70, %add3A_221 : i32
        %add3A_223 = arith.constant 1 : i32
        %add3A_224 = arith.addi %add3A_222, %add3A_223 : i32
        %dma_start3A_225 = arith.constant 0 : i32
        %dma_start3A_226 = tpu.memref_slice %arg6[%add3A_224, %dma_start3A_225] : memref<160x125xi32, #tpu.memory_space<vmem>> -> memref<1x125xi32, #tpu.memory_space<vmem>>
        %dma_start3A_227 = tpu.memref_squeeze %dma_start3A_226 : memref<1x125xi32, #tpu.memory_space<vmem>> -> memref<125xi32, #tpu.memory_space<vmem>>
        %dma_start3A_228 = arith.constant 0 : i32
        %dma_start3A_229 = arith.constant 0 : i32
        %dma_start3A_230 = tpu.memref_slice %arg2[%dma_start3A_228, %dma_start3A_229] : memref<10000x32xf32, #tpu.memory_space<hbm>> -> memref<10000x32xf32, #tpu.memory_space<hbm>>
        tpu.enqueue_indirect_dma source(%dma_start3A_230 : memref<10000x32xf32, #tpu.memory_space<hbm>>) target(%arg9 : memref<125x32xf32, #tpu.memory_space<vmem>>) offsets(%dma_start3A_227 : memref<125xi32, #tpu.memory_space<vmem>>) semaphore(%arg18 : memref<!tpu.dma_semaphore, #tpu.memory_space<semaphore_mem>>)
      } else {
      }
      %add3A_107 = arith.constant 2 : i32
      %add3A_108 = arith.addi %mul3A_70, %add3A_107 : i32
      %dma_wait3A_109 = arith.constant 0 : i32
      %dma_wait3A_110 = tpu.memref_slice %arg6[%add3A_108, %dma_wait3A_109] : memref<160x125xi32, #tpu.memory_space<vmem>> -> memref<1x125xi32, #tpu.memory_space<vmem>>
      %dma_wait3A_111 = tpu.memref_squeeze %dma_wait3A_110 : memref<1x125xi32, #tpu.memory_space<vmem>> -> memref<125xi32, #tpu.memory_space<vmem>>
      %dma_wait3A_112 = arith.constant 0 : i32
      %dma_wait3A_113 = arith.constant 0 : i32
      %dma_wait3A_114 = tpu.memref_slice %arg2[%dma_wait3A_112, %dma_wait3A_113] : memref<10000x32xf32, #tpu.memory_space<hbm>> -> memref<10000x32xf32, #tpu.memory_space<hbm>>
      tpu.wait_indirect_dma semaphore(%arg19 : memref<!tpu.dma_semaphore, #tpu.memory_space<semaphore_mem>>) src(%dma_wait3A_114 : memref<10000x32xf32, #tpu.memory_space<hbm>>) dst(%arg10 : memref<125x32xf32, #tpu.memory_space<vmem>>)
      %add3A_115 = arith.constant 2 : i32
      %add3A_116 = arith.addi %mul3A_70, %add3A_115 : i32
      "tpu.region"() ({
        %run_scoped3A = tpu.sem_alloc : memref<!tpu.dma_semaphore, #tpu.memory_space<semaphore_mem>>
        %dma_start3A_221 = arith.constant 0 : i32
        %dma_start3A_222 = tpu.memref_slice %arg7[%add3A_116, %dma_start3A_221] : memref<160x125xi32, #tpu.memory_space<vmem>> -> memref<1x125xi32, #tpu.memory_space<vmem>>
        %dma_start3A_223 = tpu.memref_squeeze %dma_start3A_222 : memref<1x125xi32, #tpu.memory_space<vmem>> -> memref<125xi32, #tpu.memory_space<vmem>>
        %dma_start3A_224 = arith.constant 0 : i32
        %dma_start3A_225 = arith.constant 0 : i32
        %dma_start3A_226 = tpu.memref_slice %arg16[%dma_start3A_224, %dma_start3A_225] : memref<10000x32xf32, #tpu.memory_space<vmem_shared>> -> memref<10000x32xf32, #tpu.memory_space<vmem_shared>>
        tpu.enqueue_indirect_dma source(%arg10 : memref<125x32xf32, #tpu.memory_space<vmem>>) target(%dma_start3A_226 : memref<10000x32xf32, #tpu.memory_space<vmem_shared>>) offsets(%dma_start3A_223 : memref<125xi32, #tpu.memory_space<vmem>>) semaphore(%run_scoped3A : memref<!tpu.dma_semaphore, #tpu.memory_space<semaphore_mem>>) {add = true}
        %dma_wait3A_227 = arith.constant 0 : i32
        %dma_wait3A_228 = tpu.memref_slice %arg7[%add3A_116, %dma_wait3A_227] : memref<160x125xi32, #tpu.memory_space<vmem>> -> memref<1x125xi32, #tpu.memory_space<vmem>>
        %dma_wait3A_229 = tpu.memref_squeeze %dma_wait3A_228 : memref<1x125xi32, #tpu.memory_space<vmem>> -> memref<125xi32, #tpu.memory_space<vmem>>
        %dma_wait3A_230 = arith.constant 0 : i32
        %dma_wait3A_231 = arith.constant 0 : i32
        %dma_wait3A_232 = tpu.memref_slice %arg16[%dma_wait3A_230, %dma_wait3A_231] : memref<10000x32xf32, #tpu.memory_space<vmem_shared>> -> memref<10000x32xf32, #tpu.memory_space<vmem_shared>>
        tpu.wait_indirect_dma semaphore(%run_scoped3A : memref<!tpu.dma_semaphore, #tpu.memory_space<semaphore_mem>>) src(%arg10 : memref<125x32xf32, #tpu.memory_space<vmem>>) dst(%dma_wait3A_232 : memref<10000x32xf32, #tpu.memory_space<vmem_shared>>)
        tpu.yield
      }) : () -> ()
      %add3A_117 = arith.constant 8 : i32
      %add3A_118 = arith.addi %mul3A_70, %add3A_117 : i32
      %add3A_119 = arith.constant 2 : i32
      %add3A_120 = arith.addi %add3A_118, %add3A_119 : i32
      %lt3A_121 = arith.constant 160 : i32
      %lt3A_122 = arith.cmpi slt, %add3A_120, %lt3A_121 : i32
      %convert_element_type3A_123 = arith.extui %lt3A_122 : i1 to i32
      %cond3A_124 = arith.constant 0 : i32
      %cond3A_125 = arith.cmpi ne, %convert_element_type3A_123, %cond3A_124 : i32
      scf.if %cond3A_125 {
        %add3A_221 = arith.constant 8 : i32
        %add3A_222 = arith.addi %mul3A_70, %add3A_221 : i32
        %add3A_223 = arith.constant 2 : i32
        %add3A_224 = arith.addi %add3A_222, %add3A_223 : i32
        %dma_start3A_225 = arith.constant 0 : i32
        %dma_start3A_226 = tpu.memref_slice %arg6[%add3A_224, %dma_start3A_225] : memref<160x125xi32, #tpu.memory_space<vmem>> -> memref<1x125xi32, #tpu.memory_space<vmem>>
        %dma_start3A_227 = tpu.memref_squeeze %dma_start3A_226 : memref<1x125xi32, #tpu.memory_space<vmem>> -> memref<125xi32, #tpu.memory_space<vmem>>
        %dma_start3A_228 = arith.constant 0 : i32
        %dma_start3A_229 = arith.constant 0 : i32
        %dma_start3A_230 = tpu.memref_slice %arg2[%dma_start3A_228, %dma_start3A_229] : memref<10000x32xf32, #tpu.memory_space<hbm>> -> memref<10000x32xf32, #tpu.memory_space<hbm>>
        tpu.enqueue_indirect_dma source(%dma_start3A_230 : memref<10000x32xf32, #tpu.memory_space<hbm>>) target(%arg10 : memref<125x32xf32, #tpu.memory_space<vmem>>) offsets(%dma_start3A_227 : memref<125xi32, #tpu.memory_space<vmem>>) semaphore(%arg19 : memref<!tpu.dma_semaphore, #tpu.memory_space<semaphore_mem>>)
      } else {
      }
      %add3A_126 = arith.constant 3 : i32
      %add3A_127 = arith.addi %mul3A_70, %add3A_126 : i32
      %dma_wait3A_128 = arith.constant 0 : i32
      %dma_wait3A_129 = tpu.memref_slice %arg6[%add3A_127, %dma_wait3A_128] : memref<160x125xi32, #tpu.memory_space<vmem>> -> memref<1x125xi32, #tpu.memory_space<vmem>>
      %dma_wait3A_130 = tpu.memref_squeeze %dma_wait3A_129 : memref<1x125xi32, #tpu.memory_space<vmem>> -> memref<125xi32, #tpu.memory_space<vmem>>
      %dma_wait3A_131 = arith.constant 0 : i32
      %dma_wait3A_132 = arith.constant 0 : i32
      %dma_wait3A_133 = tpu.memref_slice %arg2[%dma_wait3A_131, %dma_wait3A_132] : memref<10000x32xf32, #tpu.memory_space<hbm>> -> memref<10000x32xf32, #tpu.memory_space<hbm>>
      tpu.wait_indirect_dma semaphore(%arg20 : memref<!tpu.dma_semaphore, #tpu.memory_space<semaphore_mem>>) src(%dma_wait3A_133 : memref<10000x32xf32, #tpu.memory_space<hbm>>) dst(%arg11 : memref<125x32xf32, #tpu.memory_space<vmem>>)
      %add3A_134 = arith.constant 3 : i32
      %add3A_135 = arith.addi %mul3A_70, %add3A_134 : i32
      "tpu.region"() ({
        %run_scoped3A = tpu.sem_alloc : memref<!tpu.dma_semaphore, #tpu.memory_space<semaphore_mem>>
        %dma_start3A_221 = arith.constant 0 : i32
        %dma_start3A_222 = tpu.memref_slice %arg7[%add3A_135, %dma_start3A_221] : memref<160x125xi32, #tpu.memory_space<vmem>> -> memref<1x125xi32, #tpu.memory_space<vmem>>
        %dma_start3A_223 = tpu.memref_squeeze %dma_start3A_222 : memref<1x125xi32, #tpu.memory_space<vmem>> -> memref<125xi32, #tpu.memory_space<vmem>>
        %dma_start3A_224 = arith.constant 0 : i32
        %dma_start3A_225 = arith.constant 0 : i32
        %dma_start3A_226 = tpu.memref_slice %arg16[%dma_start3A_224, %dma_start3A_225] : memref<10000x32xf32, #tpu.memory_space<vmem_shared>> -> memref<10000x32xf32, #tpu.memory_space<vmem_shared>>
        tpu.enqueue_indirect_dma source(%arg11 : memref<125x32xf32, #tpu.memory_space<vmem>>) target(%dma_start3A_226 : memref<10000x32xf32, #tpu.memory_space<vmem_shared>>) offsets(%dma_start3A_223 : memref<125xi32, #tpu.memory_space<vmem>>) semaphore(%run_scoped3A : memref<!tpu.dma_semaphore, #tpu.memory_space<semaphore_mem>>) {add = true}
        %dma_wait3A_227 = arith.constant 0 : i32
        %dma_wait3A_228 = tpu.memref_slice %arg7[%add3A_135, %dma_wait3A_227] : memref<160x125xi32, #tpu.memory_space<vmem>> -> memref<1x125xi32, #tpu.memory_space<vmem>>
        %dma_wait3A_229 = tpu.memref_squeeze %dma_wait3A_228 : memref<1x125xi32, #tpu.memory_space<vmem>> -> memref<125xi32, #tpu.memory_space<vmem>>
        %dma_wait3A_230 = arith.constant 0 : i32
        %dma_wait3A_231 = arith.constant 0 : i32
        %dma_wait3A_232 = tpu.memref_slice %arg16[%dma_wait3A_230, %dma_wait3A_231] : memref<10000x32xf32, #tpu.memory_space<vmem_shared>> -> memref<10000x32xf32, #tpu.memory_space<vmem_shared>>
        tpu.wait_indirect_dma semaphore(%run_scoped3A : memref<!tpu.dma_semaphore, #tpu.memory_space<semaphore_mem>>) src(%arg11 : memref<125x32xf32, #tpu.memory_space<vmem>>) dst(%dma_wait3A_232 : memref<10000x32xf32, #tpu.memory_space<vmem_shared>>)
        tpu.yield
      }) : () -> ()
      %add3A_136 = arith.constant 8 : i32
      %add3A_137 = arith.addi %mul3A_70, %add3A_136 : i32
      %add3A_138 = arith.constant 3 : i32
      %add3A_139 = arith.addi %add3A_137, %add3A_138 : i32
      %lt3A_140 = arith.constant 160 : i32
      %lt3A_141 = arith.cmpi slt, %add3A_139, %lt3A_140 : i32
      %convert_element_type3A_142 = arith.extui %lt3A_141 : i1 to i32
      %cond3A_143 = arith.constant 0 : i32
      %cond3A_144 = arith.cmpi ne, %convert_element_type3A_142, %cond3A_143 : i32
      scf.if %cond3A_144 {
        %add3A_221 = arith.constant 8 : i32
        %add3A_222 = arith.addi %mul3A_70, %add3A_221 : i32
        %add3A_223 = arith.constant 3 : i32
        %add3A_224 = arith.addi %add3A_222, %add3A_223 : i32
        %dma_start3A_225 = arith.constant 0 : i32
        %dma_start3A_226 = tpu.memref_slice %arg6[%add3A_224, %dma_start3A_225] : memref<160x125xi32, #tpu.memory_space<vmem>> -> memref<1x125xi32, #tpu.memory_space<vmem>>
        %dma_start3A_227 = tpu.memref_squeeze %dma_start3A_226 : memref<1x125xi32, #tpu.memory_space<vmem>> -> memref<125xi32, #tpu.memory_space<vmem>>
        %dma_start3A_228 = arith.constant 0 : i32
        %dma_start3A_229 = arith.constant 0 : i32
        %dma_start3A_230 = tpu.memref_slice %arg2[%dma_start3A_228, %dma_start3A_229] : memref<10000x32xf32, #tpu.memory_space<hbm>> -> memref<10000x32xf32, #tpu.memory_space<hbm>>
        tpu.enqueue_indirect_dma source(%dma_start3A_230 : memref<10000x32xf32, #tpu.memory_space<hbm>>) target(%arg11 : memref<125x32xf32, #tpu.memory_space<vmem>>) offsets(%dma_start3A_227 : memref<125xi32, #tpu.memory_space<vmem>>) semaphore(%arg20 : memref<!tpu.dma_semaphore, #tpu.memory_space<semaphore_mem>>)
      } else {
      }
      %add3A_145 = arith.constant 4 : i32
      %add3A_146 = arith.addi %mul3A_70, %add3A_145 : i32
      %dma_wait3A_147 = arith.constant 0 : i32
      %dma_wait3A_148 = tpu.memref_slice %arg6[%add3A_146, %dma_wait3A_147] : memref<160x125xi32, #tpu.memory_space<vmem>> -> memref<1x125xi32, #tpu.memory_space<vmem>>
      %dma_wait3A_149 = tpu.memref_squeeze %dma_wait3A_148 : memref<1x125xi32, #tpu.memory_space<vmem>> -> memref<125xi32, #tpu.memory_space<vmem>>
      %dma_wait3A_150 = arith.constant 0 : i32
      %dma_wait3A_151 = arith.constant 0 : i32
      %dma_wait3A_152 = tpu.memref_slice %arg2[%dma_wait3A_150, %dma_wait3A_151] : memref<10000x32xf32, #tpu.memory_space<hbm>> -> memref<10000x32xf32, #tpu.memory_space<hbm>>
      tpu.wait_indirect_dma semaphore(%arg21 : memref<!tpu.dma_semaphore, #tpu.memory_space<semaphore_mem>>) src(%dma_wait3A_152 : memref<10000x32xf32, #tpu.memory_space<hbm>>) dst(%arg12 : memref<125x32xf32, #tpu.memory_space<vmem>>)
      %add3A_153 = arith.constant 4 : i32
      %add3A_154 = arith.addi %mul3A_70, %add3A_153 : i32
      "tpu.region"() ({
        %run_scoped3A = tpu.sem_alloc : memref<!tpu.dma_semaphore, #tpu.memory_space<semaphore_mem>>
        %dma_start3A_221 = arith.constant 0 : i32
        %dma_start3A_222 = tpu.memref_slice %arg7[%add3A_154, %dma_start3A_221] : memref<160x125xi32, #tpu.memory_space<vmem>> -> memref<1x125xi32, #tpu.memory_space<vmem>>
        %dma_start3A_223 = tpu.memref_squeeze %dma_start3A_222 : memref<1x125xi32, #tpu.memory_space<vmem>> -> memref<125xi32, #tpu.memory_space<vmem>>
        %dma_start3A_224 = arith.constant 0 : i32
        %dma_start3A_225 = arith.constant 0 : i32
        %dma_start3A_226 = tpu.memref_slice %arg16[%dma_start3A_224, %dma_start3A_225] : memref<10000x32xf32, #tpu.memory_space<vmem_shared>> -> memref<10000x32xf32, #tpu.memory_space<vmem_shared>>
        tpu.enqueue_indirect_dma source(%arg12 : memref<125x32xf32, #tpu.memory_space<vmem>>) target(%dma_start3A_226 : memref<10000x32xf32, #tpu.memory_space<vmem_shared>>) offsets(%dma_start3A_223 : memref<125xi32, #tpu.memory_space<vmem>>) semaphore(%run_scoped3A : memref<!tpu.dma_semaphore, #tpu.memory_space<semaphore_mem>>) {add = true}
        %dma_wait3A_227 = arith.constant 0 : i32
        %dma_wait3A_228 = tpu.memref_slice %arg7[%add3A_154, %dma_wait3A_227] : memref<160x125xi32, #tpu.memory_space<vmem>> -> memref<1x125xi32, #tpu.memory_space<vmem>>
        %dma_wait3A_229 = tpu.memref_squeeze %dma_wait3A_228 : memref<1x125xi32, #tpu.memory_space<vmem>> -> memref<125xi32, #tpu.memory_space<vmem>>
        %dma_wait3A_230 = arith.constant 0 : i32
        %dma_wait3A_231 = arith.constant 0 : i32
        %dma_wait3A_232 = tpu.memref_slice %arg16[%dma_wait3A_230, %dma_wait3A_231] : memref<10000x32xf32, #tpu.memory_space<vmem_shared>> -> memref<10000x32xf32, #tpu.memory_space<vmem_shared>>
        tpu.wait_indirect_dma semaphore(%run_scoped3A : memref<!tpu.dma_semaphore, #tpu.memory_space<semaphore_mem>>) src(%arg12 : memref<125x32xf32, #tpu.memory_space<vmem>>) dst(%dma_wait3A_232 : memref<10000x32xf32, #tpu.memory_space<vmem_shared>>)
        tpu.yield
      }) : () -> ()
      %add3A_155 = arith.constant 8 : i32
      %add3A_156 = arith.addi %mul3A_70, %add3A_155 : i32
      %add3A_157 = arith.constant 4 : i32
      %add3A_158 = arith.addi %add3A_156, %add3A_157 : i32
      %lt3A_159 = arith.constant 160 : i32
      %lt3A_160 = arith.cmpi slt, %add3A_158, %lt3A_159 : i32
      %convert_element_type3A_161 = arith.extui %lt3A_160 : i1 to i32
      %cond3A_162 = arith.constant 0 : i32
      %cond3A_163 = arith.cmpi ne, %convert_element_type3A_161, %cond3A_162 : i32
      scf.if %cond3A_163 {
        %add3A_221 = arith.constant 8 : i32
        %add3A_222 = arith.addi %mul3A_70, %add3A_221 : i32
        %add3A_223 = arith.constant 4 : i32
        %add3A_224 = arith.addi %add3A_222, %add3A_223 : i32
        %dma_start3A_225 = arith.constant 0 : i32
        %dma_start3A_226 = tpu.memref_slice %arg6[%add3A_224, %dma_start3A_225] : memref<160x125xi32, #tpu.memory_space<vmem>> -> memref<1x125xi32, #tpu.memory_space<vmem>>
        %dma_start3A_227 = tpu.memref_squeeze %dma_start3A_226 : memref<1x125xi32, #tpu.memory_space<vmem>> -> memref<125xi32, #tpu.memory_space<vmem>>
        %dma_start3A_228 = arith.constant 0 : i32
        %dma_start3A_229 = arith.constant 0 : i32
        %dma_start3A_230 = tpu.memref_slice %arg2[%dma_start3A_228, %dma_start3A_229] : memref<10000x32xf32, #tpu.memory_space<hbm>> -> memref<10000x32xf32, #tpu.memory_space<hbm>>
        tpu.enqueue_indirect_dma source(%dma_start3A_230 : memref<10000x32xf32, #tpu.memory_space<hbm>>) target(%arg12 : memref<125x32xf32, #tpu.memory_space<vmem>>) offsets(%dma_start3A_227 : memref<125xi32, #tpu.memory_space<vmem>>) semaphore(%arg21 : memref<!tpu.dma_semaphore, #tpu.memory_space<semaphore_mem>>)
      } else {
      }
      %add3A_164 = arith.constant 5 : i32
      %add3A_165 = arith.addi %mul3A_70, %add3A_164 : i32
      %dma_wait3A_166 = arith.constant 0 : i32
      %dma_wait3A_167 = tpu.memref_slice %arg6[%add3A_165, %dma_wait3A_166] : memref<160x125xi32, #tpu.memory_space<vmem>> -> memref<1x125xi32, #tpu.memory_space<vmem>>
      %dma_wait3A_168 = tpu.memref_squeeze %dma_wait3A_167 : memref<1x125xi32, #tpu.memory_space<vmem>> -> memref<125xi32, #tpu.memory_space<vmem>>
      %dma_wait3A_169 = arith.constant 0 : i32
      %dma_wait3A_170 = arith.constant 0 : i32
      %dma_wait3A_171 = tpu.memref_slice %arg2[%dma_wait3A_169, %dma_wait3A_170] : memref<10000x32xf32, #tpu.memory_space<hbm>> -> memref<10000x32xf32, #tpu.memory_space<hbm>>
      tpu.wait_indirect_dma semaphore(%arg22 : memref<!tpu.dma_semaphore, #tpu.memory_space<semaphore_mem>>) src(%dma_wait3A_171 : memref<10000x32xf32, #tpu.memory_space<hbm>>) dst(%arg13 : memref<125x32xf32, #tpu.memory_space<vmem>>)
      %add3A_172 = arith.constant 5 : i32
      %add3A_173 = arith.addi %mul3A_70, %add3A_172 : i32
      "tpu.region"() ({
        %run_scoped3A = tpu.sem_alloc : memref<!tpu.dma_semaphore, #tpu.memory_space<semaphore_mem>>
        %dma_start3A_221 = arith.constant 0 : i32
        %dma_start3A_222 = tpu.memref_slice %arg7[%add3A_173, %dma_start3A_221] : memref<160x125xi32, #tpu.memory_space<vmem>> -> memref<1x125xi32, #tpu.memory_space<vmem>>
        %dma_start3A_223 = tpu.memref_squeeze %dma_start3A_222 : memref<1x125xi32, #tpu.memory_space<vmem>> -> memref<125xi32, #tpu.memory_space<vmem>>
        %dma_start3A_224 = arith.constant 0 : i32
        %dma_start3A_225 = arith.constant 0 : i32
        %dma_start3A_226 = tpu.memref_slice %arg16[%dma_start3A_224, %dma_start3A_225] : memref<10000x32xf32, #tpu.memory_space<vmem_shared>> -> memref<10000x32xf32, #tpu.memory_space<vmem_shared>>
        tpu.enqueue_indirect_dma source(%arg13 : memref<125x32xf32, #tpu.memory_space<vmem>>) target(%dma_start3A_226 : memref<10000x32xf32, #tpu.memory_space<vmem_shared>>) offsets(%dma_start3A_223 : memref<125xi32, #tpu.memory_space<vmem>>) semaphore(%run_scoped3A : memref<!tpu.dma_semaphore, #tpu.memory_space<semaphore_mem>>) {add = true}
        %dma_wait3A_227 = arith.constant 0 : i32
        %dma_wait3A_228 = tpu.memref_slice %arg7[%add3A_173, %dma_wait3A_227] : memref<160x125xi32, #tpu.memory_space<vmem>> -> memref<1x125xi32, #tpu.memory_space<vmem>>
        %dma_wait3A_229 = tpu.memref_squeeze %dma_wait3A_228 : memref<1x125xi32, #tpu.memory_space<vmem>> -> memref<125xi32, #tpu.memory_space<vmem>>
        %dma_wait3A_230 = arith.constant 0 : i32
        %dma_wait3A_231 = arith.constant 0 : i32
        %dma_wait3A_232 = tpu.memref_slice %arg16[%dma_wait3A_230, %dma_wait3A_231] : memref<10000x32xf32, #tpu.memory_space<vmem_shared>> -> memref<10000x32xf32, #tpu.memory_space<vmem_shared>>
        tpu.wait_indirect_dma semaphore(%run_scoped3A : memref<!tpu.dma_semaphore, #tpu.memory_space<semaphore_mem>>) src(%arg13 : memref<125x32xf32, #tpu.memory_space<vmem>>) dst(%dma_wait3A_232 : memref<10000x32xf32, #tpu.memory_space<vmem_shared>>)
        tpu.yield
      }) : () -> ()
      %add3A_174 = arith.constant 8 : i32
      %add3A_175 = arith.addi %mul3A_70, %add3A_174 : i32
      %add3A_176 = arith.constant 5 : i32
      %add3A_177 = arith.addi %add3A_175, %add3A_176 : i32
      %lt3A_178 = arith.constant 160 : i32
      %lt3A_179 = arith.cmpi slt, %add3A_177, %lt3A_178 : i32
      %convert_element_type3A_180 = arith.extui %lt3A_179 : i1 to i32
      %cond3A_181 = arith.constant 0 : i32
      %cond3A_182 = arith.cmpi ne, %convert_element_type3A_180, %cond3A_181 : i32
      scf.if %cond3A_182 {
        %add3A_221 = arith.constant 8 : i32
        %add3A_222 = arith.addi %mul3A_70, %add3A_221 : i32
        %add3A_223 = arith.constant 5 : i32
        %add3A_224 = arith.addi %add3A_222, %add3A_223 : i32
        %dma_start3A_225 = arith.constant 0 : i32
        %dma_start3A_226 = tpu.memref_slice %arg6[%add3A_224, %dma_start3A_225] : memref<160x125xi32, #tpu.memory_space<vmem>> -> memref<1x125xi32, #tpu.memory_space<vmem>>
        %dma_start3A_227 = tpu.memref_squeeze %dma_start3A_226 : memref<1x125xi32, #tpu.memory_space<vmem>> -> memref<125xi32, #tpu.memory_space<vmem>>
        %dma_start3A_228 = arith.constant 0 : i32
        %dma_start3A_229 = arith.constant 0 : i32
        %dma_start3A_230 = tpu.memref_slice %arg2[%dma_start3A_228, %dma_start3A_229] : memref<10000x32xf32, #tpu.memory_space<hbm>> -> memref<10000x32xf32, #tpu.memory_space<hbm>>
        tpu.enqueue_indirect_dma source(%dma_start3A_230 : memref<10000x32xf32, #tpu.memory_space<hbm>>) target(%arg13 : memref<125x32xf32, #tpu.memory_space<vmem>>) offsets(%dma_start3A_227 : memref<125xi32, #tpu.memory_space<vmem>>) semaphore(%arg22 : memref<!tpu.dma_semaphore, #tpu.memory_space<semaphore_mem>>)
      } else {
      }
      %add3A_183 = arith.constant 6 : i32
      %add3A_184 = arith.addi %mul3A_70, %add3A_183 : i32
      %dma_wait3A_185 = arith.constant 0 : i32
      %dma_wait3A_186 = tpu.memref_slice %arg6[%add3A_184, %dma_wait3A_185] : memref<160x125xi32, #tpu.memory_space<vmem>> -> memref<1x125xi32, #tpu.memory_space<vmem>>
      %dma_wait3A_187 = tpu.memref_squeeze %dma_wait3A_186 : memref<1x125xi32, #tpu.memory_space<vmem>> -> memref<125xi32, #tpu.memory_space<vmem>>
      %dma_wait3A_188 = arith.constant 0 : i32
      %dma_wait3A_189 = arith.constant 0 : i32
      %dma_wait3A_190 = tpu.memref_slice %arg2[%dma_wait3A_188, %dma_wait3A_189] : memref<10000x32xf32, #tpu.memory_space<hbm>> -> memref<10000x32xf32, #tpu.memory_space<hbm>>
      tpu.wait_indirect_dma semaphore(%arg23 : memref<!tpu.dma_semaphore, #tpu.memory_space<semaphore_mem>>) src(%dma_wait3A_190 : memref<10000x32xf32, #tpu.memory_space<hbm>>) dst(%arg14 : memref<125x32xf32, #tpu.memory_space<vmem>>)
      %add3A_191 = arith.constant 6 : i32
      %add3A_192 = arith.addi %mul3A_70, %add3A_191 : i32
      "tpu.region"() ({
        %run_scoped3A = tpu.sem_alloc : memref<!tpu.dma_semaphore, #tpu.memory_space<semaphore_mem>>
        %dma_start3A_221 = arith.constant 0 : i32
        %dma_start3A_222 = tpu.memref_slice %arg7[%add3A_192, %dma_start3A_221] : memref<160x125xi32, #tpu.memory_space<vmem>> -> memref<1x125xi32, #tpu.memory_space<vmem>>
        %dma_start3A_223 = tpu.memref_squeeze %dma_start3A_222 : memref<1x125xi32, #tpu.memory_space<vmem>> -> memref<125xi32, #tpu.memory_space<vmem>>
        %dma_start3A_224 = arith.constant 0 : i32
        %dma_start3A_225 = arith.constant 0 : i32
        %dma_start3A_226 = tpu.memref_slice %arg16[%dma_start3A_224, %dma_start3A_225] : memref<10000x32xf32, #tpu.memory_space<vmem_shared>> -> memref<10000x32xf32, #tpu.memory_space<vmem_shared>>
        tpu.enqueue_indirect_dma source(%arg14 : memref<125x32xf32, #tpu.memory_space<vmem>>) target(%dma_start3A_226 : memref<10000x32xf32, #tpu.memory_space<vmem_shared>>) offsets(%dma_start3A_223 : memref<125xi32, #tpu.memory_space<vmem>>) semaphore(%run_scoped3A : memref<!tpu.dma_semaphore, #tpu.memory_space<semaphore_mem>>) {add = true}
        %dma_wait3A_227 = arith.constant 0 : i32
        %dma_wait3A_228 = tpu.memref_slice %arg7[%add3A_192, %dma_wait3A_227] : memref<160x125xi32, #tpu.memory_space<vmem>> -> memref<1x125xi32, #tpu.memory_space<vmem>>
        %dma_wait3A_229 = tpu.memref_squeeze %dma_wait3A_228 : memref<1x125xi32, #tpu.memory_space<vmem>> -> memref<125xi32, #tpu.memory_space<vmem>>
        %dma_wait3A_230 = arith.constant 0 : i32
        %dma_wait3A_231 = arith.constant 0 : i32
        %dma_wait3A_232 = tpu.memref_slice %arg16[%dma_wait3A_230, %dma_wait3A_231] : memref<10000x32xf32, #tpu.memory_space<vmem_shared>> -> memref<10000x32xf32, #tpu.memory_space<vmem_shared>>
        tpu.wait_indirect_dma semaphore(%run_scoped3A : memref<!tpu.dma_semaphore, #tpu.memory_space<semaphore_mem>>) src(%arg14 : memref<125x32xf32, #tpu.memory_space<vmem>>) dst(%dma_wait3A_232 : memref<10000x32xf32, #tpu.memory_space<vmem_shared>>)
        tpu.yield
      }) : () -> ()
      %add3A_193 = arith.constant 8 : i32
      %add3A_194 = arith.addi %mul3A_70, %add3A_193 : i32
      %add3A_195 = arith.constant 6 : i32
      %add3A_196 = arith.addi %add3A_194, %add3A_195 : i32
      %lt3A_197 = arith.constant 160 : i32
      %lt3A_198 = arith.cmpi slt, %add3A_196, %lt3A_197 : i32
      %convert_element_type3A_199 = arith.extui %lt3A_198 : i1 to i32
      %cond3A_200 = arith.constant 0 : i32
      %cond3A_201 = arith.cmpi ne, %convert_element_type3A_199, %cond3A_200 : i32
      scf.if %cond3A_201 {
        %add3A_221 = arith.constant 8 : i32
        %add3A_222 = arith.addi %mul3A_70, %add3A_221 : i32
        %add3A_223 = arith.constant 6 : i32
        %add3A_224 = arith.addi %add3A_222, %add3A_223 : i32
        %dma_start3A_225 = arith.constant 0 : i32
        %dma_start3A_226 = tpu.memref_slice %arg6[%add3A_224, %dma_start3A_225] : memref<160x125xi32, #tpu.memory_space<vmem>> -> memref<1x125xi32, #tpu.memory_space<vmem>>
        %dma_start3A_227 = tpu.memref_squeeze %dma_start3A_226 : memref<1x125xi32, #tpu.memory_space<vmem>> -> memref<125xi32, #tpu.memory_space<vmem>>
        %dma_start3A_228 = arith.constant 0 : i32
        %dma_start3A_229 = arith.constant 0 : i32
        %dma_start3A_230 = tpu.memref_slice %arg2[%dma_start3A_228, %dma_start3A_229] : memref<10000x32xf32, #tpu.memory_space<hbm>> -> memref<10000x32xf32, #tpu.memory_space<hbm>>
        tpu.enqueue_indirect_dma source(%dma_start3A_230 : memref<10000x32xf32, #tpu.memory_space<hbm>>) target(%arg14 : memref<125x32xf32, #tpu.memory_space<vmem>>) offsets(%dma_start3A_227 : memref<125xi32, #tpu.memory_space<vmem>>) semaphore(%arg23 : memref<!tpu.dma_semaphore, #tpu.memory_space<semaphore_mem>>)
      } else {
      }
      %add3A_202 = arith.constant 7 : i32
      %add3A_203 = arith.addi %mul3A_70, %add3A_202 : i32
      %dma_wait3A_204 = arith.constant 0 : i32
      %dma_wait3A_205 = tpu.memref_slice %arg6[%add3A_203, %dma_wait3A_204] : memref<160x125xi32, #tpu.memory_space<vmem>> -> memref<1x125xi32, #tpu.memory_space<vmem>>
      %dma_wait3A_206 = tpu.memref_squeeze %dma_wait3A_205 : memref<1x125xi32, #tpu.memory_space<vmem>> -> memref<125xi32, #tpu.memory_space<vmem>>
      %dma_wait3A_207 = arith.constant 0 : i32
      %dma_wait3A_208 = arith.constant 0 : i32
      %dma_wait3A_209 = tpu.memref_slice %arg2[%dma_wait3A_207, %dma_wait3A_208] : memref<10000x32xf32, #tpu.memory_space<hbm>> -> memref<10000x32xf32, #tpu.memory_space<hbm>>
      tpu.wait_indirect_dma semaphore(%arg24 : memref<!tpu.dma_semaphore, #tpu.memory_space<semaphore_mem>>) src(%dma_wait3A_209 : memref<10000x32xf32, #tpu.memory_space<hbm>>) dst(%arg15 : memref<125x32xf32, #tpu.memory_space<vmem>>)
      %add3A_210 = arith.constant 7 : i32
      %add3A_211 = arith.addi %mul3A_70, %add3A_210 : i32
      "tpu.region"() ({
        %run_scoped3A = tpu.sem_alloc : memref<!tpu.dma_semaphore, #tpu.memory_space<semaphore_mem>>
        %dma_start3A_221 = arith.constant 0 : i32
        %dma_start3A_222 = tpu.memref_slice %arg7[%add3A_211, %dma_start3A_221] : memref<160x125xi32, #tpu.memory_space<vmem>> -> memref<1x125xi32, #tpu.memory_space<vmem>>
        %dma_start3A_223 = tpu.memref_squeeze %dma_start3A_222 : memref<1x125xi32, #tpu.memory_space<vmem>> -> memref<125xi32, #tpu.memory_space<vmem>>
        %dma_start3A_224 = arith.constant 0 : i32
        %dma_start3A_225 = arith.constant 0 : i32
        %dma_start3A_226 = tpu.memref_slice %arg16[%dma_start3A_224, %dma_start3A_225] : memref<10000x32xf32, #tpu.memory_space<vmem_shared>> -> memref<10000x32xf32, #tpu.memory_space<vmem_shared>>
        tpu.enqueue_indirect_dma source(%arg15 : memref<125x32xf32, #tpu.memory_space<vmem>>) target(%dma_start3A_226 : memref<10000x32xf32, #tpu.memory_space<vmem_shared>>) offsets(%dma_start3A_223 : memref<125xi32, #tpu.memory_space<vmem>>) semaphore(%run_scoped3A : memref<!tpu.dma_semaphore, #tpu.memory_space<semaphore_mem>>) {add = true}
        %dma_wait3A_227 = arith.constant 0 : i32
        %dma_wait3A_228 = tpu.memref_slice %arg7[%add3A_211, %dma_wait3A_227] : memref<160x125xi32, #tpu.memory_space<vmem>> -> memref<1x125xi32, #tpu.memory_space<vmem>>
        %dma_wait3A_229 = tpu.memref_squeeze %dma_wait3A_228 : memref<1x125xi32, #tpu.memory_space<vmem>> -> memref<125xi32, #tpu.memory_space<vmem>>
        %dma_wait3A_230 = arith.constant 0 : i32
        %dma_wait3A_231 = arith.constant 0 : i32
        %dma_wait3A_232 = tpu.memref_slice %arg16[%dma_wait3A_230, %dma_wait3A_231] : memref<10000x32xf32, #tpu.memory_space<vmem_shared>> -> memref<10000x32xf32, #tpu.memory_space<vmem_shared>>
        tpu.wait_indirect_dma semaphore(%run_scoped3A : memref<!tpu.dma_semaphore, #tpu.memory_space<semaphore_mem>>) src(%arg15 : memref<125x32xf32, #tpu.memory_space<vmem>>) dst(%dma_wait3A_232 : memref<10000x32xf32, #tpu.memory_space<vmem_shared>>)
        tpu.yield
      }) : () -> ()
      %add3A_212 = arith.constant 8 : i32
      %add3A_213 = arith.addi %mul3A_70, %add3A_212 : i32
      %add3A_214 = arith.constant 7 : i32
      %add3A_215 = arith.addi %add3A_213, %add3A_214 : i32
      %lt3A_216 = arith.constant 160 : i32
      %lt3A_217 = arith.cmpi slt, %add3A_215, %lt3A_216 : i32
      %convert_element_type3A_218 = arith.extui %lt3A_217 : i1 to i32
      %cond3A_219 = arith.constant 0 : i32
      %cond3A_220 = arith.cmpi ne, %convert_element_type3A_218, %cond3A_219 : i32
      scf.if %cond3A_220 {
        %add3A_221 = arith.constant 8 : i32
        %add3A_222 = arith.addi %mul3A_70, %add3A_221 : i32
        %add3A_223 = arith.constant 7 : i32
        %add3A_224 = arith.addi %add3A_222, %add3A_223 : i32
        %dma_start3A_225 = arith.constant 0 : i32
        %dma_start3A_226 = tpu.memref_slice %arg6[%add3A_224, %dma_start3A_225] : memref<160x125xi32, #tpu.memory_space<vmem>> -> memref<1x125xi32, #tpu.memory_space<vmem>>
        %dma_start3A_227 = tpu.memref_squeeze %dma_start3A_226 : memref<1x125xi32, #tpu.memory_space<vmem>> -> memref<125xi32, #tpu.memory_space<vmem>>
        %dma_start3A_228 = arith.constant 0 : i32
        %dma_start3A_229 = arith.constant 0 : i32
        %dma_start3A_230 = tpu.memref_slice %arg2[%dma_start3A_228, %dma_start3A_229] : memref<10000x32xf32, #tpu.memory_space<hbm>> -> memref<10000x32xf32, #tpu.memory_space<hbm>>
        tpu.enqueue_indirect_dma source(%dma_start3A_230 : memref<10000x32xf32, #tpu.memory_space<hbm>>) target(%arg15 : memref<125x32xf32, #tpu.memory_space<vmem>>) offsets(%dma_start3A_227 : memref<125xi32, #tpu.memory_space<vmem>>) semaphore(%arg24 : memref<!tpu.dma_semaphore, #tpu.memory_space<semaphore_mem>>)
      } else {
      }
    }
    %scan3A_62 = arith.constant 20 : i32
    %barrier3A_63 = arith.constant 0 : index
    tpu.barrier barrier_id(%barrier3A_63)
    %lt3A_64 = arith.constant 10 : i32
    %lt3A_65 = arith.cmpi slt, %arg1, %lt3A_64 : i32
    %convert_element_type3A_66 = arith.extui %lt3A_65 : i1 to i32
    %cond3A_67 = arith.constant 0 : i32
    %cond3A_68 = arith.cmpi ne, %convert_element_type3A_66, %cond3A_67 : i32
    scf.if %cond3A_68 {
      %mul3A = arith.constant 1000 : i32
      %mul3A_69 = arith.muli %arg1, %mul3A : i32
      %mul3A_70 = arith.constant 1000 : i32
      %mul3A_71 = arith.muli %arg1, %mul3A_70 : i32
      "tpu.region"() ({
        %run_scoped3A = tpu.sem_alloc : memref<!tpu.dma_semaphore, #tpu.memory_space<semaphore_mem>>
        %dma_start3A_72 = arith.constant 0 : i32
        %dma_start3A_73 = tpu.memref_slice %arg5[%arg0, %mul3A_71, %dma_start3A_72] : memref<2x10000x32xf32, #tpu.memory_space<hbm>> -> memref<1x1000x32xf32, #tpu.memory_space<hbm>>
        %dma_start3A_74 = tpu.memref_squeeze %dma_start3A_73 : memref<1x1000x32xf32, #tpu.memory_space<hbm>> -> memref<1000x32xf32, #tpu.memory_space<hbm>>
        %dma_start3A_75 = arith.constant 0 : i32
        %dma_start3A_76 = tpu.memref_slice %arg16[%mul3A_69, %dma_start3A_75] : memref<10000x32xf32, #tpu.memory_space<vmem_shared>> -> memref<1000x32xf32, #tpu.memory_space<vmem_shared>>
        tpu.enqueue_dma source(%dma_start3A_76 : memref<1000x32xf32, #tpu.memory_space<vmem_shared>>) target(%dma_start3A_74 : memref<1000x32xf32, #tpu.memory_space<hbm>>) target_semaphore(%run_scoped3A : memref<!tpu.dma_semaphore, #tpu.memory_space<semaphore_mem>>)
        %dma_wait3A = arith.constant 0 : i32
        %dma_wait3A_77 = tpu.memref_slice %arg5[%arg0, %mul3A_71, %dma_wait3A] : memref<2x10000x32xf32, #tpu.memory_space<hbm>> -> memref<1x1000x32xf32, #tpu.memory_space<hbm>>
        %dma_wait3A_78 = tpu.memref_squeeze %dma_wait3A_77 : memref<1x1000x32xf32, #tpu.memory_space<hbm>> -> memref<1000x32xf32, #tpu.memory_space<hbm>>
        %dma_wait3A_79 = arith.constant 0 : i32
        %dma_wait3A_80 = tpu.memref_slice %arg16[%mul3A_69, %dma_wait3A_79] : memref<10000x32xf32, #tpu.memory_space<vmem_shared>> -> memref<1000x32xf32, #tpu.memory_space<vmem_shared>>
        tpu.wait_dma2 semaphore(%run_scoped3A : memref<!tpu.dma_semaphore, #tpu.memory_space<semaphore_mem>>) src(%dma_wait3A_80 : memref<1000x32xf32, #tpu.memory_space<vmem_shared>>) dst(%dma_wait3A_78 : memref<1000x32xf32, #tpu.memory_space<hbm>>)
        tpu.yield
      }) : () -> ()
    } else {
    }
    return
  }
}

#map = affine_map<(d0, d1) -> (0, 0)>
#map1 = affine_map<(d0, d1) -> (0, 0, 0, 0)>
#map2 = affine_map<(d0, d1) -> (0, 0, 0)>
module attributes {stable_mosaic.version = 14 : i64} {
  func.func @_sc_pass(%arg0: i32, %arg1: i32, %arg2: memref<10000x16xf32, #tpu.memory_space<hbm>>, %arg3: memref<2x16x160x125xi32, #tpu.memory_space<hbm>>, %arg4: memref<10000x16xf32, #tpu.memory_space<hbm>>, %arg5: memref<2x10000x16xf32, #tpu.memory_space<hbm>>, %arg6: memref<160x125xi32, #tpu.memory_space<vmem>>, %arg7: memref<160x125xi32, #tpu.memory_space<vmem>>, %arg8: memref<125x16xf32, #tpu.memory_space<vmem>>, %arg9: memref<125x16xf32, #tpu.memory_space<vmem>>, %arg10: memref<125x16xf32, #tpu.memory_space<vmem>>, %arg11: memref<125x16xf32, #tpu.memory_space<vmem>>, %arg12: memref<125x16xf32, #tpu.memory_space<vmem>>, %arg13: memref<125x16xf32, #tpu.memory_space<vmem>>, %arg14: memref<125x16xf32, #tpu.memory_space<vmem>>, %arg15: memref<125x16xf32, #tpu.memory_space<vmem>>, %arg16: memref<10000x16xf32, #tpu.memory_space<vmem_shared>>, %arg17: memref<!tpu.dma_semaphore, #tpu.memory_space<semaphore_mem>>, %arg18: memref<!tpu.dma_semaphore, #tpu.memory_space<semaphore_mem>>, %arg19: memref<!tpu.dma_semaphore, #tpu.memory_space<semaphore_mem>>, %arg20: memref<!tpu.dma_semaphore, #tpu.memory_space<semaphore_mem>>, %arg21: memref<!tpu.dma_semaphore, #tpu.memory_space<semaphore_mem>>, %arg22: memref<!tpu.dma_semaphore, #tpu.memory_space<semaphore_mem>>, %arg23: memref<!tpu.dma_semaphore, #tpu.memory_space<semaphore_mem>>, %arg24: memref<!tpu.dma_semaphore, #tpu.memory_space<semaphore_mem>>) attributes {dimension_semantics = [#tpu.dimension_semantics<core_parallel>, #tpu.dimension_semantics<subcore_parallel>], iteration_bounds = array<i64: 2, 16>, scalar_prefetch = 0 : i64, scratch_operands = 19 : i64, tpu.core_type = #tpu.core_type<sc_vector_subcore>, window_params = [{transform_indices = #map}, {transform_indices = #map1}, {transform_indices = #map}, {transform_indices = #map2}]} {
    %lt3A = arith.constant 10 : i32
    %lt3A_0 = arith.cmpi slt, %arg1, %lt3A : i32
    %convert_element_type3A = arith.extui %lt3A_0 : i1 to i32
    %cond3A = arith.constant 0 : i32
    %cond3A_1 = arith.cmpi ne, %convert_element_type3A, %cond3A : i32
    scf.if %cond3A_1 {
      %mul3A = arith.constant 1000 : i32
      %mul3A_69 = arith.muli %arg1, %mul3A : i32
      %mul3A_70 = arith.constant 1000 : i32
      %mul3A_71 = arith.muli %arg1, %mul3A_70 : i32
      "tpu.region"() ({
        %run_scoped3A = tpu.sem_alloc : memref<!tpu.dma_semaphore, #tpu.memory_space<semaphore_mem>>
        %dma_start3A_72 = arith.constant 0 : i32
        %dma_start3A_73 = tpu.memref_slice %arg16[%mul3A_71, %dma_start3A_72] : memref<10000x16xf32, #tpu.memory_space<vmem_shared>> -> memref<1000x16xf32, #tpu.memory_space<vmem_shared>>
        %dma_start3A_74 = arith.constant 0 : i32
        %dma_start3A_75 = tpu.memref_slice %arg4[%mul3A_69, %dma_start3A_74] : memref<10000x16xf32, #tpu.memory_space<hbm>> -> memref<1000x16xf32, #tpu.memory_space<hbm>>
        tpu.enqueue_dma source(%dma_start3A_75 : memref<1000x16xf32, #tpu.memory_space<hbm>>) target(%dma_start3A_73 : memref<1000x16xf32, #tpu.memory_space<vmem_shared>>) target_semaphore(%run_scoped3A : memref<!tpu.dma_semaphore, #tpu.memory_space<semaphore_mem>>)
        %dma_wait3A = arith.constant 0 : i32
        %dma_wait3A_76 = tpu.memref_slice %arg16[%mul3A_71, %dma_wait3A] : memref<10000x16xf32, #tpu.memory_space<vmem_shared>> -> memref<1000x16xf32, #tpu.memory_space<vmem_shared>>
        %dma_wait3A_77 = arith.constant 0 : i32
        %dma_wait3A_78 = tpu.memref_slice %arg4[%mul3A_69, %dma_wait3A_77] : memref<10000x16xf32, #tpu.memory_space<hbm>> -> memref<1000x16xf32, #tpu.memory_space<hbm>>
        tpu.wait_dma2 semaphore(%run_scoped3A : memref<!tpu.dma_semaphore, #tpu.memory_space<semaphore_mem>>) src(%dma_wait3A_78 : memref<1000x16xf32, #tpu.memory_space<hbm>>) dst(%dma_wait3A_76 : memref<1000x16xf32, #tpu.memory_space<vmem_shared>>)
        tpu.yield
      }) : () -> ()
    } else {
    }
    "tpu.region"() ({
      %run_scoped3A = tpu.sem_alloc : memref<!tpu.dma_semaphore, #tpu.memory_space<semaphore_mem>>
      %dma_start3A_69 = arith.constant 0 : i32
      %dma_start3A_70 = arith.constant 0 : i32
      %dma_start3A_71 = tpu.memref_slice %arg3[%arg0, %arg1, %dma_start3A_69, %dma_start3A_70] : memref<2x16x160x125xi32, #tpu.memory_space<hbm>> -> memref<1x1x160x125xi32, #tpu.memory_space<hbm>>
      %dma_start3A_72 = tpu.memref_squeeze %dma_start3A_71 : memref<1x1x160x125xi32, #tpu.memory_space<hbm>> -> memref<160x125xi32, #tpu.memory_space<hbm>>
      %dma_start3A_73 = arith.constant 0 : i32
      %dma_start3A_74 = arith.constant 0 : i32
      %dma_start3A_75 = tpu.memref_slice %arg3[%arg0, %arg1, %dma_start3A_73, %dma_start3A_74] : memref<2x16x160x125xi32, #tpu.memory_space<hbm>> -> memref<1x1x160x125xi32, #tpu.memory_space<hbm>>
      %dma_start3A_76 = tpu.memref_squeeze %dma_start3A_75 : memref<1x1x160x125xi32, #tpu.memory_space<hbm>> -> memref<160x125xi32, #tpu.memory_space<hbm>>
      tpu.enqueue_dma source(%dma_start3A_76 : memref<160x125xi32, #tpu.memory_space<hbm>>) target(%arg6 : memref<160x125xi32, #tpu.memory_space<vmem>>) target_semaphore(%run_scoped3A : memref<!tpu.dma_semaphore, #tpu.memory_space<semaphore_mem>>)
      %dma_wait3A = arith.constant 0 : i32
      %dma_wait3A_77 = arith.constant 0 : i32
      %dma_wait3A_78 = tpu.memref_slice %arg3[%arg0, %arg1, %dma_wait3A, %dma_wait3A_77] : memref<2x16x160x125xi32, #tpu.memory_space<hbm>> -> memref<1x1x160x125xi32, #tpu.memory_space<hbm>>
      %dma_wait3A_79 = tpu.memref_squeeze %dma_wait3A_78 : memref<1x1x160x125xi32, #tpu.memory_space<hbm>> -> memref<160x125xi32, #tpu.memory_space<hbm>>
      %dma_wait3A_80 = arith.constant 0 : i32
      %dma_wait3A_81 = arith.constant 0 : i32
      %dma_wait3A_82 = tpu.memref_slice %arg3[%arg0, %arg1, %dma_wait3A_80, %dma_wait3A_81] : memref<2x16x160x125xi32, #tpu.memory_space<hbm>> -> memref<1x1x160x125xi32, #tpu.memory_space<hbm>>
      %dma_wait3A_83 = tpu.memref_squeeze %dma_wait3A_82 : memref<1x1x160x125xi32, #tpu.memory_space<hbm>> -> memref<160x125xi32, #tpu.memory_space<hbm>>
      tpu.wait_dma2 semaphore(%run_scoped3A : memref<!tpu.dma_semaphore, #tpu.memory_space<semaphore_mem>>) src(%dma_wait3A_83 : memref<160x125xi32, #tpu.memory_space<hbm>>) dst(%arg6 : memref<160x125xi32, #tpu.memory_space<vmem>>)
      tpu.yield
    }) : () -> ()
    %sub3A = arith.constant 1 : i32
    %sub3A_2 = arith.subi %sub3A, %arg0 : i32
    "tpu.region"() ({
      %run_scoped3A = tpu.sem_alloc : memref<!tpu.dma_semaphore, #tpu.memory_space<semaphore_mem>>
      %dma_start3A_69 = arith.constant 0 : i32
      %dma_start3A_70 = arith.constant 0 : i32
      %dma_start3A_71 = tpu.memref_slice %arg3[%sub3A_2, %arg1, %dma_start3A_69, %dma_start3A_70] : memref<2x16x160x125xi32, #tpu.memory_space<hbm>> -> memref<1x1x160x125xi32, #tpu.memory_space<hbm>>
      %dma_start3A_72 = tpu.memref_squeeze %dma_start3A_71 : memref<1x1x160x125xi32, #tpu.memory_space<hbm>> -> memref<160x125xi32, #tpu.memory_space<hbm>>
      %dma_start3A_73 = arith.constant 0 : i32
      %dma_start3A_74 = arith.constant 0 : i32
      %dma_start3A_75 = tpu.memref_slice %arg3[%sub3A_2, %arg1, %dma_start3A_73, %dma_start3A_74] : memref<2x16x160x125xi32, #tpu.memory_space<hbm>> -> memref<1x1x160x125xi32, #tpu.memory_space<hbm>>
      %dma_start3A_76 = tpu.memref_squeeze %dma_start3A_75 : memref<1x1x160x125xi32, #tpu.memory_space<hbm>> -> memref<160x125xi32, #tpu.memory_space<hbm>>
      tpu.enqueue_dma source(%dma_start3A_76 : memref<160x125xi32, #tpu.memory_space<hbm>>) target(%arg7 : memref<160x125xi32, #tpu.memory_space<vmem>>) target_semaphore(%run_scoped3A : memref<!tpu.dma_semaphore, #tpu.memory_space<semaphore_mem>>)
      %dma_wait3A = arith.constant 0 : i32
      %dma_wait3A_77 = arith.constant 0 : i32
      %dma_wait3A_78 = tpu.memref_slice %arg3[%sub3A_2, %arg1, %dma_wait3A, %dma_wait3A_77] : memref<2x16x160x125xi32, #tpu.memory_space<hbm>> -> memref<1x1x160x125xi32, #tpu.memory_space<hbm>>
      %dma_wait3A_79 = tpu.memref_squeeze %dma_wait3A_78 : memref<1x1x160x125xi32, #tpu.memory_space<hbm>> -> memref<160x125xi32, #tpu.memory_space<hbm>>
      %dma_wait3A_80 = arith.constant 0 : i32
      %dma_wait3A_81 = arith.constant 0 : i32
      %dma_wait3A_82 = tpu.memref_slice %arg3[%sub3A_2, %arg1, %dma_wait3A_80, %dma_wait3A_81] : memref<2x16x160x125xi32, #tpu.memory_space<hbm>> -> memref<1x1x160x125xi32, #tpu.memory_space<hbm>>
      %dma_wait3A_83 = tpu.memref_squeeze %dma_wait3A_82 : memref<1x1x160x125xi32, #tpu.memory_space<hbm>> -> memref<160x125xi32, #tpu.memory_space<hbm>>
      tpu.wait_dma2 semaphore(%run_scoped3A : memref<!tpu.dma_semaphore, #tpu.memory_space<semaphore_mem>>) src(%dma_wait3A_83 : memref<160x125xi32, #tpu.memory_space<hbm>>) dst(%arg7 : memref<160x125xi32, #tpu.memory_space<vmem>>)
      tpu.yield
    }) : () -> ()
    %barrier3A = arith.constant 0 : index
    tpu.barrier barrier_id(%barrier3A)
    %dma_start3A = arith.constant 0 : i32
    %dma_start3A_3 = arith.constant 0 : i32
    %dma_start3A_4 = tpu.memref_slice %arg6[%dma_start3A, %dma_start3A_3] : memref<160x125xi32, #tpu.memory_space<vmem>> -> memref<1x125xi32, #tpu.memory_space<vmem>>
    %dma_start3A_5 = tpu.memref_squeeze %dma_start3A_4 : memref<1x125xi32, #tpu.memory_space<vmem>> -> memref<125xi32, #tpu.memory_space<vmem>>
    %dma_start3A_6 = arith.constant 0 : i32
    %dma_start3A_7 = arith.constant 0 : i32
    %dma_start3A_8 = tpu.memref_slice %arg2[%dma_start3A_6, %dma_start3A_7] : memref<10000x16xf32, #tpu.memory_space<hbm>> -> memref<10000x16xf32, #tpu.memory_space<hbm>>
    tpu.enqueue_indirect_dma source(%dma_start3A_8 : memref<10000x16xf32, #tpu.memory_space<hbm>>) target(%arg8 : memref<125x16xf32, #tpu.memory_space<vmem>>) offsets(%dma_start3A_5 : memref<125xi32, #tpu.memory_space<vmem>>) semaphore(%arg17 : memref<!tpu.dma_semaphore, #tpu.memory_space<semaphore_mem>>)
    %dma_start3A_9 = arith.constant 1 : i32
    %dma_start3A_10 = arith.constant 0 : i32
    %dma_start3A_11 = tpu.memref_slice %arg6[%dma_start3A_9, %dma_start3A_10] : memref<160x125xi32, #tpu.memory_space<vmem>> -> memref<1x125xi32, #tpu.memory_space<vmem>>
    %dma_start3A_12 = tpu.memref_squeeze %dma_start3A_11 : memref<1x125xi32, #tpu.memory_space<vmem>> -> memref<125xi32, #tpu.memory_space<vmem>>
    %dma_start3A_13 = arith.constant 0 : i32
    %dma_start3A_14 = arith.constant 0 : i32
    %dma_start3A_15 = tpu.memref_slice %arg2[%dma_start3A_13, %dma_start3A_14] : memref<10000x16xf32, #tpu.memory_space<hbm>> -> memref<10000x16xf32, #tpu.memory_space<hbm>>
    tpu.enqueue_indirect_dma source(%dma_start3A_15 : memref<10000x16xf32, #tpu.memory_space<hbm>>) target(%arg9 : memref<125x16xf32, #tpu.memory_space<vmem>>) offsets(%dma_start3A_12 : memref<125xi32, #tpu.memory_space<vmem>>) semaphore(%arg18 : memref<!tpu.dma_semaphore, #tpu.memory_space<semaphore_mem>>)
    %dma_start3A_16 = arith.constant 2 : i32
    %dma_start3A_17 = arith.constant 0 : i32
    %dma_start3A_18 = tpu.memref_slice %arg6[%dma_start3A_16, %dma_start3A_17] : memref<160x125xi32, #tpu.memory_space<vmem>> -> memref<1x125xi32, #tpu.memory_space<vmem>>
    %dma_start3A_19 = tpu.memref_squeeze %dma_start3A_18 : memref<1x125xi32, #tpu.memory_space<vmem>> -> memref<125xi32, #tpu.memory_space<vmem>>
    %dma_start3A_20 = arith.constant 0 : i32
    %dma_start3A_21 = arith.constant 0 : i32
    %dma_start3A_22 = tpu.memref_slice %arg2[%dma_start3A_20, %dma_start3A_21] : memref<10000x16xf32, #tpu.memory_space<hbm>> -> memref<10000x16xf32, #tpu.memory_space<hbm>>
    tpu.enqueue_indirect_dma source(%dma_start3A_22 : memref<10000x16xf32, #tpu.memory_space<hbm>>) target(%arg10 : memref<125x16xf32, #tpu.memory_space<vmem>>) offsets(%dma_start3A_19 : memref<125xi32, #tpu.memory_space<vmem>>) semaphore(%arg19 : memref<!tpu.dma_semaphore, #tpu.memory_space<semaphore_mem>>)
    %dma_start3A_23 = arith.constant 3 : i32
    %dma_start3A_24 = arith.constant 0 : i32
    %dma_start3A_25 = tpu.memref_slice %arg6[%dma_start3A_23, %dma_start3A_24] : memref<160x125xi32, #tpu.memory_space<vmem>> -> memref<1x125xi32, #tpu.memory_space<vmem>>
    %dma_start3A_26 = tpu.memref_squeeze %dma_start3A_25 : memref<1x125xi32, #tpu.memory_space<vmem>> -> memref<125xi32, #tpu.memory_space<vmem>>
    %dma_start3A_27 = arith.constant 0 : i32
    %dma_start3A_28 = arith.constant 0 : i32
    %dma_start3A_29 = tpu.memref_slice %arg2[%dma_start3A_27, %dma_start3A_28] : memref<10000x16xf32, #tpu.memory_space<hbm>> -> memref<10000x16xf32, #tpu.memory_space<hbm>>
    tpu.enqueue_indirect_dma source(%dma_start3A_29 : memref<10000x16xf32, #tpu.memory_space<hbm>>) target(%arg11 : memref<125x16xf32, #tpu.memory_space<vmem>>) offsets(%dma_start3A_26 : memref<125xi32, #tpu.memory_space<vmem>>) semaphore(%arg20 : memref<!tpu.dma_semaphore, #tpu.memory_space<semaphore_mem>>)
    %dma_start3A_30 = arith.constant 4 : i32
    %dma_start3A_31 = arith.constant 0 : i32
    %dma_start3A_32 = tpu.memref_slice %arg6[%dma_start3A_30, %dma_start3A_31] : memref<160x125xi32, #tpu.memory_space<vmem>> -> memref<1x125xi32, #tpu.memory_space<vmem>>
    %dma_start3A_33 = tpu.memref_squeeze %dma_start3A_32 : memref<1x125xi32, #tpu.memory_space<vmem>> -> memref<125xi32, #tpu.memory_space<vmem>>
    %dma_start3A_34 = arith.constant 0 : i32
    %dma_start3A_35 = arith.constant 0 : i32
    %dma_start3A_36 = tpu.memref_slice %arg2[%dma_start3A_34, %dma_start3A_35] : memref<10000x16xf32, #tpu.memory_space<hbm>> -> memref<10000x16xf32, #tpu.memory_space<hbm>>
    tpu.enqueue_indirect_dma source(%dma_start3A_36 : memref<10000x16xf32, #tpu.memory_space<hbm>>) target(%arg12 : memref<125x16xf32, #tpu.memory_space<vmem>>) offsets(%dma_start3A_33 : memref<125xi32, #tpu.memory_space<vmem>>) semaphore(%arg21 : memref<!tpu.dma_semaphore, #tpu.memory_space<semaphore_mem>>)
    %dma_start3A_37 = arith.constant 5 : i32
    %dma_start3A_38 = arith.constant 0 : i32
    %dma_start3A_39 = tpu.memref_slice %arg6[%dma_start3A_37, %dma_start3A_38] : memref<160x125xi32, #tpu.memory_space<vmem>> -> memref<1x125xi32, #tpu.memory_space<vmem>>
    %dma_start3A_40 = tpu.memref_squeeze %dma_start3A_39 : memref<1x125xi32, #tpu.memory_space<vmem>> -> memref<125xi32, #tpu.memory_space<vmem>>
    %dma_start3A_41 = arith.constant 0 : i32
    %dma_start3A_42 = arith.constant 0 : i32
    %dma_start3A_43 = tpu.memref_slice %arg2[%dma_start3A_41, %dma_start3A_42] : memref<10000x16xf32, #tpu.memory_space<hbm>> -> memref<10000x16xf32, #tpu.memory_space<hbm>>
    tpu.enqueue_indirect_dma source(%dma_start3A_43 : memref<10000x16xf32, #tpu.memory_space<hbm>>) target(%arg13 : memref<125x16xf32, #tpu.memory_space<vmem>>) offsets(%dma_start3A_40 : memref<125xi32, #tpu.memory_space<vmem>>) semaphore(%arg22 : memref<!tpu.dma_semaphore, #tpu.memory_space<semaphore_mem>>)
    %dma_start3A_44 = arith.constant 6 : i32
    %dma_start3A_45 = arith.constant 0 : i32
    %dma_start3A_46 = tpu.memref_slice %arg6[%dma_start3A_44, %dma_start3A_45] : memref<160x125xi32, #tpu.memory_space<vmem>> -> memref<1x125xi32, #tpu.memory_space<vmem>>
    %dma_start3A_47 = tpu.memref_squeeze %dma_start3A_46 : memref<1x125xi32, #tpu.memory_space<vmem>> -> memref<125xi32, #tpu.memory_space<vmem>>
    %dma_start3A_48 = arith.constant 0 : i32
    %dma_start3A_49 = arith.constant 0 : i32
    %dma_start3A_50 = tpu.memref_slice %arg2[%dma_start3A_48, %dma_start3A_49] : memref<10000x16xf32, #tpu.memory_space<hbm>> -> memref<10000x16xf32, #tpu.memory_space<hbm>>
    tpu.enqueue_indirect_dma source(%dma_start3A_50 : memref<10000x16xf32, #tpu.memory_space<hbm>>) target(%arg14 : memref<125x16xf32, #tpu.memory_space<vmem>>) offsets(%dma_start3A_47 : memref<125xi32, #tpu.memory_space<vmem>>) semaphore(%arg23 : memref<!tpu.dma_semaphore, #tpu.memory_space<semaphore_mem>>)
    %dma_start3A_51 = arith.constant 7 : i32
    %dma_start3A_52 = arith.constant 0 : i32
    %dma_start3A_53 = tpu.memref_slice %arg6[%dma_start3A_51, %dma_start3A_52] : memref<160x125xi32, #tpu.memory_space<vmem>> -> memref<1x125xi32, #tpu.memory_space<vmem>>
    %dma_start3A_54 = tpu.memref_squeeze %dma_start3A_53 : memref<1x125xi32, #tpu.memory_space<vmem>> -> memref<125xi32, #tpu.memory_space<vmem>>
    %dma_start3A_55 = arith.constant 0 : i32
    %dma_start3A_56 = arith.constant 0 : i32
    %dma_start3A_57 = tpu.memref_slice %arg2[%dma_start3A_55, %dma_start3A_56] : memref<10000x16xf32, #tpu.memory_space<hbm>> -> memref<10000x16xf32, #tpu.memory_space<hbm>>
    tpu.enqueue_indirect_dma source(%dma_start3A_57 : memref<10000x16xf32, #tpu.memory_space<hbm>>) target(%arg15 : memref<125x16xf32, #tpu.memory_space<vmem>>) offsets(%dma_start3A_54 : memref<125xi32, #tpu.memory_space<vmem>>) semaphore(%arg24 : memref<!tpu.dma_semaphore, #tpu.memory_space<semaphore_mem>>)
    %scan3A = arith.constant 0 : i32
    %scan3A_58 = arith.constant 0 : i32
    %scan3A_59 = arith.constant 20 : i32
    %scan3A_60 = arith.addi %scan3A_58, %scan3A_59 : i32
    %scan3A_61 = arith.constant 1 : i32
    scf.for %scan3A_69 = %scan3A_58 to %scan3A_60 step %scan3A_61  : i32 {
      %mul3A = arith.constant 8 : i32
      %mul3A_70 = arith.muli %scan3A_69, %mul3A : i32
      %add3A = arith.constant 0 : i32
      %add3A_71 = arith.addi %mul3A_70, %add3A : i32
      %dma_wait3A = arith.constant 0 : i32
      %dma_wait3A_72 = tpu.memref_slice %arg6[%add3A_71, %dma_wait3A] : memref<160x125xi32, #tpu.memory_space<vmem>> -> memref<1x125xi32, #tpu.memory_space<vmem>>
      %dma_wait3A_73 = tpu.memref_squeeze %dma_wait3A_72 : memref<1x125xi32, #tpu.memory_space<vmem>> -> memref<125xi32, #tpu.memory_space<vmem>>
      %dma_wait3A_74 = arith.constant 0 : i32
      %dma_wait3A_75 = arith.constant 0 : i32
      %dma_wait3A_76 = tpu.memref_slice %arg2[%dma_wait3A_74, %dma_wait3A_75] : memref<10000x16xf32, #tpu.memory_space<hbm>> -> memref<10000x16xf32, #tpu.memory_space<hbm>>
      tpu.wait_indirect_dma semaphore(%arg17 : memref<!tpu.dma_semaphore, #tpu.memory_space<semaphore_mem>>) src(%dma_wait3A_76 : memref<10000x16xf32, #tpu.memory_space<hbm>>) dst(%arg8 : memref<125x16xf32, #tpu.memory_space<vmem>>)
      %add3A_77 = arith.constant 0 : i32
      %add3A_78 = arith.addi %mul3A_70, %add3A_77 : i32
      "tpu.region"() ({
        %run_scoped3A = tpu.sem_alloc : memref<!tpu.dma_semaphore, #tpu.memory_space<semaphore_mem>>
        %dma_start3A_221 = arith.constant 0 : i32
        %dma_start3A_222 = tpu.memref_slice %arg7[%add3A_78, %dma_start3A_221] : memref<160x125xi32, #tpu.memory_space<vmem>> -> memref<1x125xi32, #tpu.memory_space<vmem>>
        %dma_start3A_223 = tpu.memref_squeeze %dma_start3A_222 : memref<1x125xi32, #tpu.memory_space<vmem>> -> memref<125xi32, #tpu.memory_space<vmem>>
        %dma_start3A_224 = arith.constant 0 : i32
        %dma_start3A_225 = arith.constant 0 : i32
        %dma_start3A_226 = tpu.memref_slice %arg16[%dma_start3A_224, %dma_start3A_225] : memref<10000x16xf32, #tpu.memory_space<vmem_shared>> -> memref<10000x16xf32, #tpu.memory_space<vmem_shared>>
        tpu.enqueue_indirect_dma source(%arg8 : memref<125x16xf32, #tpu.memory_space<vmem>>) target(%dma_start3A_226 : memref<10000x16xf32, #tpu.memory_space<vmem_shared>>) offsets(%dma_start3A_223 : memref<125xi32, #tpu.memory_space<vmem>>) semaphore(%run_scoped3A : memref<!tpu.dma_semaphore, #tpu.memory_space<semaphore_mem>>) {add = true}
        %dma_wait3A_227 = arith.constant 0 : i32
        %dma_wait3A_228 = tpu.memref_slice %arg7[%add3A_78, %dma_wait3A_227] : memref<160x125xi32, #tpu.memory_space<vmem>> -> memref<1x125xi32, #tpu.memory_space<vmem>>
        %dma_wait3A_229 = tpu.memref_squeeze %dma_wait3A_228 : memref<1x125xi32, #tpu.memory_space<vmem>> -> memref<125xi32, #tpu.memory_space<vmem>>
        %dma_wait3A_230 = arith.constant 0 : i32
        %dma_wait3A_231 = arith.constant 0 : i32
        %dma_wait3A_232 = tpu.memref_slice %arg16[%dma_wait3A_230, %dma_wait3A_231] : memref<10000x16xf32, #tpu.memory_space<vmem_shared>> -> memref<10000x16xf32, #tpu.memory_space<vmem_shared>>
        tpu.wait_indirect_dma semaphore(%run_scoped3A : memref<!tpu.dma_semaphore, #tpu.memory_space<semaphore_mem>>) src(%arg8 : memref<125x16xf32, #tpu.memory_space<vmem>>) dst(%dma_wait3A_232 : memref<10000x16xf32, #tpu.memory_space<vmem_shared>>)
        tpu.yield
      }) : () -> ()
      %add3A_79 = arith.constant 8 : i32
      %add3A_80 = arith.addi %mul3A_70, %add3A_79 : i32
      %add3A_81 = arith.constant 0 : i32
      %add3A_82 = arith.addi %add3A_80, %add3A_81 : i32
      %lt3A_83 = arith.constant 160 : i32
      %lt3A_84 = arith.cmpi slt, %add3A_82, %lt3A_83 : i32
      %convert_element_type3A_85 = arith.extui %lt3A_84 : i1 to i32
      %cond3A_86 = arith.constant 0 : i32
      %cond3A_87 = arith.cmpi ne, %convert_element_type3A_85, %cond3A_86 : i32
      scf.if %cond3A_87 {
        %add3A_221 = arith.constant 8 : i32
        %add3A_222 = arith.addi %mul3A_70, %add3A_221 : i32
        %add3A_223 = arith.constant 0 : i32
        %add3A_224 = arith.addi %add3A_222, %add3A_223 : i32
        %dma_start3A_225 = arith.constant 0 : i32
        %dma_start3A_226 = tpu.memref_slice %arg6[%add3A_224, %dma_start3A_225] : memref<160x125xi32, #tpu.memory_space<vmem>> -> memref<1x125xi32, #tpu.memory_space<vmem>>
        %dma_start3A_227 = tpu.memref_squeeze %dma_start3A_226 : memref<1x125xi32, #tpu.memory_space<vmem>> -> memref<125xi32, #tpu.memory_space<vmem>>
        %dma_start3A_228 = arith.constant 0 : i32
        %dma_start3A_229 = arith.constant 0 : i32
        %dma_start3A_230 = tpu.memref_slice %arg2[%dma_start3A_228, %dma_start3A_229] : memref<10000x16xf32, #tpu.memory_space<hbm>> -> memref<10000x16xf32, #tpu.memory_space<hbm>>
        tpu.enqueue_indirect_dma source(%dma_start3A_230 : memref<10000x16xf32, #tpu.memory_space<hbm>>) target(%arg8 : memref<125x16xf32, #tpu.memory_space<vmem>>) offsets(%dma_start3A_227 : memref<125xi32, #tpu.memory_space<vmem>>) semaphore(%arg17 : memref<!tpu.dma_semaphore, #tpu.memory_space<semaphore_mem>>)
      } else {
      }
      %add3A_88 = arith.constant 1 : i32
      %add3A_89 = arith.addi %mul3A_70, %add3A_88 : i32
      %dma_wait3A_90 = arith.constant 0 : i32
      %dma_wait3A_91 = tpu.memref_slice %arg6[%add3A_89, %dma_wait3A_90] : memref<160x125xi32, #tpu.memory_space<vmem>> -> memref<1x125xi32, #tpu.memory_space<vmem>>
      %dma_wait3A_92 = tpu.memref_squeeze %dma_wait3A_91 : memref<1x125xi32, #tpu.memory_space<vmem>> -> memref<125xi32, #tpu.memory_space<vmem>>
      %dma_wait3A_93 = arith.constant 0 : i32
      %dma_wait3A_94 = arith.constant 0 : i32
      %dma_wait3A_95 = tpu.memref_slice %arg2[%dma_wait3A_93, %dma_wait3A_94] : memref<10000x16xf32, #tpu.memory_space<hbm>> -> memref<10000x16xf32, #tpu.memory_space<hbm>>
      tpu.wait_indirect_dma semaphore(%arg18 : memref<!tpu.dma_semaphore, #tpu.memory_space<semaphore_mem>>) src(%dma_wait3A_95 : memref<10000x16xf32, #tpu.memory_space<hbm>>) dst(%arg9 : memref<125x16xf32, #tpu.memory_space<vmem>>)
      %add3A_96 = arith.constant 1 : i32
      %add3A_97 = arith.addi %mul3A_70, %add3A_96 : i32
      "tpu.region"() ({
        %run_scoped3A = tpu.sem_alloc : memref<!tpu.dma_semaphore, #tpu.memory_space<semaphore_mem>>
        %dma_start3A_221 = arith.constant 0 : i32
        %dma_start3A_222 = tpu.memref_slice %arg7[%add3A_97, %dma_start3A_221] : memref<160x125xi32, #tpu.memory_space<vmem>> -> memref<1x125xi32, #tpu.memory_space<vmem>>
        %dma_start3A_223 = tpu.memref_squeeze %dma_start3A_222 : memref<1x125xi32, #tpu.memory_space<vmem>> -> memref<125xi32, #tpu.memory_space<vmem>>
        %dma_start3A_224 = arith.constant 0 : i32
        %dma_start3A_225 = arith.constant 0 : i32
        %dma_start3A_226 = tpu.memref_slice %arg16[%dma_start3A_224, %dma_start3A_225] : memref<10000x16xf32, #tpu.memory_space<vmem_shared>> -> memref<10000x16xf32, #tpu.memory_space<vmem_shared>>
        tpu.enqueue_indirect_dma source(%arg9 : memref<125x16xf32, #tpu.memory_space<vmem>>) target(%dma_start3A_226 : memref<10000x16xf32, #tpu.memory_space<vmem_shared>>) offsets(%dma_start3A_223 : memref<125xi32, #tpu.memory_space<vmem>>) semaphore(%run_scoped3A : memref<!tpu.dma_semaphore, #tpu.memory_space<semaphore_mem>>) {add = true}
        %dma_wait3A_227 = arith.constant 0 : i32
        %dma_wait3A_228 = tpu.memref_slice %arg7[%add3A_97, %dma_wait3A_227] : memref<160x125xi32, #tpu.memory_space<vmem>> -> memref<1x125xi32, #tpu.memory_space<vmem>>
        %dma_wait3A_229 = tpu.memref_squeeze %dma_wait3A_228 : memref<1x125xi32, #tpu.memory_space<vmem>> -> memref<125xi32, #tpu.memory_space<vmem>>
        %dma_wait3A_230 = arith.constant 0 : i32
        %dma_wait3A_231 = arith.constant 0 : i32
        %dma_wait3A_232 = tpu.memref_slice %arg16[%dma_wait3A_230, %dma_wait3A_231] : memref<10000x16xf32, #tpu.memory_space<vmem_shared>> -> memref<10000x16xf32, #tpu.memory_space<vmem_shared>>
        tpu.wait_indirect_dma semaphore(%run_scoped3A : memref<!tpu.dma_semaphore, #tpu.memory_space<semaphore_mem>>) src(%arg9 : memref<125x16xf32, #tpu.memory_space<vmem>>) dst(%dma_wait3A_232 : memref<10000x16xf32, #tpu.memory_space<vmem_shared>>)
        tpu.yield
      }) : () -> ()
      %add3A_98 = arith.constant 8 : i32
      %add3A_99 = arith.addi %mul3A_70, %add3A_98 : i32
      %add3A_100 = arith.constant 1 : i32
      %add3A_101 = arith.addi %add3A_99, %add3A_100 : i32
      %lt3A_102 = arith.constant 160 : i32
      %lt3A_103 = arith.cmpi slt, %add3A_101, %lt3A_102 : i32
      %convert_element_type3A_104 = arith.extui %lt3A_103 : i1 to i32
      %cond3A_105 = arith.constant 0 : i32
      %cond3A_106 = arith.cmpi ne, %convert_element_type3A_104, %cond3A_105 : i32
      scf.if %cond3A_106 {
        %add3A_221 = arith.constant 8 : i32
        %add3A_222 = arith.addi %mul3A_70, %add3A_221 : i32
        %add3A_223 = arith.constant 1 : i32
        %add3A_224 = arith.addi %add3A_222, %add3A_223 : i32
        %dma_start3A_225 = arith.constant 0 : i32
        %dma_start3A_226 = tpu.memref_slice %arg6[%add3A_224, %dma_start3A_225] : memref<160x125xi32, #tpu.memory_space<vmem>> -> memref<1x125xi32, #tpu.memory_space<vmem>>
        %dma_start3A_227 = tpu.memref_squeeze %dma_start3A_226 : memref<1x125xi32, #tpu.memory_space<vmem>> -> memref<125xi32, #tpu.memory_space<vmem>>
        %dma_start3A_228 = arith.constant 0 : i32
        %dma_start3A_229 = arith.constant 0 : i32
        %dma_start3A_230 = tpu.memref_slice %arg2[%dma_start3A_228, %dma_start3A_229] : memref<10000x16xf32, #tpu.memory_space<hbm>> -> memref<10000x16xf32, #tpu.memory_space<hbm>>
        tpu.enqueue_indirect_dma source(%dma_start3A_230 : memref<10000x16xf32, #tpu.memory_space<hbm>>) target(%arg9 : memref<125x16xf32, #tpu.memory_space<vmem>>) offsets(%dma_start3A_227 : memref<125xi32, #tpu.memory_space<vmem>>) semaphore(%arg18 : memref<!tpu.dma_semaphore, #tpu.memory_space<semaphore_mem>>)
      } else {
      }
      %add3A_107 = arith.constant 2 : i32
      %add3A_108 = arith.addi %mul3A_70, %add3A_107 : i32
      %dma_wait3A_109 = arith.constant 0 : i32
      %dma_wait3A_110 = tpu.memref_slice %arg6[%add3A_108, %dma_wait3A_109] : memref<160x125xi32, #tpu.memory_space<vmem>> -> memref<1x125xi32, #tpu.memory_space<vmem>>
      %dma_wait3A_111 = tpu.memref_squeeze %dma_wait3A_110 : memref<1x125xi32, #tpu.memory_space<vmem>> -> memref<125xi32, #tpu.memory_space<vmem>>
      %dma_wait3A_112 = arith.constant 0 : i32
      %dma_wait3A_113 = arith.constant 0 : i32
      %dma_wait3A_114 = tpu.memref_slice %arg2[%dma_wait3A_112, %dma_wait3A_113] : memref<10000x16xf32, #tpu.memory_space<hbm>> -> memref<10000x16xf32, #tpu.memory_space<hbm>>
      tpu.wait_indirect_dma semaphore(%arg19 : memref<!tpu.dma_semaphore, #tpu.memory_space<semaphore_mem>>) src(%dma_wait3A_114 : memref<10000x16xf32, #tpu.memory_space<hbm>>) dst(%arg10 : memref<125x16xf32, #tpu.memory_space<vmem>>)
      %add3A_115 = arith.constant 2 : i32
      %add3A_116 = arith.addi %mul3A_70, %add3A_115 : i32
      "tpu.region"() ({
        %run_scoped3A = tpu.sem_alloc : memref<!tpu.dma_semaphore, #tpu.memory_space<semaphore_mem>>
        %dma_start3A_221 = arith.constant 0 : i32
        %dma_start3A_222 = tpu.memref_slice %arg7[%add3A_116, %dma_start3A_221] : memref<160x125xi32, #tpu.memory_space<vmem>> -> memref<1x125xi32, #tpu.memory_space<vmem>>
        %dma_start3A_223 = tpu.memref_squeeze %dma_start3A_222 : memref<1x125xi32, #tpu.memory_space<vmem>> -> memref<125xi32, #tpu.memory_space<vmem>>
        %dma_start3A_224 = arith.constant 0 : i32
        %dma_start3A_225 = arith.constant 0 : i32
        %dma_start3A_226 = tpu.memref_slice %arg16[%dma_start3A_224, %dma_start3A_225] : memref<10000x16xf32, #tpu.memory_space<vmem_shared>> -> memref<10000x16xf32, #tpu.memory_space<vmem_shared>>
        tpu.enqueue_indirect_dma source(%arg10 : memref<125x16xf32, #tpu.memory_space<vmem>>) target(%dma_start3A_226 : memref<10000x16xf32, #tpu.memory_space<vmem_shared>>) offsets(%dma_start3A_223 : memref<125xi32, #tpu.memory_space<vmem>>) semaphore(%run_scoped3A : memref<!tpu.dma_semaphore, #tpu.memory_space<semaphore_mem>>) {add = true}
        %dma_wait3A_227 = arith.constant 0 : i32
        %dma_wait3A_228 = tpu.memref_slice %arg7[%add3A_116, %dma_wait3A_227] : memref<160x125xi32, #tpu.memory_space<vmem>> -> memref<1x125xi32, #tpu.memory_space<vmem>>
        %dma_wait3A_229 = tpu.memref_squeeze %dma_wait3A_228 : memref<1x125xi32, #tpu.memory_space<vmem>> -> memref<125xi32, #tpu.memory_space<vmem>>
        %dma_wait3A_230 = arith.constant 0 : i32
        %dma_wait3A_231 = arith.constant 0 : i32
        %dma_wait3A_232 = tpu.memref_slice %arg16[%dma_wait3A_230, %dma_wait3A_231] : memref<10000x16xf32, #tpu.memory_space<vmem_shared>> -> memref<10000x16xf32, #tpu.memory_space<vmem_shared>>
        tpu.wait_indirect_dma semaphore(%run_scoped3A : memref<!tpu.dma_semaphore, #tpu.memory_space<semaphore_mem>>) src(%arg10 : memref<125x16xf32, #tpu.memory_space<vmem>>) dst(%dma_wait3A_232 : memref<10000x16xf32, #tpu.memory_space<vmem_shared>>)
        tpu.yield
      }) : () -> ()
      %add3A_117 = arith.constant 8 : i32
      %add3A_118 = arith.addi %mul3A_70, %add3A_117 : i32
      %add3A_119 = arith.constant 2 : i32
      %add3A_120 = arith.addi %add3A_118, %add3A_119 : i32
      %lt3A_121 = arith.constant 160 : i32
      %lt3A_122 = arith.cmpi slt, %add3A_120, %lt3A_121 : i32
      %convert_element_type3A_123 = arith.extui %lt3A_122 : i1 to i32
      %cond3A_124 = arith.constant 0 : i32
      %cond3A_125 = arith.cmpi ne, %convert_element_type3A_123, %cond3A_124 : i32
      scf.if %cond3A_125 {
        %add3A_221 = arith.constant 8 : i32
        %add3A_222 = arith.addi %mul3A_70, %add3A_221 : i32
        %add3A_223 = arith.constant 2 : i32
        %add3A_224 = arith.addi %add3A_222, %add3A_223 : i32
        %dma_start3A_225 = arith.constant 0 : i32
        %dma_start3A_226 = tpu.memref_slice %arg6[%add3A_224, %dma_start3A_225] : memref<160x125xi32, #tpu.memory_space<vmem>> -> memref<1x125xi32, #tpu.memory_space<vmem>>
        %dma_start3A_227 = tpu.memref_squeeze %dma_start3A_226 : memref<1x125xi32, #tpu.memory_space<vmem>> -> memref<125xi32, #tpu.memory_space<vmem>>
        %dma_start3A_228 = arith.constant 0 : i32
        %dma_start3A_229 = arith.constant 0 : i32
        %dma_start3A_230 = tpu.memref_slice %arg2[%dma_start3A_228, %dma_start3A_229] : memref<10000x16xf32, #tpu.memory_space<hbm>> -> memref<10000x16xf32, #tpu.memory_space<hbm>>
        tpu.enqueue_indirect_dma source(%dma_start3A_230 : memref<10000x16xf32, #tpu.memory_space<hbm>>) target(%arg10 : memref<125x16xf32, #tpu.memory_space<vmem>>) offsets(%dma_start3A_227 : memref<125xi32, #tpu.memory_space<vmem>>) semaphore(%arg19 : memref<!tpu.dma_semaphore, #tpu.memory_space<semaphore_mem>>)
      } else {
      }
      %add3A_126 = arith.constant 3 : i32
      %add3A_127 = arith.addi %mul3A_70, %add3A_126 : i32
      %dma_wait3A_128 = arith.constant 0 : i32
      %dma_wait3A_129 = tpu.memref_slice %arg6[%add3A_127, %dma_wait3A_128] : memref<160x125xi32, #tpu.memory_space<vmem>> -> memref<1x125xi32, #tpu.memory_space<vmem>>
      %dma_wait3A_130 = tpu.memref_squeeze %dma_wait3A_129 : memref<1x125xi32, #tpu.memory_space<vmem>> -> memref<125xi32, #tpu.memory_space<vmem>>
      %dma_wait3A_131 = arith.constant 0 : i32
      %dma_wait3A_132 = arith.constant 0 : i32
      %dma_wait3A_133 = tpu.memref_slice %arg2[%dma_wait3A_131, %dma_wait3A_132] : memref<10000x16xf32, #tpu.memory_space<hbm>> -> memref<10000x16xf32, #tpu.memory_space<hbm>>
      tpu.wait_indirect_dma semaphore(%arg20 : memref<!tpu.dma_semaphore, #tpu.memory_space<semaphore_mem>>) src(%dma_wait3A_133 : memref<10000x16xf32, #tpu.memory_space<hbm>>) dst(%arg11 : memref<125x16xf32, #tpu.memory_space<vmem>>)
      %add3A_134 = arith.constant 3 : i32
      %add3A_135 = arith.addi %mul3A_70, %add3A_134 : i32
      "tpu.region"() ({
        %run_scoped3A = tpu.sem_alloc : memref<!tpu.dma_semaphore, #tpu.memory_space<semaphore_mem>>
        %dma_start3A_221 = arith.constant 0 : i32
        %dma_start3A_222 = tpu.memref_slice %arg7[%add3A_135, %dma_start3A_221] : memref<160x125xi32, #tpu.memory_space<vmem>> -> memref<1x125xi32, #tpu.memory_space<vmem>>
        %dma_start3A_223 = tpu.memref_squeeze %dma_start3A_222 : memref<1x125xi32, #tpu.memory_space<vmem>> -> memref<125xi32, #tpu.memory_space<vmem>>
        %dma_start3A_224 = arith.constant 0 : i32
        %dma_start3A_225 = arith.constant 0 : i32
        %dma_start3A_226 = tpu.memref_slice %arg16[%dma_start3A_224, %dma_start3A_225] : memref<10000x16xf32, #tpu.memory_space<vmem_shared>> -> memref<10000x16xf32, #tpu.memory_space<vmem_shared>>
        tpu.enqueue_indirect_dma source(%arg11 : memref<125x16xf32, #tpu.memory_space<vmem>>) target(%dma_start3A_226 : memref<10000x16xf32, #tpu.memory_space<vmem_shared>>) offsets(%dma_start3A_223 : memref<125xi32, #tpu.memory_space<vmem>>) semaphore(%run_scoped3A : memref<!tpu.dma_semaphore, #tpu.memory_space<semaphore_mem>>) {add = true}
        %dma_wait3A_227 = arith.constant 0 : i32
        %dma_wait3A_228 = tpu.memref_slice %arg7[%add3A_135, %dma_wait3A_227] : memref<160x125xi32, #tpu.memory_space<vmem>> -> memref<1x125xi32, #tpu.memory_space<vmem>>
        %dma_wait3A_229 = tpu.memref_squeeze %dma_wait3A_228 : memref<1x125xi32, #tpu.memory_space<vmem>> -> memref<125xi32, #tpu.memory_space<vmem>>
        %dma_wait3A_230 = arith.constant 0 : i32
        %dma_wait3A_231 = arith.constant 0 : i32
        %dma_wait3A_232 = tpu.memref_slice %arg16[%dma_wait3A_230, %dma_wait3A_231] : memref<10000x16xf32, #tpu.memory_space<vmem_shared>> -> memref<10000x16xf32, #tpu.memory_space<vmem_shared>>
        tpu.wait_indirect_dma semaphore(%run_scoped3A : memref<!tpu.dma_semaphore, #tpu.memory_space<semaphore_mem>>) src(%arg11 : memref<125x16xf32, #tpu.memory_space<vmem>>) dst(%dma_wait3A_232 : memref<10000x16xf32, #tpu.memory_space<vmem_shared>>)
        tpu.yield
      }) : () -> ()
      %add3A_136 = arith.constant 8 : i32
      %add3A_137 = arith.addi %mul3A_70, %add3A_136 : i32
      %add3A_138 = arith.constant 3 : i32
      %add3A_139 = arith.addi %add3A_137, %add3A_138 : i32
      %lt3A_140 = arith.constant 160 : i32
      %lt3A_141 = arith.cmpi slt, %add3A_139, %lt3A_140 : i32
      %convert_element_type3A_142 = arith.extui %lt3A_141 : i1 to i32
      %cond3A_143 = arith.constant 0 : i32
      %cond3A_144 = arith.cmpi ne, %convert_element_type3A_142, %cond3A_143 : i32
      scf.if %cond3A_144 {
        %add3A_221 = arith.constant 8 : i32
        %add3A_222 = arith.addi %mul3A_70, %add3A_221 : i32
        %add3A_223 = arith.constant 3 : i32
        %add3A_224 = arith.addi %add3A_222, %add3A_223 : i32
        %dma_start3A_225 = arith.constant 0 : i32
        %dma_start3A_226 = tpu.memref_slice %arg6[%add3A_224, %dma_start3A_225] : memref<160x125xi32, #tpu.memory_space<vmem>> -> memref<1x125xi32, #tpu.memory_space<vmem>>
        %dma_start3A_227 = tpu.memref_squeeze %dma_start3A_226 : memref<1x125xi32, #tpu.memory_space<vmem>> -> memref<125xi32, #tpu.memory_space<vmem>>
        %dma_start3A_228 = arith.constant 0 : i32
        %dma_start3A_229 = arith.constant 0 : i32
        %dma_start3A_230 = tpu.memref_slice %arg2[%dma_start3A_228, %dma_start3A_229] : memref<10000x16xf32, #tpu.memory_space<hbm>> -> memref<10000x16xf32, #tpu.memory_space<hbm>>
        tpu.enqueue_indirect_dma source(%dma_start3A_230 : memref<10000x16xf32, #tpu.memory_space<hbm>>) target(%arg11 : memref<125x16xf32, #tpu.memory_space<vmem>>) offsets(%dma_start3A_227 : memref<125xi32, #tpu.memory_space<vmem>>) semaphore(%arg20 : memref<!tpu.dma_semaphore, #tpu.memory_space<semaphore_mem>>)
      } else {
      }
      %add3A_145 = arith.constant 4 : i32
      %add3A_146 = arith.addi %mul3A_70, %add3A_145 : i32
      %dma_wait3A_147 = arith.constant 0 : i32
      %dma_wait3A_148 = tpu.memref_slice %arg6[%add3A_146, %dma_wait3A_147] : memref<160x125xi32, #tpu.memory_space<vmem>> -> memref<1x125xi32, #tpu.memory_space<vmem>>
      %dma_wait3A_149 = tpu.memref_squeeze %dma_wait3A_148 : memref<1x125xi32, #tpu.memory_space<vmem>> -> memref<125xi32, #tpu.memory_space<vmem>>
      %dma_wait3A_150 = arith.constant 0 : i32
      %dma_wait3A_151 = arith.constant 0 : i32
      %dma_wait3A_152 = tpu.memref_slice %arg2[%dma_wait3A_150, %dma_wait3A_151] : memref<10000x16xf32, #tpu.memory_space<hbm>> -> memref<10000x16xf32, #tpu.memory_space<hbm>>
      tpu.wait_indirect_dma semaphore(%arg21 : memref<!tpu.dma_semaphore, #tpu.memory_space<semaphore_mem>>) src(%dma_wait3A_152 : memref<10000x16xf32, #tpu.memory_space<hbm>>) dst(%arg12 : memref<125x16xf32, #tpu.memory_space<vmem>>)
      %add3A_153 = arith.constant 4 : i32
      %add3A_154 = arith.addi %mul3A_70, %add3A_153 : i32
      "tpu.region"() ({
        %run_scoped3A = tpu.sem_alloc : memref<!tpu.dma_semaphore, #tpu.memory_space<semaphore_mem>>
        %dma_start3A_221 = arith.constant 0 : i32
        %dma_start3A_222 = tpu.memref_slice %arg7[%add3A_154, %dma_start3A_221] : memref<160x125xi32, #tpu.memory_space<vmem>> -> memref<1x125xi32, #tpu.memory_space<vmem>>
        %dma_start3A_223 = tpu.memref_squeeze %dma_start3A_222 : memref<1x125xi32, #tpu.memory_space<vmem>> -> memref<125xi32, #tpu.memory_space<vmem>>
        %dma_start3A_224 = arith.constant 0 : i32
        %dma_start3A_225 = arith.constant 0 : i32
        %dma_start3A_226 = tpu.memref_slice %arg16[%dma_start3A_224, %dma_start3A_225] : memref<10000x16xf32, #tpu.memory_space<vmem_shared>> -> memref<10000x16xf32, #tpu.memory_space<vmem_shared>>
        tpu.enqueue_indirect_dma source(%arg12 : memref<125x16xf32, #tpu.memory_space<vmem>>) target(%dma_start3A_226 : memref<10000x16xf32, #tpu.memory_space<vmem_shared>>) offsets(%dma_start3A_223 : memref<125xi32, #tpu.memory_space<vmem>>) semaphore(%run_scoped3A : memref<!tpu.dma_semaphore, #tpu.memory_space<semaphore_mem>>) {add = true}
        %dma_wait3A_227 = arith.constant 0 : i32
        %dma_wait3A_228 = tpu.memref_slice %arg7[%add3A_154, %dma_wait3A_227] : memref<160x125xi32, #tpu.memory_space<vmem>> -> memref<1x125xi32, #tpu.memory_space<vmem>>
        %dma_wait3A_229 = tpu.memref_squeeze %dma_wait3A_228 : memref<1x125xi32, #tpu.memory_space<vmem>> -> memref<125xi32, #tpu.memory_space<vmem>>
        %dma_wait3A_230 = arith.constant 0 : i32
        %dma_wait3A_231 = arith.constant 0 : i32
        %dma_wait3A_232 = tpu.memref_slice %arg16[%dma_wait3A_230, %dma_wait3A_231] : memref<10000x16xf32, #tpu.memory_space<vmem_shared>> -> memref<10000x16xf32, #tpu.memory_space<vmem_shared>>
        tpu.wait_indirect_dma semaphore(%run_scoped3A : memref<!tpu.dma_semaphore, #tpu.memory_space<semaphore_mem>>) src(%arg12 : memref<125x16xf32, #tpu.memory_space<vmem>>) dst(%dma_wait3A_232 : memref<10000x16xf32, #tpu.memory_space<vmem_shared>>)
        tpu.yield
      }) : () -> ()
      %add3A_155 = arith.constant 8 : i32
      %add3A_156 = arith.addi %mul3A_70, %add3A_155 : i32
      %add3A_157 = arith.constant 4 : i32
      %add3A_158 = arith.addi %add3A_156, %add3A_157 : i32
      %lt3A_159 = arith.constant 160 : i32
      %lt3A_160 = arith.cmpi slt, %add3A_158, %lt3A_159 : i32
      %convert_element_type3A_161 = arith.extui %lt3A_160 : i1 to i32
      %cond3A_162 = arith.constant 0 : i32
      %cond3A_163 = arith.cmpi ne, %convert_element_type3A_161, %cond3A_162 : i32
      scf.if %cond3A_163 {
        %add3A_221 = arith.constant 8 : i32
        %add3A_222 = arith.addi %mul3A_70, %add3A_221 : i32
        %add3A_223 = arith.constant 4 : i32
        %add3A_224 = arith.addi %add3A_222, %add3A_223 : i32
        %dma_start3A_225 = arith.constant 0 : i32
        %dma_start3A_226 = tpu.memref_slice %arg6[%add3A_224, %dma_start3A_225] : memref<160x125xi32, #tpu.memory_space<vmem>> -> memref<1x125xi32, #tpu.memory_space<vmem>>
        %dma_start3A_227 = tpu.memref_squeeze %dma_start3A_226 : memref<1x125xi32, #tpu.memory_space<vmem>> -> memref<125xi32, #tpu.memory_space<vmem>>
        %dma_start3A_228 = arith.constant 0 : i32
        %dma_start3A_229 = arith.constant 0 : i32
        %dma_start3A_230 = tpu.memref_slice %arg2[%dma_start3A_228, %dma_start3A_229] : memref<10000x16xf32, #tpu.memory_space<hbm>> -> memref<10000x16xf32, #tpu.memory_space<hbm>>
        tpu.enqueue_indirect_dma source(%dma_start3A_230 : memref<10000x16xf32, #tpu.memory_space<hbm>>) target(%arg12 : memref<125x16xf32, #tpu.memory_space<vmem>>) offsets(%dma_start3A_227 : memref<125xi32, #tpu.memory_space<vmem>>) semaphore(%arg21 : memref<!tpu.dma_semaphore, #tpu.memory_space<semaphore_mem>>)
      } else {
      }
      %add3A_164 = arith.constant 5 : i32
      %add3A_165 = arith.addi %mul3A_70, %add3A_164 : i32
      %dma_wait3A_166 = arith.constant 0 : i32
      %dma_wait3A_167 = tpu.memref_slice %arg6[%add3A_165, %dma_wait3A_166] : memref<160x125xi32, #tpu.memory_space<vmem>> -> memref<1x125xi32, #tpu.memory_space<vmem>>
      %dma_wait3A_168 = tpu.memref_squeeze %dma_wait3A_167 : memref<1x125xi32, #tpu.memory_space<vmem>> -> memref<125xi32, #tpu.memory_space<vmem>>
      %dma_wait3A_169 = arith.constant 0 : i32
      %dma_wait3A_170 = arith.constant 0 : i32
      %dma_wait3A_171 = tpu.memref_slice %arg2[%dma_wait3A_169, %dma_wait3A_170] : memref<10000x16xf32, #tpu.memory_space<hbm>> -> memref<10000x16xf32, #tpu.memory_space<hbm>>
      tpu.wait_indirect_dma semaphore(%arg22 : memref<!tpu.dma_semaphore, #tpu.memory_space<semaphore_mem>>) src(%dma_wait3A_171 : memref<10000x16xf32, #tpu.memory_space<hbm>>) dst(%arg13 : memref<125x16xf32, #tpu.memory_space<vmem>>)
      %add3A_172 = arith.constant 5 : i32
      %add3A_173 = arith.addi %mul3A_70, %add3A_172 : i32
      "tpu.region"() ({
        %run_scoped3A = tpu.sem_alloc : memref<!tpu.dma_semaphore, #tpu.memory_space<semaphore_mem>>
        %dma_start3A_221 = arith.constant 0 : i32
        %dma_start3A_222 = tpu.memref_slice %arg7[%add3A_173, %dma_start3A_221] : memref<160x125xi32, #tpu.memory_space<vmem>> -> memref<1x125xi32, #tpu.memory_space<vmem>>
        %dma_start3A_223 = tpu.memref_squeeze %dma_start3A_222 : memref<1x125xi32, #tpu.memory_space<vmem>> -> memref<125xi32, #tpu.memory_space<vmem>>
        %dma_start3A_224 = arith.constant 0 : i32
        %dma_start3A_225 = arith.constant 0 : i32
        %dma_start3A_226 = tpu.memref_slice %arg16[%dma_start3A_224, %dma_start3A_225] : memref<10000x16xf32, #tpu.memory_space<vmem_shared>> -> memref<10000x16xf32, #tpu.memory_space<vmem_shared>>
        tpu.enqueue_indirect_dma source(%arg13 : memref<125x16xf32, #tpu.memory_space<vmem>>) target(%dma_start3A_226 : memref<10000x16xf32, #tpu.memory_space<vmem_shared>>) offsets(%dma_start3A_223 : memref<125xi32, #tpu.memory_space<vmem>>) semaphore(%run_scoped3A : memref<!tpu.dma_semaphore, #tpu.memory_space<semaphore_mem>>) {add = true}
        %dma_wait3A_227 = arith.constant 0 : i32
        %dma_wait3A_228 = tpu.memref_slice %arg7[%add3A_173, %dma_wait3A_227] : memref<160x125xi32, #tpu.memory_space<vmem>> -> memref<1x125xi32, #tpu.memory_space<vmem>>
        %dma_wait3A_229 = tpu.memref_squeeze %dma_wait3A_228 : memref<1x125xi32, #tpu.memory_space<vmem>> -> memref<125xi32, #tpu.memory_space<vmem>>
        %dma_wait3A_230 = arith.constant 0 : i32
        %dma_wait3A_231 = arith.constant 0 : i32
        %dma_wait3A_232 = tpu.memref_slice %arg16[%dma_wait3A_230, %dma_wait3A_231] : memref<10000x16xf32, #tpu.memory_space<vmem_shared>> -> memref<10000x16xf32, #tpu.memory_space<vmem_shared>>
        tpu.wait_indirect_dma semaphore(%run_scoped3A : memref<!tpu.dma_semaphore, #tpu.memory_space<semaphore_mem>>) src(%arg13 : memref<125x16xf32, #tpu.memory_space<vmem>>) dst(%dma_wait3A_232 : memref<10000x16xf32, #tpu.memory_space<vmem_shared>>)
        tpu.yield
      }) : () -> ()
      %add3A_174 = arith.constant 8 : i32
      %add3A_175 = arith.addi %mul3A_70, %add3A_174 : i32
      %add3A_176 = arith.constant 5 : i32
      %add3A_177 = arith.addi %add3A_175, %add3A_176 : i32
      %lt3A_178 = arith.constant 160 : i32
      %lt3A_179 = arith.cmpi slt, %add3A_177, %lt3A_178 : i32
      %convert_element_type3A_180 = arith.extui %lt3A_179 : i1 to i32
      %cond3A_181 = arith.constant 0 : i32
      %cond3A_182 = arith.cmpi ne, %convert_element_type3A_180, %cond3A_181 : i32
      scf.if %cond3A_182 {
        %add3A_221 = arith.constant 8 : i32
        %add3A_222 = arith.addi %mul3A_70, %add3A_221 : i32
        %add3A_223 = arith.constant 5 : i32
        %add3A_224 = arith.addi %add3A_222, %add3A_223 : i32
        %dma_start3A_225 = arith.constant 0 : i32
        %dma_start3A_226 = tpu.memref_slice %arg6[%add3A_224, %dma_start3A_225] : memref<160x125xi32, #tpu.memory_space<vmem>> -> memref<1x125xi32, #tpu.memory_space<vmem>>
        %dma_start3A_227 = tpu.memref_squeeze %dma_start3A_226 : memref<1x125xi32, #tpu.memory_space<vmem>> -> memref<125xi32, #tpu.memory_space<vmem>>
        %dma_start3A_228 = arith.constant 0 : i32
        %dma_start3A_229 = arith.constant 0 : i32
        %dma_start3A_230 = tpu.memref_slice %arg2[%dma_start3A_228, %dma_start3A_229] : memref<10000x16xf32, #tpu.memory_space<hbm>> -> memref<10000x16xf32, #tpu.memory_space<hbm>>
        tpu.enqueue_indirect_dma source(%dma_start3A_230 : memref<10000x16xf32, #tpu.memory_space<hbm>>) target(%arg13 : memref<125x16xf32, #tpu.memory_space<vmem>>) offsets(%dma_start3A_227 : memref<125xi32, #tpu.memory_space<vmem>>) semaphore(%arg22 : memref<!tpu.dma_semaphore, #tpu.memory_space<semaphore_mem>>)
      } else {
      }
      %add3A_183 = arith.constant 6 : i32
      %add3A_184 = arith.addi %mul3A_70, %add3A_183 : i32
      %dma_wait3A_185 = arith.constant 0 : i32
      %dma_wait3A_186 = tpu.memref_slice %arg6[%add3A_184, %dma_wait3A_185] : memref<160x125xi32, #tpu.memory_space<vmem>> -> memref<1x125xi32, #tpu.memory_space<vmem>>
      %dma_wait3A_187 = tpu.memref_squeeze %dma_wait3A_186 : memref<1x125xi32, #tpu.memory_space<vmem>> -> memref<125xi32, #tpu.memory_space<vmem>>
      %dma_wait3A_188 = arith.constant 0 : i32
      %dma_wait3A_189 = arith.constant 0 : i32
      %dma_wait3A_190 = tpu.memref_slice %arg2[%dma_wait3A_188, %dma_wait3A_189] : memref<10000x16xf32, #tpu.memory_space<hbm>> -> memref<10000x16xf32, #tpu.memory_space<hbm>>
      tpu.wait_indirect_dma semaphore(%arg23 : memref<!tpu.dma_semaphore, #tpu.memory_space<semaphore_mem>>) src(%dma_wait3A_190 : memref<10000x16xf32, #tpu.memory_space<hbm>>) dst(%arg14 : memref<125x16xf32, #tpu.memory_space<vmem>>)
      %add3A_191 = arith.constant 6 : i32
      %add3A_192 = arith.addi %mul3A_70, %add3A_191 : i32
      "tpu.region"() ({
        %run_scoped3A = tpu.sem_alloc : memref<!tpu.dma_semaphore, #tpu.memory_space<semaphore_mem>>
        %dma_start3A_221 = arith.constant 0 : i32
        %dma_start3A_222 = tpu.memref_slice %arg7[%add3A_192, %dma_start3A_221] : memref<160x125xi32, #tpu.memory_space<vmem>> -> memref<1x125xi32, #tpu.memory_space<vmem>>
        %dma_start3A_223 = tpu.memref_squeeze %dma_start3A_222 : memref<1x125xi32, #tpu.memory_space<vmem>> -> memref<125xi32, #tpu.memory_space<vmem>>
        %dma_start3A_224 = arith.constant 0 : i32
        %dma_start3A_225 = arith.constant 0 : i32
        %dma_start3A_226 = tpu.memref_slice %arg16[%dma_start3A_224, %dma_start3A_225] : memref<10000x16xf32, #tpu.memory_space<vmem_shared>> -> memref<10000x16xf32, #tpu.memory_space<vmem_shared>>
        tpu.enqueue_indirect_dma source(%arg14 : memref<125x16xf32, #tpu.memory_space<vmem>>) target(%dma_start3A_226 : memref<10000x16xf32, #tpu.memory_space<vmem_shared>>) offsets(%dma_start3A_223 : memref<125xi32, #tpu.memory_space<vmem>>) semaphore(%run_scoped3A : memref<!tpu.dma_semaphore, #tpu.memory_space<semaphore_mem>>) {add = true}
        %dma_wait3A_227 = arith.constant 0 : i32
        %dma_wait3A_228 = tpu.memref_slice %arg7[%add3A_192, %dma_wait3A_227] : memref<160x125xi32, #tpu.memory_space<vmem>> -> memref<1x125xi32, #tpu.memory_space<vmem>>
        %dma_wait3A_229 = tpu.memref_squeeze %dma_wait3A_228 : memref<1x125xi32, #tpu.memory_space<vmem>> -> memref<125xi32, #tpu.memory_space<vmem>>
        %dma_wait3A_230 = arith.constant 0 : i32
        %dma_wait3A_231 = arith.constant 0 : i32
        %dma_wait3A_232 = tpu.memref_slice %arg16[%dma_wait3A_230, %dma_wait3A_231] : memref<10000x16xf32, #tpu.memory_space<vmem_shared>> -> memref<10000x16xf32, #tpu.memory_space<vmem_shared>>
        tpu.wait_indirect_dma semaphore(%run_scoped3A : memref<!tpu.dma_semaphore, #tpu.memory_space<semaphore_mem>>) src(%arg14 : memref<125x16xf32, #tpu.memory_space<vmem>>) dst(%dma_wait3A_232 : memref<10000x16xf32, #tpu.memory_space<vmem_shared>>)
        tpu.yield
      }) : () -> ()
      %add3A_193 = arith.constant 8 : i32
      %add3A_194 = arith.addi %mul3A_70, %add3A_193 : i32
      %add3A_195 = arith.constant 6 : i32
      %add3A_196 = arith.addi %add3A_194, %add3A_195 : i32
      %lt3A_197 = arith.constant 160 : i32
      %lt3A_198 = arith.cmpi slt, %add3A_196, %lt3A_197 : i32
      %convert_element_type3A_199 = arith.extui %lt3A_198 : i1 to i32
      %cond3A_200 = arith.constant 0 : i32
      %cond3A_201 = arith.cmpi ne, %convert_element_type3A_199, %cond3A_200 : i32
      scf.if %cond3A_201 {
        %add3A_221 = arith.constant 8 : i32
        %add3A_222 = arith.addi %mul3A_70, %add3A_221 : i32
        %add3A_223 = arith.constant 6 : i32
        %add3A_224 = arith.addi %add3A_222, %add3A_223 : i32
        %dma_start3A_225 = arith.constant 0 : i32
        %dma_start3A_226 = tpu.memref_slice %arg6[%add3A_224, %dma_start3A_225] : memref<160x125xi32, #tpu.memory_space<vmem>> -> memref<1x125xi32, #tpu.memory_space<vmem>>
        %dma_start3A_227 = tpu.memref_squeeze %dma_start3A_226 : memref<1x125xi32, #tpu.memory_space<vmem>> -> memref<125xi32, #tpu.memory_space<vmem>>
        %dma_start3A_228 = arith.constant 0 : i32
        %dma_start3A_229 = arith.constant 0 : i32
        %dma_start3A_230 = tpu.memref_slice %arg2[%dma_start3A_228, %dma_start3A_229] : memref<10000x16xf32, #tpu.memory_space<hbm>> -> memref<10000x16xf32, #tpu.memory_space<hbm>>
        tpu.enqueue_indirect_dma source(%dma_start3A_230 : memref<10000x16xf32, #tpu.memory_space<hbm>>) target(%arg14 : memref<125x16xf32, #tpu.memory_space<vmem>>) offsets(%dma_start3A_227 : memref<125xi32, #tpu.memory_space<vmem>>) semaphore(%arg23 : memref<!tpu.dma_semaphore, #tpu.memory_space<semaphore_mem>>)
      } else {
      }
      %add3A_202 = arith.constant 7 : i32
      %add3A_203 = arith.addi %mul3A_70, %add3A_202 : i32
      %dma_wait3A_204 = arith.constant 0 : i32
      %dma_wait3A_205 = tpu.memref_slice %arg6[%add3A_203, %dma_wait3A_204] : memref<160x125xi32, #tpu.memory_space<vmem>> -> memref<1x125xi32, #tpu.memory_space<vmem>>
      %dma_wait3A_206 = tpu.memref_squeeze %dma_wait3A_205 : memref<1x125xi32, #tpu.memory_space<vmem>> -> memref<125xi32, #tpu.memory_space<vmem>>
      %dma_wait3A_207 = arith.constant 0 : i32
      %dma_wait3A_208 = arith.constant 0 : i32
      %dma_wait3A_209 = tpu.memref_slice %arg2[%dma_wait3A_207, %dma_wait3A_208] : memref<10000x16xf32, #tpu.memory_space<hbm>> -> memref<10000x16xf32, #tpu.memory_space<hbm>>
      tpu.wait_indirect_dma semaphore(%arg24 : memref<!tpu.dma_semaphore, #tpu.memory_space<semaphore_mem>>) src(%dma_wait3A_209 : memref<10000x16xf32, #tpu.memory_space<hbm>>) dst(%arg15 : memref<125x16xf32, #tpu.memory_space<vmem>>)
      %add3A_210 = arith.constant 7 : i32
      %add3A_211 = arith.addi %mul3A_70, %add3A_210 : i32
      "tpu.region"() ({
        %run_scoped3A = tpu.sem_alloc : memref<!tpu.dma_semaphore, #tpu.memory_space<semaphore_mem>>
        %dma_start3A_221 = arith.constant 0 : i32
        %dma_start3A_222 = tpu.memref_slice %arg7[%add3A_211, %dma_start3A_221] : memref<160x125xi32, #tpu.memory_space<vmem>> -> memref<1x125xi32, #tpu.memory_space<vmem>>
        %dma_start3A_223 = tpu.memref_squeeze %dma_start3A_222 : memref<1x125xi32, #tpu.memory_space<vmem>> -> memref<125xi32, #tpu.memory_space<vmem>>
        %dma_start3A_224 = arith.constant 0 : i32
        %dma_start3A_225 = arith.constant 0 : i32
        %dma_start3A_226 = tpu.memref_slice %arg16[%dma_start3A_224, %dma_start3A_225] : memref<10000x16xf32, #tpu.memory_space<vmem_shared>> -> memref<10000x16xf32, #tpu.memory_space<vmem_shared>>
        tpu.enqueue_indirect_dma source(%arg15 : memref<125x16xf32, #tpu.memory_space<vmem>>) target(%dma_start3A_226 : memref<10000x16xf32, #tpu.memory_space<vmem_shared>>) offsets(%dma_start3A_223 : memref<125xi32, #tpu.memory_space<vmem>>) semaphore(%run_scoped3A : memref<!tpu.dma_semaphore, #tpu.memory_space<semaphore_mem>>) {add = true}
        %dma_wait3A_227 = arith.constant 0 : i32
        %dma_wait3A_228 = tpu.memref_slice %arg7[%add3A_211, %dma_wait3A_227] : memref<160x125xi32, #tpu.memory_space<vmem>> -> memref<1x125xi32, #tpu.memory_space<vmem>>
        %dma_wait3A_229 = tpu.memref_squeeze %dma_wait3A_228 : memref<1x125xi32, #tpu.memory_space<vmem>> -> memref<125xi32, #tpu.memory_space<vmem>>
        %dma_wait3A_230 = arith.constant 0 : i32
        %dma_wait3A_231 = arith.constant 0 : i32
        %dma_wait3A_232 = tpu.memref_slice %arg16[%dma_wait3A_230, %dma_wait3A_231] : memref<10000x16xf32, #tpu.memory_space<vmem_shared>> -> memref<10000x16xf32, #tpu.memory_space<vmem_shared>>
        tpu.wait_indirect_dma semaphore(%run_scoped3A : memref<!tpu.dma_semaphore, #tpu.memory_space<semaphore_mem>>) src(%arg15 : memref<125x16xf32, #tpu.memory_space<vmem>>) dst(%dma_wait3A_232 : memref<10000x16xf32, #tpu.memory_space<vmem_shared>>)
        tpu.yield
      }) : () -> ()
      %add3A_212 = arith.constant 8 : i32
      %add3A_213 = arith.addi %mul3A_70, %add3A_212 : i32
      %add3A_214 = arith.constant 7 : i32
      %add3A_215 = arith.addi %add3A_213, %add3A_214 : i32
      %lt3A_216 = arith.constant 160 : i32
      %lt3A_217 = arith.cmpi slt, %add3A_215, %lt3A_216 : i32
      %convert_element_type3A_218 = arith.extui %lt3A_217 : i1 to i32
      %cond3A_219 = arith.constant 0 : i32
      %cond3A_220 = arith.cmpi ne, %convert_element_type3A_218, %cond3A_219 : i32
      scf.if %cond3A_220 {
        %add3A_221 = arith.constant 8 : i32
        %add3A_222 = arith.addi %mul3A_70, %add3A_221 : i32
        %add3A_223 = arith.constant 7 : i32
        %add3A_224 = arith.addi %add3A_222, %add3A_223 : i32
        %dma_start3A_225 = arith.constant 0 : i32
        %dma_start3A_226 = tpu.memref_slice %arg6[%add3A_224, %dma_start3A_225] : memref<160x125xi32, #tpu.memory_space<vmem>> -> memref<1x125xi32, #tpu.memory_space<vmem>>
        %dma_start3A_227 = tpu.memref_squeeze %dma_start3A_226 : memref<1x125xi32, #tpu.memory_space<vmem>> -> memref<125xi32, #tpu.memory_space<vmem>>
        %dma_start3A_228 = arith.constant 0 : i32
        %dma_start3A_229 = arith.constant 0 : i32
        %dma_start3A_230 = tpu.memref_slice %arg2[%dma_start3A_228, %dma_start3A_229] : memref<10000x16xf32, #tpu.memory_space<hbm>> -> memref<10000x16xf32, #tpu.memory_space<hbm>>
        tpu.enqueue_indirect_dma source(%dma_start3A_230 : memref<10000x16xf32, #tpu.memory_space<hbm>>) target(%arg15 : memref<125x16xf32, #tpu.memory_space<vmem>>) offsets(%dma_start3A_227 : memref<125xi32, #tpu.memory_space<vmem>>) semaphore(%arg24 : memref<!tpu.dma_semaphore, #tpu.memory_space<semaphore_mem>>)
      } else {
      }
    }
    %scan3A_62 = arith.constant 20 : i32
    %barrier3A_63 = arith.constant 0 : index
    tpu.barrier barrier_id(%barrier3A_63)
    %lt3A_64 = arith.constant 10 : i32
    %lt3A_65 = arith.cmpi slt, %arg1, %lt3A_64 : i32
    %convert_element_type3A_66 = arith.extui %lt3A_65 : i1 to i32
    %cond3A_67 = arith.constant 0 : i32
    %cond3A_68 = arith.cmpi ne, %convert_element_type3A_66, %cond3A_67 : i32
    scf.if %cond3A_68 {
      %mul3A = arith.constant 1000 : i32
      %mul3A_69 = arith.muli %arg1, %mul3A : i32
      %mul3A_70 = arith.constant 1000 : i32
      %mul3A_71 = arith.muli %arg1, %mul3A_70 : i32
      "tpu.region"() ({
        %run_scoped3A = tpu.sem_alloc : memref<!tpu.dma_semaphore, #tpu.memory_space<semaphore_mem>>
        %dma_start3A_72 = arith.constant 0 : i32
        %dma_start3A_73 = tpu.memref_slice %arg5[%arg0, %mul3A_71, %dma_start3A_72] : memref<2x10000x16xf32, #tpu.memory_space<hbm>> -> memref<1x1000x16xf32, #tpu.memory_space<hbm>>
        %dma_start3A_74 = tpu.memref_squeeze %dma_start3A_73 : memref<1x1000x16xf32, #tpu.memory_space<hbm>> -> memref<1000x16xf32, #tpu.memory_space<hbm>>
        %dma_start3A_75 = arith.constant 0 : i32
        %dma_start3A_76 = tpu.memref_slice %arg16[%mul3A_69, %dma_start3A_75] : memref<10000x16xf32, #tpu.memory_space<vmem_shared>> -> memref<1000x16xf32, #tpu.memory_space<vmem_shared>>
        tpu.enqueue_dma source(%dma_start3A_76 : memref<1000x16xf32, #tpu.memory_space<vmem_shared>>) target(%dma_start3A_74 : memref<1000x16xf32, #tpu.memory_space<hbm>>) target_semaphore(%run_scoped3A : memref<!tpu.dma_semaphore, #tpu.memory_space<semaphore_mem>>)
        %dma_wait3A = arith.constant 0 : i32
        %dma_wait3A_77 = tpu.memref_slice %arg5[%arg0, %mul3A_71, %dma_wait3A] : memref<2x10000x16xf32, #tpu.memory_space<hbm>> -> memref<1x1000x16xf32, #tpu.memory_space<hbm>>
        %dma_wait3A_78 = tpu.memref_squeeze %dma_wait3A_77 : memref<1x1000x16xf32, #tpu.memory_space<hbm>> -> memref<1000x16xf32, #tpu.memory_space<hbm>>
        %dma_wait3A_79 = arith.constant 0 : i32
        %dma_wait3A_80 = tpu.memref_slice %arg16[%mul3A_69, %dma_wait3A_79] : memref<10000x16xf32, #tpu.memory_space<vmem_shared>> -> memref<1000x16xf32, #tpu.memory_space<vmem_shared>>
        tpu.wait_dma2 semaphore(%run_scoped3A : memref<!tpu.dma_semaphore, #tpu.memory_space<semaphore_mem>>) src(%dma_wait3A_80 : memref<1000x16xf32, #tpu.memory_space<vmem_shared>>) dst(%dma_wait3A_78 : memref<1000x16xf32, #tpu.memory_space<hbm>>)
        tpu.yield
      }) : () -> ()
    } else {
    }
    return
  }
}

module attributes {stable_mosaic.version = 14 : i64} {
  func.func @_tc_a_body(%arg0: memref<2x10000x8xf32, #tpu.memory_space<vmem>>, %arg1: memref<10000x128xf32, #tpu.memory_space<vmem>>, %arg2: memref<32x128xf32, #tpu.memory_space<vmem>>, %arg3: memref<10000x1xf32, #tpu.memory_space<vmem>>, %arg4: memref<10000x32xf32, #tpu.memory_space<vmem>>) attributes {dimension_semantics = [], scalar_prefetch = 0 : i64, scratch_operands = 0 : i64, tpu.core_type = #tpu.core_type<tc>} {
    %get3A = arith.constant 0 : index
    %get3A_0 = arith.constant 0 : index
    %get3A_1 = arith.constant 0 : index
    %get3A_2 = vector.load %arg0[%get3A, %get3A_0, %get3A_1] : memref<2x10000x8xf32, #tpu.memory_space<vmem>>, vector<1x10000x1xf32>
    %get3A_3 = vector.shape_cast %get3A_2 : vector<1x10000x1xf32> to vector<10000x1xf32>
    %get3A_4 = arith.constant 1 : index
    %get3A_5 = arith.constant 0 : index
    %get3A_6 = arith.constant 0 : index
    %get3A_7 = vector.load %arg0[%get3A_4, %get3A_5, %get3A_6] : memref<2x10000x8xf32, #tpu.memory_space<vmem>>, vector<1x10000x1xf32>
    %get3A_8 = vector.shape_cast %get3A_7 : vector<1x10000x1xf32> to vector<10000x1xf32>
    %add3A = arith.addf %get3A_3, %get3A_8 : vector<10000x1xf32>
    %add3A_9 = arith.constant 1.000000e+00 : f32
    %add3A_10 = vector.broadcast %add3A_9 : f32 to vector<10000x1xf32>
    %add3A_11 = arith.addf %add3A, %add3A_10 : vector<10000x1xf32>
    %rsqrt3A = math.rsqrt %add3A_11 : vector<10000x1xf32>
    %get3A_12 = arith.constant 0 : index
    %get3A_13 = arith.constant 0 : index
    %get3A_14 = vector.load %arg1[%get3A_12, %get3A_13] : memref<10000x128xf32, #tpu.memory_space<vmem>>, vector<10000x128xf32>
    %get3A_15 = arith.constant 0 : index
    %get3A_16 = arith.constant 0 : index
    %get3A_17 = vector.load %arg2[%get3A_15, %get3A_16] : memref<32x128xf32, #tpu.memory_space<vmem>>, vector<32x128xf32>
    %dot_general3A = arith.constant dense<0.000000e+00> : vector<10000x32xf32>
    %dot_general3A_18 = tpu.matmul %get3A_14, %get3A_17, %dot_general3A {dimension_numbers = #tpu.dot_dimension_numbers<[1], [1], [0], [0], [0, 0, 1, 0], [], []>, transpose_lhs_hint = false} : vector<10000x128xf32>, vector<32x128xf32>, vector<10000x32xf32> -> vector<10000x32xf32>
    %swap3A = arith.constant 0 : index
    %swap3A_19 = arith.constant 0 : index
    %swap3A_20 = vector.load %arg3[%swap3A, %swap3A_19] : memref<10000x1xf32, #tpu.memory_space<vmem>>, vector<10000x1xf32>
    tpu.vector_store %arg3[%swap3A, %swap3A_19], %rsqrt3A {strides = array<i32>} : memref<10000x1xf32, #tpu.memory_space<vmem>>, vector<10000x1xf32>,
    %mul3A = vector.broadcast %rsqrt3A : vector<10000x1xf32> to vector<10000x32xf32>
    %mul3A_21 = arith.mulf %dot_general3A_18, %mul3A : vector<10000x32xf32>
    %swap3A_22 = arith.constant 0 : index
    %swap3A_23 = arith.constant 0 : index
    %swap3A_24 = vector.load %arg4[%swap3A_22, %swap3A_23] : memref<10000x32xf32, #tpu.memory_space<vmem>>, vector<10000x32xf32>
    tpu.vector_store %arg4[%swap3A_22, %swap3A_23], %mul3A_21 {strides = array<i32>} : memref<10000x32xf32, #tpu.memory_space<vmem>>, vector<10000x32xf32>,
    return
  }
}

module attributes {stable_mosaic.version = 14 : i64} {
  func.func @_tc_b_body(%arg0: memref<2x10000x32xf32, #tpu.memory_space<vmem>>, %arg1: memref<10000x32xf32, #tpu.memory_space<vmem>>, %arg2: memref<10000x1xf32, #tpu.memory_space<vmem>>, %arg3: memref<32xf32, #tpu.memory_space<vmem>>, %arg4: memref<16x32xf32, #tpu.memory_space<vmem>>, %arg5: memref<10000x16xf32, #tpu.memory_space<vmem>>) attributes {dimension_semantics = [], scalar_prefetch = 0 : i64, scratch_operands = 0 : i64, tpu.core_type = #tpu.core_type<tc>} {
    %get3A = arith.constant 0 : index
    %get3A_0 = arith.constant 0 : index
    %get3A_1 = vector.load %arg2[%get3A, %get3A_0] : memref<10000x1xf32, #tpu.memory_space<vmem>>, vector<10000x1xf32>
    %get3A_2 = arith.constant 0 : index
    %get3A_3 = arith.constant 0 : index
    %get3A_4 = arith.constant 0 : index
    %get3A_5 = vector.load %arg0[%get3A_2, %get3A_3, %get3A_4] : memref<2x10000x32xf32, #tpu.memory_space<vmem>>, vector<1x10000x32xf32>
    %get3A_6 = vector.shape_cast %get3A_5 : vector<1x10000x32xf32> to vector<10000x32xf32>
    %get3A_7 = arith.constant 1 : index
    %get3A_8 = arith.constant 0 : index
    %get3A_9 = arith.constant 0 : index
    %get3A_10 = vector.load %arg0[%get3A_7, %get3A_8, %get3A_9] : memref<2x10000x32xf32, #tpu.memory_space<vmem>>, vector<1x10000x32xf32>
    %get3A_11 = vector.shape_cast %get3A_10 : vector<1x10000x32xf32> to vector<10000x32xf32>
    %add3A = arith.addf %get3A_6, %get3A_11 : vector<10000x32xf32>
    %get3A_12 = arith.constant 0 : index
    %get3A_13 = arith.constant 0 : index
    %get3A_14 = vector.load %arg1[%get3A_12, %get3A_13] : memref<10000x32xf32, #tpu.memory_space<vmem>>, vector<10000x32xf32>
    %add3A_15 = arith.addf %add3A, %get3A_14 : vector<10000x32xf32>
    %mul3A = vector.broadcast %get3A_1 : vector<10000x1xf32> to vector<10000x32xf32>
    %mul3A_16 = arith.mulf %add3A_15, %mul3A : vector<10000x32xf32>
    %get3A_17 = arith.constant 0 : index
    %get3A_18 = vector.load %arg3[%get3A_17] : memref<32xf32, #tpu.memory_space<vmem>>, vector<32xf32>
    %broadcast_in_dim3A = vector.shape_cast %get3A_18 : vector<32xf32> to vector<1x32xf32>
    %add3A_19 = vector.broadcast %broadcast_in_dim3A : vector<1x32xf32> to vector<10000x32xf32>
    %add3A_20 = arith.addf %mul3A_16, %add3A_19 : vector<10000x32xf32>
    %max3A = arith.constant 0.000000e+00 : f32
    %max3A_21 = vector.broadcast %max3A : f32 to vector<10000x32xf32>
    %max3A_22 = arith.maximumf %add3A_20, %max3A_21 : vector<10000x32xf32>
    %get3A_23 = arith.constant 0 : index
    %get3A_24 = arith.constant 0 : index
    %get3A_25 = vector.load %arg4[%get3A_23, %get3A_24] : memref<16x32xf32, #tpu.memory_space<vmem>>, vector<16x32xf32>
    %dot_general3A = arith.constant dense<0.000000e+00> : vector<10000x16xf32>
    %dot_general3A_26 = tpu.matmul %max3A_22, %get3A_25, %dot_general3A {dimension_numbers = #tpu.dot_dimension_numbers<[1], [1], [0], [0], [0, 0, 1, 0], [], []>, transpose_lhs_hint = false} : vector<10000x32xf32>, vector<16x32xf32>, vector<10000x16xf32> -> vector<10000x16xf32>
    %mul3A_27 = vector.broadcast %get3A_1 : vector<10000x1xf32> to vector<10000x16xf32>
    %mul3A_28 = arith.mulf %dot_general3A_26, %mul3A_27 : vector<10000x16xf32>
    %swap3A = arith.constant 0 : index
    %swap3A_29 = arith.constant 0 : index
    %swap3A_30 = vector.load %arg5[%swap3A, %swap3A_29] : memref<10000x16xf32, #tpu.memory_space<vmem>>, vector<10000x16xf32>
    tpu.vector_store %arg5[%swap3A, %swap3A_29], %mul3A_28 {strides = array<i32>} : memref<10000x16xf32, #tpu.memory_space<vmem>>, vector<10000x16xf32>,
    return
  }
}

module attributes {stable_mosaic.version = 14 : i64} {
  func.func @_tc_c1_body(%arg0: memref<2x10000x16xf32, #tpu.memory_space<vmem>>, %arg1: memref<10000x16xf32, #tpu.memory_space<vmem>>, %arg2: memref<10000x1xf32, #tpu.memory_space<vmem>>, %arg3: memref<16xf32, #tpu.memory_space<vmem>>, %arg4: memref<10000x16xf32, #tpu.memory_space<vmem>>) attributes {dimension_semantics = [], scalar_prefetch = 0 : i64, scratch_operands = 0 : i64, tpu.core_type = #tpu.core_type<tc>} {
    %get3A = arith.constant 0 : index
    %get3A_0 = arith.constant 0 : index
    %get3A_1 = arith.constant 0 : index
    %get3A_2 = vector.load %arg0[%get3A, %get3A_0, %get3A_1] : memref<2x10000x16xf32, #tpu.memory_space<vmem>>, vector<1x10000x16xf32>
    %get3A_3 = vector.shape_cast %get3A_2 : vector<1x10000x16xf32> to vector<10000x16xf32>
    %get3A_4 = arith.constant 1 : index
    %get3A_5 = arith.constant 0 : index
    %get3A_6 = arith.constant 0 : index
    %get3A_7 = vector.load %arg0[%get3A_4, %get3A_5, %get3A_6] : memref<2x10000x16xf32, #tpu.memory_space<vmem>>, vector<1x10000x16xf32>
    %get3A_8 = vector.shape_cast %get3A_7 : vector<1x10000x16xf32> to vector<10000x16xf32>
    %add3A = arith.addf %get3A_3, %get3A_8 : vector<10000x16xf32>
    %get3A_9 = arith.constant 0 : index
    %get3A_10 = arith.constant 0 : index
    %get3A_11 = vector.load %arg1[%get3A_9, %get3A_10] : memref<10000x16xf32, #tpu.memory_space<vmem>>, vector<10000x16xf32>
    %add3A_12 = arith.addf %add3A, %get3A_11 : vector<10000x16xf32>
    %get3A_13 = arith.constant 0 : index
    %get3A_14 = arith.constant 0 : index
    %get3A_15 = vector.load %arg2[%get3A_13, %get3A_14] : memref<10000x1xf32, #tpu.memory_space<vmem>>, vector<10000x1xf32>
    %mul3A = vector.broadcast %get3A_15 : vector<10000x1xf32> to vector<10000x16xf32>
    %mul3A_16 = arith.mulf %add3A_12, %mul3A : vector<10000x16xf32>
    %get3A_17 = arith.constant 0 : index
    %get3A_18 = vector.load %arg3[%get3A_17] : memref<16xf32, #tpu.memory_space<vmem>>, vector<16xf32>
    %broadcast_in_dim3A = vector.shape_cast %get3A_18 : vector<16xf32> to vector<1x16xf32>
    %add3A_19 = vector.broadcast %broadcast_in_dim3A : vector<1x16xf32> to vector<10000x16xf32>
    %add3A_20 = arith.addf %mul3A_16, %add3A_19 : vector<10000x16xf32>
    %swap3A = arith.constant 0 : index
    %swap3A_21 = arith.constant 0 : index
    %swap3A_22 = vector.load %arg4[%swap3A, %swap3A_21] : memref<10000x16xf32, #tpu.memory_space<vmem>>, vector<10000x16xf32>
    tpu.vector_store %arg4[%swap3A, %swap3A_21], %add3A_20 {strides = array<i32>} : memref<10000x16xf32, #tpu.memory_space<vmem>>, vector<10000x16xf32>,
    return
  }
}

module attributes {stable_mosaic.version = 14 : i64} {
  func.func @_tc_c2_body(%arg0: i32, %arg1: memref<256x16xf32, #tpu.memory_space<vmem>>, %arg2: memref<10000x16xf32, #tpu.memory_space<vmem>>, %arg3: memref<256x10000xf32, #tpu.memory_space<vmem>>) attributes {dimension_semantics = [#tpu.dimension_semantics<arbitrary>], iteration_bounds = array<i64: 40>, scalar_prefetch = 0 : i64, scratch_operands = 0 : i64, tpu.core_type = #tpu.core_type<tc>, window_params = [{transform_indices = @transform_0, window_bounds = array<i64: 256, 16>}, {pipeline_mode = #tpu.pipeline_mode<synchronous>, transform_indices = @transform_1, window_bounds = array<i64: 10000, 16>}, {transform_indices = @transform_2, window_bounds = array<i64: 256, 10000>}]} {
    %get3A = arith.constant 0 : index
    %get3A_0 = arith.constant 0 : index
    %get3A_1 = vector.load %arg1[%get3A, %get3A_0] : memref<256x16xf32, #tpu.memory_space<vmem>>, vector<256x16xf32>
    %get3A_2 = arith.constant 0 : index
    %get3A_3 = arith.constant 0 : index
    %get3A_4 = vector.load %arg2[%get3A_2, %get3A_3] : memref<10000x16xf32, #tpu.memory_space<vmem>>, vector<10000x16xf32>
    %dot_general3A = arith.constant dense<0.000000e+00> : vector<256x10000xf32>
    %dot_general3A_5 = tpu.matmul %get3A_1, %get3A_4, %dot_general3A {dimension_numbers = #tpu.dot_dimension_numbers<[1], [1], [0], [0], [0, 0, 1, 0], [], []>, transpose_lhs_hint = false} : vector<256x16xf32>, vector<10000x16xf32>, vector<256x10000xf32> -> vector<256x10000xf32>
    %swap3A = arith.constant 0 : index
    %swap3A_6 = arith.constant 0 : index
    %swap3A_7 = vector.load %arg3[%swap3A, %swap3A_6] : memref<256x10000xf32, #tpu.memory_space<vmem>>, vector<256x10000xf32>
    tpu.vector_store %arg3[%swap3A, %swap3A_6], %dot_general3A_5 {strides = array<i32>} : memref<256x10000xf32, #tpu.memory_space<vmem>>, vector<256x10000xf32>,
    return
  }
  func.func @transform_0(%arg0: i32) -> (i32, i32) {
    %c0_i32 = arith.constant 0 : i32
    %c0_i32_0 = arith.constant 0 : i32
    return %arg0, %c0_i32 : i32, i32
  }
  func.func @transform_1(%arg0: i32) -> (i32, i32) {
    %c0_i32 = arith.constant 0 : i32
    %c0_i32_0 = arith.constant 0 : i32
    %c0_i32_1 = arith.constant 0 : i32
    return %c0_i32, %c0_i32_0 : i32, i32
  }
  func.func @transform_2(%arg0: i32) -> (i32, i32) {
    %c0_i32 = arith.constant 0 : i32
    %c0_i32_0 = arith.constant 0 : i32
    return %arg0, %c0_i32 : i32, i32
  }
}

</mosaic_0001>

<sc_bundles>
// kernel: kernel.12.cloned.1.call-start
scs
__scs_entry_jumppad:
0x0: {  	(pc) =	sbr.rel $0x88, $3  }
0x1: {  	(tag) =	ssettag $0x0;
	lr =	simm.s32 $0x1  }
0x2: {  	[smem:$0x3F9B] =	sst lr;
	_ =	strace $0xD0000000  }
0x3: {  	_ = 	snop  }
0x4: {  	_ = 	snop  }
0x5: {  	_ = 	snop  }
0x6: {  	_ = 	snop  }
0x7: {  	_ = 	snop  }
__scs_overlays_trampoline_lowered:
0x8: {  	[smem:$0x3FAA] =	sst s0  }
0x9: {  	[smem:$0x3FAB] =	sst s1  }
0xa: {  	[smem:$0x3FAC] =	sst s2  }
0xb: {  	[smem:$0x3FAD] =	sst s3  }
0xc: {  	[smem:$0x3FAE] =	sst s4  }
0xd: {  	[smem:$0x3FAF] =	sst s5  }
0xe: {  	[smem:$0x3FB0] =	sst s6  }
0xf: {  	[smem:$0x3FB1] =	sst s7  }
0x10: {  	[smem:$0x3FB2] =	sst s8  }
0x11: {  	[smem:$0x3FB3] =	sst s9;
	s0 =	simm.s32 @!p0 $0x0  }
0x12: {  	s1 =	sld [smem:$0x3F99];
	s0 =	simm.s32 @p0 $0x1  }
0x13: {  	[smem:$0x3FB4] =	sst s0;
	s0 =	simm.s32 @!p1 $0x0  }
0x14: {  	s2 =	sld [smem:$0x3F98];
	s0 =	simm.s32 @p1 $0x1  }
0x15: {  	[smem:$0x3FB5] =	sst s0;
	s0 =	simm.s32 @!p2 $0x0  }
0x16: {  	s3 =	sld [smem:$0x3FDB];
	s0 =	simm.s32 @p2 $0x1  }
0x17: {  	s4 =	simm.s32 $0x1BF5;
	[smem:$0x3FB7] =	sst s0  }
0x18: {  	s0 =	sld [smem:$0x3F9A];
	_ =	swait.ge [sflag:s4], $0x0  }
0x19: {  	s7 =	sld [smem:$0x3F9B]  }
0x1a: {  	s8 =	sadd.s32 $0xFFFFE003, lr  }
0x1b: {  	s9 =	sadd.s32 $0xFFFFFEF7, lr;
	s5 =	simm.s32 $0xFFFFFFFF;
	p2 =	slt.u32 s8, $0xFFFFF086  }
0x1c: {  	p1 =	slt.u32 s9, $0xF7A;
	s5 =	simm.s32 @!p2 $0x0  }
0x1d: {  	s5 =	simm.s32 @p1 $0x1;
	p0 =	seq.s32 s7, s2  }
0x1e: {  	s7 =	smul.u32 @!p0 $0xF7A, s2;
	p2 =	seq.s32 @!p0 s5, $0x0  }
0x1f: {  	s9 =	smul.u32 $0xF7A, s1;
	s8 =	simm.s32 @!p0 $0x1BF5;
	p2 =	por !p2, p0  }
0x20: {  	[sflag:s8] =	ssyncset.s32 @!p0 $0xFFFFF086;
	s6 =	sadd.s32 @!p0 s3, s7;
	s7 =	simm.s32 @!p0 $0x108  }
0x21: {  	s3 =	sadd.s32 s3, s9;
	s6 =	sadd.s32 @!p0 $0x88, s6;
	s7 =	simm.s32 @p2 $0x1082  }
0x22: {  	[simem:s7], [sflag:s8] =	dma.local @!p0 [hbm:s6], $0xF7A  }
0x23: {  	s9 =	sor.u32 $0xD0000000, s2;
	s6 =	simm.s32 $0x108;
	_ =	swait.ge @!p0 [sflag:s8], $0x0  }
0x24: {  	s3 =	sadd.s32 $0x88, s3;
	s6 =	simm.s32 @!p1 $0x1082;
	[sflag:s4] =	ssyncset.s32 $0xFFFFF086  }
0x25: {  	[simem:s6], [sflag:s4] =	dma.local [hbm:s3], $0xF7A  }
0x26: {  	[smem:$0x3F9B] =	sst s1;
	(tag) =	ssettag s2;
	_ =	strace s9  }
0x27: {  	s1 =	sld [smem:$0x3FAB]  }
0x28: {  	s2 =	sld [smem:$0x3FAC]  }
0x29: {  	s4 =	sld [smem:$0x3FAE]  }
0x2a: {  	p0 =	seq.s32 s5, $0x0;
	s5 =	sld [smem:$0x3FAF]  }
0x2b: {  	s6 =	sld [smem:$0x3FB0]  }
0x2c: {  	s7 =	sld [smem:$0x3FB1]  }
0x2d: {  	s3 =	simm.s32 $0x108;
	s8 =	sld [smem:$0x3FB2]  }
0x2e: {  	s3 =	simm.s32 @!p0 $0x1082;
	s9 =	sld [smem:$0x3FB3]  }
0x2f: {  	lr =	sadd.s32 s0, s3;
	s0 =	sld [smem:$0x3FAA]  }
0x30: {  	s3 =	sld [smem:$0x3FAD]  }
0x31: {  	[smem:$0x3FB6] =	sst s10  }
0x32: {  	s10 =	sld [smem:$0x3FB4];
	_ =	sdelay $0x3  }
0x33: {  	p0 =	seq.s32 s10, $0x1;
	s10 =	sld [smem:$0x3FB6];
	_ =	sdelay $0x3  }
0x34: {  	[smem:$0x3FB6] =	sst s10  }
0x35: {  	s10 =	sld [smem:$0x3FB5];
	_ =	sdelay $0x3  }
0x36: {  	p1 =	seq.s32 s10, $0x1;
	s10 =	sld [smem:$0x3FB6];
	_ =	sdelay $0x3  }
0x37: {  	[smem:$0x3FB6] =	sst s10  }
0x38: {  	s10 =	sld [smem:$0x3FB7]  }
0x39: {  	_ = 	snop;
	(pc) =	sbr.ind lr, $3  }
0x3a: {  	_ = 	snop  }
0x3b: {  	_ = 	snop  }
0x3c: {  	p2 =	seq.s32 s10, $0x1;
	s10 =	sld [smem:$0x3FB6]  }
0x3d: {  	_ =	shalt  }
0x3e: {  	_ =	shalt  }
0x3f: {  	_ =	shalt  }
0x40: {  	_ =	shalt  }
0x41: {  	_ =	shalt  }
0x42: {  	_ =	shalt  }
0x43: {  	_ =	shalt  }
0x44: {  	_ =	shalt  }
0x45: {  	_ =	shalt  }
0x46: {  	_ =	shalt  }
0x47: {  	_ =	shalt  }
0x48: {  	_ =	shalt  }
0x49: {  	_ =	shalt  }
0x4a: {  	_ =	shalt  }
0x4b: {  	_ =	shalt  }
0x4c: {  	_ =	shalt  }
0x4d: {  	_ =	shalt  }
0x4e: {  	_ =	shalt  }
0x4f: {  	_ =	shalt  }
0x50: {  	_ =	shalt  }
0x51: {  	_ =	shalt  }
0x52: {  	_ =	shalt  }
0x53: {  	_ =	shalt  }
0x54: {  	_ =	shalt  }
0x55: {  	_ =	shalt  }
0x56: {  	_ =	shalt  }
0x57: {  	_ =	shalt  }
0x58: {  	_ =	shalt  }
0x59: {  	_ =	shalt  }
0x5a: {  	_ =	shalt  }
0x5b: {  	_ =	shalt  }
0x5c: {  	_ =	shalt  }
0x5d: {  	_ =	shalt  }
0x5e: {  	_ =	shalt  }
0x5f: {  	_ =	shalt  }
0x60: {  	_ =	shalt  }
0x61: {  	_ =	shalt  }
0x62: {  	_ =	shalt  }
0x63: {  	_ =	shalt  }
0x64: {  	_ =	shalt  }
0x65: {  	_ =	shalt  }
0x66: {  	_ =	shalt  }
0x67: {  	_ =	shalt  }
0x68: {  	_ =	shalt  }
0x69: {  	_ =	shalt  }
0x6a: {  	_ =	shalt  }
0x6b: {  	_ =	shalt  }
0x6c: {  	_ =	shalt  }
0x6d: {  	_ =	shalt  }
0x6e: {  	_ =	shalt  }
0x6f: {  	_ =	shalt  }
0x70: {  	_ =	shalt  }
0x71: {  	_ =	shalt  }
0x72: {  	_ =	shalt  }
0x73: {  	_ =	shalt  }
0x74: {  	_ =	shalt  }
0x75: {  	_ =	shalt  }
0x76: {  	_ =	shalt  }
0x77: {  	_ =	shalt  }
0x78: {  	_ =	shalt  }
0x79: {  	_ =	shalt  }
0x7a: {  	_ =	shalt  }
0x7b: {  	_ =	shalt  }
0x7c: {  	_ =	shalt  }
0x7d: {  	_ =	shalt  }
0x7e: {  	_ =	shalt  }
0x7f: {  	_ =	shalt  }
0x80: {  	_ =	shalt  }
0x81: {  	_ =	shalt  }
0x82: {  	_ =	shalt  }
0x83: {  	_ =	shalt  }
0x84: {  	_ =	shalt  }
0x85: {  	_ =	shalt  }
0x86: {  	_ =	shalt  }
0x87: {  	_ =	shalt  }
.Lfunc_end0:
.L_simem_size_0:
called_computation.1_lowered:
.L_overlay_start_0:
0x88: {  	s2 =	sld [smem:$0x3FD9]  }
0x89: {  	s3 =	sld [smem:$0x3FFE];
	_ =	sdelay $0x1  }
0x8a: {  	s1 =	srdreg.scid  }
0x8b: {  	s0 =	sand.u32 $0x1, s1  }
0x8c: {  	s17 =	sshll.u32 s0, $0xA;
	s2 =	sadd.s32 s3, s2  }
0x8d: {  	s2 =	sadd.s32 s2, s17  }
0x8e: {  	[smem:$0x3FC2] =	sst s2  }
0x8f: {  	_ = 	snop  }
0x90: {  	s2 =	sld [smem:$0x3FD0];
	(tm) =	ssettm $0x1  }
0x91: {  	s18 =	sld [smem:$0x3FFB];
	_ =	sdelay $0x3  }
0x92: {  	_ =	strace s18  }
0x93: {  	s3 =	sld [smem:$0x3FFC];
	_ =	sdelay $0x3  }
0x94: {  	_ =	strace s3  }
0x95: {  	s3 =	sld [smem:$0x3FFD];
	_ =	sdelay $0x3  }
0x96: {  	_ =	strace s3  }
0x97: {  	_ =	strace $0x8FFFFFFF  }
0x98: {  	s19 =	sld [smem:$0x3FDB];
	_ =	sdelay $0x1  }
0x99: {  	s4 =	simm.s32 $_scs_section_size  }
0x9a: {  	s5 =	simm.s32 $_size__tile_overlayer_lowered;
	s6 =	simm.s32 $_tile_overlayer_lowered  }
0x9b: {  	s22 =	simm.s32 $0x1BFF;
	s21 =	sshll.u32 s6, $0x1;
	s3 =	sadd.s32 s4, s19  }
0x9c: {  	s7 =	simm.s32 $0x0;
	s20 =	sshll.u32 s5, $0x1;
	s5 =	sadd.s32 s21, s3  }
0x9d: {  	[timem:s7], [sflag:s22] =	dma.local [hbm:s5], s20  }
0x9e: {  	_ =	swait.ge [sflag:s22], s20  }
0x9f: {  	s4 =	ssub.s32 $0x0, s20;
	[sflag:s22] =	ssyncset.done $0x0  }
0xa0: {  	[sflag:s22] =	ssyncadd.s32 s4;
	_ =	sdelay $0x1  }
0xa1: {  	s23 =	simm.s32 $0x1B8B  }
0xa2: {  	_ =	swait.ge [sflag:s23], $0x1  }
0xa3: {  	[sflag:s23] =	ssyncset.done $0x0  }
0xa4: {  	s25 =	simm.s32 $0x1B8E;
	s24 =	sld [smem:$0x3FFE];
	[sflag:s23] =	ssyncadd.s32 $0xFFFFFFFF  }
0xa5: {  	s26 =	simm.s32 $execute0_lowered;
	[smem:$0x3FD2] =	sst s25  }
0xa6: {  	s5 =	sshll.u32 s26, $0x1;
	_ =	strace $0x80000049;
	[dreg:$0x1] =	wrdreg $0xFFFFFFFF  }
0xa7: {  	s28 =	simm.s32 $_size_execute0_lowered;
	s3 =	sadd.s32 s3, s5;
	[dreg:$0x0] =	wrdreg $0x0  }
0xa8: {  	s5 =	sshll.u32 s28, $0x1;
	[dreg:$0x2] =	wrdreg s3  }
0xa9: {  	[dreg:$0x3] =	wrdreg s5  }
0xaa: {  	[dreg:$0x4] =	wrdreg $0xC0  }
0xab: {  	_ =	task [dreg:s7], $0x5FFFF  }
0xac: {  	[dreg:$0x1] =	wrdreg $0xFFFFFFFF  }
0xad: {  	[dreg:$0x0] =	wrdreg $0x60  }
0xae: {  	[dreg:$0x2] =	wrdreg s2  }
0xaf: {  	[dreg:$0x3] =	wrdreg s24  }
0xb0: {  	[dreg:$0x4] =	wrdreg $0x11D000  }
0xb1: {  	[dreg:$0x5] =	wrdreg $0x9  }
0xb2: {  	_ =	task.clear_ibuf [dreg:s7], $0x6FFFF;
	_ =	strace $0x90000049  }
0xb3: {  	s29 =	simm.s32 $0x9;
	_ =	strace $0x8000004B  }
0xb4: {  	_ =	swait.ge [sflag:s29], $0x1  }
0xb5: {  	[sflag:s29] =	ssyncadd.s32 $0xFFFFFFFF  }
0xb6: {  	_ =	strace $0x9000004B  }
0xb7: {  	_ =	sfence  }
0xb8: {  	s30 =	sld [smem:$0x0];
	_ =	sdelay $0x2  }
0xb9: {  	s31 =	sshll.u32 s1, $0xD;
	s1 =	sshrl.u32 s1, $0x2  }
0xba: {  	s3 =	sand.u32 $0x4000, s31;
	s1 =	sadd.s32 s1, s30  }
0xbb: {  	s0 =	sor.u32 s3, s0;
	s1 =	sshll.u32 s1, $0x11  }
0xbc: {  	s0 =	sor.u32 s1, s0  }
0xbd: {  	s0 =	sadd.s32 $0x8F2B, s0  }
0xbe: {  	[sflag:s0] =	ssyncadd.remote.s32 $0x1  }
0xbf: {  	_ =	sfence.sel $0xFFFF  }
0xc0: {  	[dreg:$0x0] =	wrdreg $0xFFFFFFFF;
	(pc) =	sbr.abs _section_cstart, $3  }
0xc1: {  	[dreg:$0x1] =	wrdreg $0xFFFFFFFF  }
0xc2: {  	_ =	task.clear_ibuf [dreg:s7], $0x2FFFF;
	_ =	strace $0x9FFFFFFF  }
0xc3: {  	(tm) =	ssettm $0x7FFFFFFF  }
tec
execute0_lowered:
.L_overlay_start_1:
0x0: {  	(tag) =	ssettag $0x1  }
0x1: {  	s2 =	rddreg [dreg:$0x0]  }
0x2: {  	s0 =	rddreg [dreg:$0x1]  }
0x3: {  	s3 =	rddreg [dreg:$0x2]  }
0x4: {  	s13 =	stileid.u32;
	s1 =	srdreg.scid;
	s4 =	simm.s32 $0x0  }
0x5: {  	s14 =	simm.s32 $0x7D;
	s15 =	simm.s32 $0xA000;
	s19 =	simm.s32 $0xBF40  }
0x6: {  	s23 =	simm.s32 $0xDE80;
	s28 =	simm.s32 $0xFDC0;
	s30 =	simm.s32 $0x10D60  }
0x7: {  	s31 =	simm.s32 $0x1;
	s16 =	simm.s32 $0x8;
	s5 =	smul.u32 $0x7D00, s13  }
0x8: {  	s17 =	simm.s32 $0x0;
	s1 =	sand.u32 $0x1, s1;
	s11 =	smul.u32 $0x5000, s13  }
0x9: {  	[smem:$0x7FF] =	sst s4;
	s7 =	sadd.s32 $0x1E00, s0;
	s6 =	smul.u32 $0x4E200, s1  }
0xa: {  	p0 =	sgt.u32 s13, $0x9;
	_ =	strace $0x8000004A;
	s9 =	smul.u32 $0x50000, s1  }
0xb: {  	s10 =	ssub.s32 $0x2, s1;
	s1 =	sxor.u32 $0x1, s1;
	s8 =	sshrl.u32 s5, $0x3  }
0xc: {  	s24 =	sshrl.u32 s10, $0x1;
	s1 =	smul.u32 $0x50000, s1;
	s12 =	sadd.s32 s5, s3  }
0xd: {  	s6 =	sadd.s32 s5, s6;
	s8 =	sadd.s32 s8, s0;
	s10 =	ssub.s32 s10, s24  }
0xe: {  	s25 =	sadd.s32 s11, s9;
	s6 =	sshrl.u32 s6, $0x3;
	s26 =	sadd.s32 $0x15E00, s8  }
0xf: {  	s1 =	sadd.s32 s11, s1;
	s9 =	smax.u32 s10, $0x1;
	s11 =	sshrl.u32 @!p0 s12, $0x3  }
.Ltmp0:
0x10: {  	s12 =	simm.s32 $0x9;
	s0 =	sadd.s32 s6, s0;
	(pc) =	sbr.rel .LBB2_1-.Ltmp0, $4  }
0x11: {  	[dreg:$0x4] =	wrdreg s26;
	s6 =	sshrl.u32 s25, $0x3;
	s1 =	sshrl.u32 s1, $0x3  }
0x12: {  	s29 =	sadd.s32 s7, s6;
	s7 =	sadd.s32 s7, s1;
	s8 =	sadd.s32 $0x1FC00, s0  }
0x13: {  	s0 =	sshll.u32 @!p0 s13, $0x6;
	s1 =	simm.s32 $0x5;
	s13 =	simm.s32 $0x7  }
0x14: {  	[dreg:$0x5] =	wrdreg s29;
	s10 =	sor.u32 @!p0 $0x1C09, s0;
	s0 =	simm.s32 $0x3  }
.LBB2_4:
0x15: {  	_ =	swait.ge [sflag:s16], $0xFA0  }
0x16: {  	[sflag:s16] =	ssyncset.done $0x0  }
0x17: {  	[sflag:s16] =	ssyncadd.s32 $0xFFFFF060  }
0x18: {  	[spmem:s3] =	stream.indirect.scatter.add.f32 [tilespmem:s30], [sflag:$0x9], $0x20, s21, s14, $0xb8;
	[tilespmem:$0x16B20] =	vst v63  }
0x19: {  	_ =	swait.ge [sflag:s12], $0xFA0  }
0x1a: {  	s17 =	sadd.s32 $0x1, s17;
	[sflag:s12] =	ssyncset.done $0x0  }
0x1b: {  	p1 =	sne.s32 s17, s9;
	[sflag:s12] =	ssyncadd.s32 $0xFFFFF060  }
.Ltmp1:
0x1c: {  	s5 =	simm.s32 @!p0 $0x9;
	[bflag:$0x0] =	sbarrier.arrive $0xFFFF;
	(pc) =	sbr.rel @!p1 .LBB2_5-.Ltmp1, $4  }
0x1d: {  	[hbm:s8], [sflag:s10] =	dma.local @!p0 [spmem:s11], $0xFA0  }
0x1e: {  	_ =	swait.ge @!p0 [sflag:s5], $0xFA0  }
0x1f: {  	[sflag:s5] =	ssyncset.done @!p0 $0x0  }
0x20: {  	[sflag:s5] =	ssyncadd.s32 @!p0 $0xFFFFF060  }
.LBB2_1:
0x21: {  	s5 =	rddreg [dreg:$0x4];
	s18 =	simm.s32 @!p0 $0x9  }
0x22: {  	[spmem:s11], [sflag:s10] =	dma.local @!p0 [hbm:s5], $0xFA0  }
0x23: {  	_ =	swait.ge @!p0 [sflag:s18], $0xFA0  }
0x24: {  	[sflag:s18] =	ssyncset.done @!p0 $0x0  }
0x25: {  	s25 =	rddreg [dreg:$0x5];
	[sflag:s18] =	ssyncadd.s32 @!p0 $0xFFFFF060  }
0x26: {  	[tilespmem:s4], [sflag:$0x9] =	stream.linear.gather [hbm4b:s25+s4], $0x5000, $0x38;
	[tilespmem:$0x16B20] =	vst v63  }
0x27: {  	_ =	swait.ge [sflag:s12], $0x5000  }
0x28: {  	[sflag:s12] =	ssyncset.done $0x0  }
0x29: {  	s26 =	simm.s32 $0x5000;
	[sflag:s12] =	ssyncadd.s32 $0xFFFFB000  }
0x2a: {  	[tilespmem:s26], [sflag:$0x9] =	stream.linear.gather [hbm4b:s7+s4], $0x5000, $0x38;
	[tilespmem:$0x16B20] =	vst v63  }
0x2b: {  	_ =	swait.ge [sflag:s12], $0x5000  }
0x2c: {  	[sflag:s12] =	ssyncset.done $0x0  }
0x2d: {  	[sflag:s12] =	ssyncadd.s32 $0xFFFFB000  }
0x2e: {  	[bflag:$0x0] =	sbarrier.arrive $0xFFFF  }
0x2f: {  	[tilespmem:s15], [sflag:$0x1] =	stream.indirect.gather [hbm4b:s2+s14], $0x20, s4, s14, $0xb8;
	[tilespmem:$0x16B20] =	vst v63  }
0x30: {  	s29 =	simm.s32 $0x80;
	s6 =	simm.s32 $0xAFA0  }
0x31: {  	[tilespmem:s6], [sflag:$0x2] =	stream.indirect.gather [hbm4b:s2+s14], $0x20, s29, s14, $0xb8;
	[tilespmem:$0x16B20] =	vst v63  }
0x32: {  	s18 =	simm.s32 $0x100  }
0x33: {  	[tilespmem:s19], [sflag:$0x3] =	stream.indirect.gather [hbm4b:s2+s14], $0x20, s18, s14, $0xb8;
	[tilespmem:$0x16B20] =	vst v63  }
0x34: {  	s20 =	simm.s32 $0x180;
	s21 =	simm.s32 $0xCEE0  }
0x35: {  	[tilespmem:s21], [sflag:$0x4] =	stream.indirect.gather [hbm4b:s2+s14], $0x20, s20, s14, $0xb8;
	[tilespmem:$0x16B20] =	vst v63  }
0x36: {  	s22 =	simm.s32 $0x200  }
0x37: {  	[tilespmem:s23], [sflag:$0x5] =	stream.indirect.gather [hbm4b:s2+s14], $0x20, s22, s14, $0xb8;
	[tilespmem:$0x16B20] =	vst v63  }
0x38: {  	s24 =	simm.s32 $0x280;
	s25 =	simm.s32 $0xEE20  }
0x39: {  	[tilespmem:s25], [sflag:$0x6] =	stream.indirect.gather [hbm4b:s2+s14], $0x20, s24, s14, $0xb8;
	[tilespmem:$0x16B20] =	vst v63  }
0x3a: {  	s26 =	simm.s32 $0x300  }
0x3b: {  	[tilespmem:s28], [sflag:$0x7] =	stream.indirect.gather [hbm4b:s2+s14], $0x20, s26, s14, $0xb8;
	[tilespmem:$0x16B20] =	vst v63  }
0x3c: {  	s29 =	simm.s32 $0x380;
	s18 =	simm.s32 $0x0  }
0x3d: {  	[tilespmem:s30], [sflag:$0x8] =	stream.indirect.gather [hbm4b:s2+s14], $0x20, s29, s14, $0xb8;
	[tilespmem:$0x16B20] =	vst v63  }
.LBB2_2:
0x3e: {  	_ =	swait.ge [sflag:s31], $0xFA0  }
0x3f: {  	s20 =	sshra.s32 s18, $0x2;
	[sflag:s31] =	ssyncset.done $0x0  }
0x40: {  	s21 =	sadd.s32 $0x5000, s20;
	[sflag:s31] =	ssyncadd.s32 $0xFFFFF060  }
0x41: {  	[spmem:s3] =	stream.indirect.scatter.add.f32 [tilespmem:s15], [sflag:$0x9], $0x20, s21, s14, $0xb8;
	[tilespmem:$0x16B20] =	vst v63  }
0x42: {  	_ =	swait.ge [sflag:s12], $0xFA0  }
0x43: {  	p1 =	seq.s32 s18, $0x13000;
	[sflag:s12] =	ssyncset.done $0x0  }
0x44: {  	s21 =	simm.s32 @p1 $0x2;
	[sflag:s12] =	ssyncadd.s32 $0xFFFFF060  }
0x45: {  	s24 =	sshra.s32 @p1 s18, $0x2;
	_ =	swait.ge @p1 [sflag:s21], $0xFA0  }
0x46: {  	s25 =	simm.s32 @p1 $0x7D;
	s22 =	simm.s32 @p1 $0xAFA0;
	[sflag:s21] =	ssyncset.done @p1 $0x0  }
0x47: {  	s26 =	simm.s32 @p1 $0x9;
	[sflag:s21] =	ssyncadd.s32 @p1 $0xFFFFF060;
	s21 =	sadd.s32 @p1 $0x5080, s24  }
0x48: {  	[spmem:s3] =	stream.indirect.scatter.add.f32 @p1 [tilespmem:s22], [sflag:$0x9], $0x20, s21, s25, $0xb8;
	[tilespmem:$0x16B20] =	vst v63  }
0x49: {  	_ =	swait.ge @p1 [sflag:s26], $0xFA0  }
0x4a: {  	s5 =	simm.s32 @!p1 $0xA000;
	s21 =	sshra.s32 @!p1 s18, $0x2;
	[sflag:s26] =	ssyncset.done @p1 $0x0  }
0x4b: {  	s22 =	simm.s32 @!p1 $0x7D;
	s29 =	sadd.s32 @!p1 $0x400, s21;
	[sflag:s26] =	ssyncadd.s32 @p1 $0xFFFFF060  }
0x4c: {  	[tilespmem:s5], [sflag:$0x1] =	stream.indirect.gather @!p1 [hbm4b:s2+s22], $0x20, s29, s22, $0xb8;
	[tilespmem:$0x16B20] =	vst v63  }
0x4d: {  	s5 =	simm.s32 @!p1 $0x2  }
0x4e: {  	_ =	swait.ge @!p1 [sflag:s5], $0xFA0  }
0x4f: {  	s6 =	simm.s32 @!p1 $0xAFA0;
	[sflag:s5] =	ssyncset.done @!p1 $0x0  }
0x50: {  	s29 =	simm.s32 @!p1 $0x9;
	[sflag:s5] =	ssyncadd.s32 @!p1 $0xFFFFF060;
	s5 =	sadd.s32 @!p1 $0x5080, s21  }
0x51: {  	[spmem:s3] =	stream.indirect.scatter.add.f32 @!p1 [tilespmem:s6], [sflag:$0x9], $0x20, s5, s22, $0xb8;
	[tilespmem:$0x16B20] =	vst v63  }
0x52: {  	_ =	swait.ge @!p1 [sflag:s29], $0xFA0  }
0x53: {  	[sflag:s29] =	ssyncset.done @!p1 $0x0  }
0x54: {  	s5 =	sadd.s32 @!p1 $0x480, s21;
	[sflag:s29] =	ssyncadd.s32 @!p1 $0xFFFFF060  }
0x55: {  	[tilespmem:s6], [sflag:$0x2] =	stream.indirect.gather @!p1 [hbm4b:s2+s22], $0x20, s5, s22, $0xb8;
	[tilespmem:$0x16B20] =	vst v63  }
0x56: {  	_ =	swait.ge [sflag:s0], $0xFA0  }
0x57: {  	[sflag:s0] =	ssyncset.done $0x0  }
0x58: {  	s6 =	sadd.s32 $0x5100, s20;
	[sflag:s0] =	ssyncadd.s32 $0xFFFFF060  }
0x59: {  	[spmem:s3] =	stream.indirect.scatter.add.f32 [tilespmem:s19], [sflag:$0x9], $0x20, s6, s14, $0xb8;
	[tilespmem:$0x16B20] =	vst v63  }
0x5a: {  	_ =	swait.ge [sflag:s12], $0xFA0  }
0x5b: {  	[sflag:s12] =	ssyncset.done $0x0  }
0x5c: {  	s5 =	simm.s32 @p1 $0x4;
	[sflag:s12] =	ssyncadd.s32 $0xFFFFF060  }
0x5d: {  	_ =	swait.ge @p1 [sflag:s5], $0xFA0  }
0x5e: {  	[sflag:s5] =	ssyncset.done @p1 $0x0  }
0x5f: {  	s6 =	simm.s32 @p1 $0xCEE0;
	[sflag:s5] =	ssyncadd.s32 @p1 $0xFFFFF060;
	s5 =	sadd.s32 @p1 $0x5180, s24  }
0x60: {  	[spmem:s3] =	stream.indirect.scatter.add.f32 @p1 [tilespmem:s6], [sflag:$0x9], $0x20, s5, s25, $0xb8;
	[tilespmem:$0x16B20] =	vst v63  }
0x61: {  	_ =	swait.ge @p1 [sflag:s26], $0xFA0  }
0x62: {  	[sflag:s26] =	ssyncset.done @p1 $0x0  }
0x63: {  	s5 =	sadd.s32 @!p1 $0x500, s21;
	s6 =	simm.s32 @!p1 $0xBF40;
	[sflag:s26] =	ssyncadd.s32 @p1 $0xFFFFF060  }
0x64: {  	[tilespmem:s6], [sflag:$0x3] =	stream.indirect.gather @!p1 [hbm4b:s2+s22], $0x20, s5, s22, $0xb8;
	[tilespmem:$0x16B20] =	vst v63  }
0x65: {  	s5 =	simm.s32 @!p1 $0x4  }
0x66: {  	_ =	swait.ge @!p1 [sflag:s5], $0xFA0  }
0x67: {  	[sflag:s5] =	ssyncset.done @!p1 $0x0  }
0x68: {  	s6 =	simm.s32 @!p1 $0xCEE0;
	[sflag:s5] =	ssyncadd.s32 @!p1 $0xFFFFF060;
	s5 =	sadd.s32 @!p1 $0x5180, s21  }
0x69: {  	[spmem:s3] =	stream.indirect.scatter.add.f32 @!p1 [tilespmem:s6], [sflag:$0x9], $0x20, s5, s22, $0xb8;
	[tilespmem:$0x16B20] =	vst v63  }
0x6a: {  	_ =	swait.ge @!p1 [sflag:s29], $0xFA0  }
0x6b: {  	[sflag:s29] =	ssyncset.done @!p1 $0x0  }
0x6c: {  	s5 =	sadd.s32 @!p1 $0x580, s21;
	[sflag:s29] =	ssyncadd.s32 @!p1 $0xFFFFF060  }
0x6d: {  	[tilespmem:s6], [sflag:$0x4] =	stream.indirect.gather @!p1 [hbm4b:s2+s22], $0x20, s5, s22, $0xb8;
	[tilespmem:$0x16B20] =	vst v63  }
0x6e: {  	_ =	swait.ge [sflag:s1], $0xFA0  }
0x6f: {  	[sflag:s1] =	ssyncset.done $0x0  }
0x70: {  	s6 =	sadd.s32 $0x5200, s20;
	[sflag:s1] =	ssyncadd.s32 $0xFFFFF060  }
0x71: {  	[spmem:s3] =	stream.indirect.scatter.add.f32 [tilespmem:s23], [sflag:$0x9], $0x20, s6, s14, $0xb8;
	[tilespmem:$0x16B20] =	vst v63  }
0x72: {  	_ =	swait.ge [sflag:s12], $0xFA0  }
0x73: {  	[sflag:s12] =	ssyncset.done $0x0  }
0x74: {  	s5 =	simm.s32 @p1 $0x6;
	[sflag:s12] =	ssyncadd.s32 $0xFFFFF060  }
0x75: {  	_ =	swait.ge @p1 [sflag:s5], $0xFA0  }
0x76: {  	[sflag:s5] =	ssyncset.done @p1 $0x0  }
0x77: {  	s6 =	simm.s32 @p1 $0xEE20;
	[sflag:s5] =	ssyncadd.s32 @p1 $0xFFFFF060;
	s5 =	sadd.s32 @p1 $0x5280, s24  }
0x78: {  	[spmem:s3] =	stream.indirect.scatter.add.f32 @p1 [tilespmem:s6], [sflag:$0x9], $0x20, s5, s25, $0xb8;
	[tilespmem:$0x16B20] =	vst v63  }
0x79: {  	_ =	swait.ge @p1 [sflag:s26], $0xFA0  }
0x7a: {  	[sflag:s26] =	ssyncset.done @p1 $0x0  }
0x7b: {  	s5 =	sadd.s32 @!p1 $0x600, s21;
	s6 =	simm.s32 @!p1 $0xDE80;
	[sflag:s26] =	ssyncadd.s32 @p1 $0xFFFFF060  }
0x7c: {  	[tilespmem:s6], [sflag:$0x5] =	stream.indirect.gather @!p1 [hbm4b:s2+s22], $0x20, s5, s22, $0xb8;
	[tilespmem:$0x16B20] =	vst v63  }
0x7d: {  	s5 =	simm.s32 @!p1 $0x6  }
0x7e: {  	_ =	swait.ge @!p1 [sflag:s5], $0xFA0  }
0x7f: {  	[sflag:s5] =	ssyncset.done @!p1 $0x0  }
0x80: {  	s6 =	simm.s32 @!p1 $0xEE20;
	[sflag:s5] =	ssyncadd.s32 @!p1 $0xFFFFF060;
	s5 =	sadd.s32 @!p1 $0x5280, s21  }
0x81: {  	[spmem:s3] =	stream.indirect.scatter.add.f32 @!p1 [tilespmem:s6], [sflag:$0x9], $0x20, s5, s22, $0xb8;
	[tilespmem:$0x16B20] =	vst v63  }
0x82: {  	_ =	swait.ge @!p1 [sflag:s29], $0xFA0  }
0x83: {  	[sflag:s29] =	ssyncset.done @!p1 $0x0  }
0x84: {  	s5 =	sadd.s32 @!p1 $0x680, s21;
	[sflag:s29] =	ssyncadd.s32 @!p1 $0xFFFFF060  }
0x85: {  	[tilespmem:s6], [sflag:$0x6] =	stream.indirect.gather @!p1 [hbm4b:s2+s22], $0x20, s5, s22, $0xb8;
	[tilespmem:$0x16B20] =	vst v63  }
0x86: {  	_ =	swait.ge [sflag:s13], $0xFA0  }
0x87: {  	[sflag:s13] =	ssyncset.done $0x0  }
.Ltmp2:
0x88: {  	s29 =	sadd.s32 $0x5300, s20;
	[sflag:s13] =	ssyncadd.s32 $0xFFFFF060;
	(pc) =	sbr.rel @p1 .LBB2_4-.Ltmp2, $4  }
0x89: {  	[spmem:s3] =	stream.indirect.scatter.add.f32 [tilespmem:s28], [sflag:$0x9], $0x20, s29, s14, $0xb8;
	[tilespmem:$0x16B20] =	vst v63  }
0x8a: {  	_ =	swait.ge [sflag:s12], $0xFA0  }
0x8b: {  	[sflag:s12] =	ssyncset.done $0x0  }
0x8c: {  	s21 =	sadd.s32 $0x5380, s20;
	[sflag:s12] =	ssyncadd.s32 $0xFFFFF060  }
0x8d: {  	s5 =	sadd.s32 $0x700, s20  }
0x8e: {  	[tilespmem:s28], [sflag:$0x7] =	stream.indirect.gather [hbm4b:s2+s14], $0x20, s5, s14, $0xb8;
	[tilespmem:$0x16B20] =	vst v63  }
0x8f: {  	_ =	swait.ge [sflag:s16], $0xFA0  }
0x90: {  	[sflag:s16] =	ssyncset.done $0x0  }
0x91: {  	[sflag:s16] =	ssyncadd.s32 $0xFFFFF060  }
0x92: {  	[spmem:s3] =	stream.indirect.scatter.add.f32 [tilespmem:s30], [sflag:$0x9], $0x20, s21, s14, $0xb8;
	[tilespmem:$0x16B20] =	vst v63  }
.Ltmp3:
0x93: {  	_ = 	snop;
	(pc) =	sbr.rel .LBB2_2-.Ltmp3, $4  }
0x94: {  	_ =	swait.ge [sflag:s12], $0xFA0  }
0x95: {  	[sflag:s12] =	ssyncset.done $0x0  }
0x96: {  	s29 =	sadd.s32 $0x780, s20;
	s18 =	sadd.s32 $0x1000, s18;
	[sflag:s12] =	ssyncadd.s32 $0xFFFFF060  }
0x97: {  	[tilespmem:s30], [sflag:$0x8] =	stream.indirect.gather [hbm4b:s2+s14], $0x20, s29, s14, $0xb8;
	[tilespmem:$0x16B20] =	vst v63  }
.LBB2_5:
0x98: {  	_ =	sfence.sel $0x180000  }
0x99: {  	[bflag:$0x0] =	sbarrier.arrive $0xFFFF  }
0x9a: {  	_ =	strace $0x9000004A  }
0x9b: {  	s0 =	stileid.u32;
	[bflag:$0x2] =	sbarrier.arrive $0xFFFF  }
0x9c: {  	p0 =	sne.s32 s0, $0x0;
	s0 =	rddreg [dreg:$0x3]  }
0x9d: {  	s0 =	sadd.s32 @!p0 $0x100000, s0  }
0x9e: {  	[sflag:s0] =	ssyncadd.tile.s32 @!p0 $0x1;
	_ =	shalt  }
.Lfunc_end2:
_tile_overlayer_lowered:
.L_overlay_start_2:
0x9f: {  	(tag) =	ssettag $0x2  }
0xa0: {  	s0 =	rddreg [dreg:$0x0];
	s2 =	stileid.u32  }
0xa1: {  	s1 =	rddreg [dreg:$0x1];
	p0 =	sne.s32 s2, $0x0  }
0xa2: {  	s3 =	rddreg [dreg:$0x2];
	[bflag:$0x3] =	sbarrier.arrive $0xFFFF;
	s2 =	simm.s32 @!p0 $0x1C09  }
0xa3: {  	[timem:s3], [sflag:s2] =	dma.local @!p0 [hbm:s0], s1  }
0xa4: {  	s0 =	simm.s32 @!p0 $0x9  }
0xa5: {  	_ =	swait.ge @!p0 [sflag:s0], s1  }
0xa6: {  	s1 =	ssub.s32 @!p0 $0x0, s1;
	[sflag:s0] =	ssyncset.done @!p0 $0x0  }
0xa7: {  	[sflag:s0] =	ssyncadd.s32 @!p0 s1  }
0xa8: {  	[bflag:$0x3] =	sbarrier.arrive $0xFFFF  }
0xa9: {  	_ =	shalt  }

// kernel: kernel.15.cloned.1.call-start
scs
__scs_entry_jumppad:
0x0: {  	(pc) =	sbr.rel $0x88, $3  }
0x1: {  	(tag) =	ssettag $0x0;
	lr =	simm.s32 $0x1  }
0x2: {  	[smem:$0x3F9B] =	sst lr;
	_ =	strace $0xD0000000  }
0x3: {  	_ = 	snop  }
0x4: {  	_ = 	snop  }
0x5: {  	_ = 	snop  }
0x6: {  	_ = 	snop  }
0x7: {  	_ = 	snop  }
__scs_overlays_trampoline_lowered:
0x8: {  	[smem:$0x3FAA] =	sst s0  }
0x9: {  	[smem:$0x3FAB] =	sst s1  }
0xa: {  	[smem:$0x3FAC] =	sst s2  }
0xb: {  	[smem:$0x3FAD] =	sst s3  }
0xc: {  	[smem:$0x3FAE] =	sst s4  }
0xd: {  	[smem:$0x3FAF] =	sst s5  }
0xe: {  	[smem:$0x3FB0] =	sst s6  }
0xf: {  	[smem:$0x3FB1] =	sst s7  }
0x10: {  	[smem:$0x3FB2] =	sst s8  }
0x11: {  	[smem:$0x3FB3] =	sst s9;
	s0 =	simm.s32 @!p0 $0x0  }
0x12: {  	s1 =	sld [smem:$0x3F99];
	s0 =	simm.s32 @p0 $0x1  }
0x13: {  	[smem:$0x3FB4] =	sst s0;
	s0 =	simm.s32 @!p1 $0x0  }
0x14: {  	s2 =	sld [smem:$0x3F98];
	s0 =	simm.s32 @p1 $0x1  }
0x15: {  	[smem:$0x3FB5] =	sst s0;
	s0 =	simm.s32 @!p2 $0x0  }
0x16: {  	s3 =	sld [smem:$0x3FDB];
	s0 =	simm.s32 @p2 $0x1  }
0x17: {  	s4 =	simm.s32 $0x1BF5;
	[smem:$0x3FB7] =	sst s0  }
0x18: {  	s0 =	sld [smem:$0x3F9A];
	_ =	swait.ge [sflag:s4], $0x0  }
0x19: {  	s7 =	sld [smem:$0x3F9B]  }
0x1a: {  	s8 =	sadd.s32 $0xFFFFE003, lr  }
0x1b: {  	s9 =	sadd.s32 $0xFFFFFEF7, lr;
	s5 =	simm.s32 $0xFFFFFFFF;
	p2 =	slt.u32 s8, $0xFFFFF086  }
0x1c: {  	p1 =	slt.u32 s9, $0xF7A;
	s5 =	simm.s32 @!p2 $0x0  }
0x1d: {  	s5 =	simm.s32 @p1 $0x1;
	p0 =	seq.s32 s7, s2  }
0x1e: {  	s7 =	smul.u32 @!p0 $0xF7A, s2;
	p2 =	seq.s32 @!p0 s5, $0x0  }
0x1f: {  	s9 =	smul.u32 $0xF7A, s1;
	s8 =	simm.s32 @!p0 $0x1BF5;
	p2 =	por !p2, p0  }
0x20: {  	[sflag:s8] =	ssyncset.s32 @!p0 $0xFFFFF086;
	s6 =	sadd.s32 @!p0 s3, s7;
	s7 =	simm.s32 @!p0 $0x108  }
0x21: {  	s3 =	sadd.s32 s3, s9;
	s6 =	sadd.s32 @!p0 $0x88, s6;
	s7 =	simm.s32 @p2 $0x1082  }
0x22: {  	[simem:s7], [sflag:s8] =	dma.local @!p0 [hbm:s6], $0xF7A  }
0x23: {  	s9 =	sor.u32 $0xD0000000, s2;
	s6 =	simm.s32 $0x108;
	_ =	swait.ge @!p0 [sflag:s8], $0x0  }
0x24: {  	s3 =	sadd.s32 $0x88, s3;
	s6 =	simm.s32 @!p1 $0x1082;
	[sflag:s4] =	ssyncset.s32 $0xFFFFF086  }
0x25: {  	[simem:s6], [sflag:s4] =	dma.local [hbm:s3], $0xF7A  }
0x26: {  	[smem:$0x3F9B] =	sst s1;
	(tag) =	ssettag s2;
	_ =	strace s9  }
0x27: {  	s1 =	sld [smem:$0x3FAB]  }
0x28: {  	s2 =	sld [smem:$0x3FAC]  }
0x29: {  	s4 =	sld [smem:$0x3FAE]  }
0x2a: {  	p0 =	seq.s32 s5, $0x0;
	s5 =	sld [smem:$0x3FAF]  }
0x2b: {  	s6 =	sld [smem:$0x3FB0]  }
0x2c: {  	s7 =	sld [smem:$0x3FB1]  }
0x2d: {  	s3 =	simm.s32 $0x108;
	s8 =	sld [smem:$0x3FB2]  }
0x2e: {  	s3 =	simm.s32 @!p0 $0x1082;
	s9 =	sld [smem:$0x3FB3]  }
0x2f: {  	lr =	sadd.s32 s0, s3;
	s0 =	sld [smem:$0x3FAA]  }
0x30: {  	s3 =	sld [smem:$0x3FAD]  }
0x31: {  	[smem:$0x3FB6] =	sst s10  }
0x32: {  	s10 =	sld [smem:$0x3FB4];
	_ =	sdelay $0x3  }
0x33: {  	p0 =	seq.s32 s10, $0x1;
	s10 =	sld [smem:$0x3FB6];
	_ =	sdelay $0x3  }
0x34: {  	[smem:$0x3FB6] =	sst s10  }
0x35: {  	s10 =	sld [smem:$0x3FB5];
	_ =	sdelay $0x3  }
0x36: {  	p1 =	seq.s32 s10, $0x1;
	s10 =	sld [smem:$0x3FB6];
	_ =	sdelay $0x3  }
0x37: {  	[smem:$0x3FB6] =	sst s10  }
0x38: {  	s10 =	sld [smem:$0x3FB7]  }
0x39: {  	_ = 	snop;
	(pc) =	sbr.ind lr, $3  }
0x3a: {  	_ = 	snop  }
0x3b: {  	_ = 	snop  }
0x3c: {  	p2 =	seq.s32 s10, $0x1;
	s10 =	sld [smem:$0x3FB6]  }
0x3d: {  	_ =	shalt  }
0x3e: {  	_ =	shalt  }
0x3f: {  	_ =	shalt  }
0x40: {  	_ =	shalt  }
0x41: {  	_ =	shalt  }
0x42: {  	_ =	shalt  }
0x43: {  	_ =	shalt  }
0x44: {  	_ =	shalt  }
0x45: {  	_ =	shalt  }
0x46: {  	_ =	shalt  }
0x47: {  	_ =	shalt  }
0x48: {  	_ =	shalt  }
0x49: {  	_ =	shalt  }
0x4a: {  	_ =	shalt  }
0x4b: {  	_ =	shalt  }
0x4c: {  	_ =	shalt  }
0x4d: {  	_ =	shalt  }
0x4e: {  	_ =	shalt  }
0x4f: {  	_ =	shalt  }
0x50: {  	_ =	shalt  }
0x51: {  	_ =	shalt  }
0x52: {  	_ =	shalt  }
0x53: {  	_ =	shalt  }
0x54: {  	_ =	shalt  }
0x55: {  	_ =	shalt  }
0x56: {  	_ =	shalt  }
0x57: {  	_ =	shalt  }
0x58: {  	_ =	shalt  }
0x59: {  	_ =	shalt  }
0x5a: {  	_ =	shalt  }
0x5b: {  	_ =	shalt  }
0x5c: {  	_ =	shalt  }
0x5d: {  	_ =	shalt  }
0x5e: {  	_ =	shalt  }
0x5f: {  	_ =	shalt  }
0x60: {  	_ =	shalt  }
0x61: {  	_ =	shalt  }
0x62: {  	_ =	shalt  }
0x63: {  	_ =	shalt  }
0x64: {  	_ =	shalt  }
0x65: {  	_ =	shalt  }
0x66: {  	_ =	shalt  }
0x67: {  	_ =	shalt  }
0x68: {  	_ =	shalt  }
0x69: {  	_ =	shalt  }
0x6a: {  	_ =	shalt  }
0x6b: {  	_ =	shalt  }
0x6c: {  	_ =	shalt  }
0x6d: {  	_ =	shalt  }
0x6e: {  	_ =	shalt  }
0x6f: {  	_ =	shalt  }
0x70: {  	_ =	shalt  }
0x71: {  	_ =	shalt  }
0x72: {  	_ =	shalt  }
0x73: {  	_ =	shalt  }
0x74: {  	_ =	shalt  }
0x75: {  	_ =	shalt  }
0x76: {  	_ =	shalt  }
0x77: {  	_ =	shalt  }
0x78: {  	_ =	shalt  }
0x79: {  	_ =	shalt  }
0x7a: {  	_ =	shalt  }
0x7b: {  	_ =	shalt  }
0x7c: {  	_ =	shalt  }
0x7d: {  	_ =	shalt  }
0x7e: {  	_ =	shalt  }
0x7f: {  	_ =	shalt  }
0x80: {  	_ =	shalt  }
0x81: {  	_ =	shalt  }
0x82: {  	_ =	shalt  }
0x83: {  	_ =	shalt  }
0x84: {  	_ =	shalt  }
0x85: {  	_ =	shalt  }
0x86: {  	_ =	shalt  }
0x87: {  	_ =	shalt  }
.Lfunc_end0:
.L_simem_size_0:
called_computation.2_lowered:
.L_overlay_start_0:
0x88: {  	s2 =	sld [smem:$0x3FD9]  }
0x89: {  	s3 =	sld [smem:$0x3FFE];
	_ =	sdelay $0x1  }
0x8a: {  	s1 =	srdreg.scid  }
0x8b: {  	s0 =	sand.u32 $0x1, s1  }
0x8c: {  	s17 =	sshll.u32 s0, $0xA;
	s2 =	sadd.s32 s3, s2  }
0x8d: {  	s2 =	sadd.s32 s2, s17  }
0x8e: {  	[smem:$0x3FC2] =	sst s2  }
0x8f: {  	_ = 	snop  }
0x90: {  	s2 =	sld [smem:$0x3FD0];
	(tm) =	ssettm $0x1  }
0x91: {  	s18 =	sld [smem:$0x3FFB];
	_ =	sdelay $0x3  }
0x92: {  	_ =	strace s18  }
0x93: {  	s3 =	sld [smem:$0x3FFC];
	_ =	sdelay $0x3  }
0x94: {  	_ =	strace s3  }
0x95: {  	s3 =	sld [smem:$0x3FFD];
	_ =	sdelay $0x3  }
0x96: {  	_ =	strace s3  }
0x97: {  	_ =	strace $0x8FFFFFFF  }
0x98: {  	s19 =	sld [smem:$0x3FDB];
	_ =	sdelay $0x1  }
0x99: {  	s4 =	simm.s32 $_scs_section_size  }
0x9a: {  	s5 =	simm.s32 $_size__tile_overlayer_lowered;
	s6 =	simm.s32 $_tile_overlayer_lowered  }
0x9b: {  	s22 =	simm.s32 $0x1BFF;
	s21 =	sshll.u32 s6, $0x1;
	s3 =	sadd.s32 s4, s19  }
0x9c: {  	s7 =	simm.s32 $0x0;
	s20 =	sshll.u32 s5, $0x1;
	s5 =	sadd.s32 s21, s3  }
0x9d: {  	[timem:s7], [sflag:s22] =	dma.local [hbm:s5], s20  }
0x9e: {  	_ =	swait.ge [sflag:s22], s20  }
0x9f: {  	s4 =	ssub.s32 $0x0, s20;
	[sflag:s22] =	ssyncset.done $0x0  }
0xa0: {  	[sflag:s22] =	ssyncadd.s32 s4;
	_ =	sdelay $0x1  }
0xa1: {  	s23 =	simm.s32 $0x1B8B  }
0xa2: {  	_ =	swait.ge [sflag:s23], $0x1  }
0xa3: {  	[sflag:s23] =	ssyncset.done $0x0  }
0xa4: {  	s25 =	simm.s32 $0x1B8E;
	s24 =	sld [smem:$0x3FFE];
	[sflag:s23] =	ssyncadd.s32 $0xFFFFFFFF  }
0xa5: {  	s26 =	simm.s32 $execute0_lowered;
	[smem:$0x3FD2] =	sst s25  }
0xa6: {  	s5 =	sshll.u32 s26, $0x1;
	_ =	strace $0x8000004C;
	[dreg:$0x1] =	wrdreg $0xFFFFFFFF  }
0xa7: {  	s28 =	simm.s32 $_size_execute0_lowered;
	s3 =	sadd.s32 s3, s5;
	[dreg:$0x0] =	wrdreg $0x0  }
0xa8: {  	s5 =	sshll.u32 s28, $0x1;
	[dreg:$0x2] =	wrdreg s3  }
0xa9: {  	[dreg:$0x3] =	wrdreg s5  }
0xaa: {  	[dreg:$0x4] =	wrdreg $0xC0  }
0xab: {  	_ =	task [dreg:s7], $0x5FFFF  }
0xac: {  	[dreg:$0x1] =	wrdreg $0xFFFFFFFF  }
0xad: {  	[dreg:$0x0] =	wrdreg $0x60  }
0xae: {  	[dreg:$0x2] =	wrdreg s2  }
0xaf: {  	[dreg:$0x3] =	wrdreg s24  }
0xb0: {  	[dreg:$0x4] =	wrdreg $0xDE800  }
0xb1: {  	[dreg:$0x5] =	wrdreg $0x9  }
0xb2: {  	_ =	task.clear_ibuf [dreg:s7], $0x6FFFF;
	_ =	strace $0x9000004C  }
0xb3: {  	s29 =	simm.s32 $0x9;
	_ =	strace $0x8000004E  }
0xb4: {  	_ =	swait.ge [sflag:s29], $0x1  }
0xb5: {  	[sflag:s29] =	ssyncadd.s32 $0xFFFFFFFF  }
0xb6: {  	_ =	strace $0x9000004E  }
0xb7: {  	_ =	sfence  }
0xb8: {  	s30 =	sld [smem:$0x0];
	_ =	sdelay $0x2  }
0xb9: {  	s31 =	sshll.u32 s1, $0xD;
	s1 =	sshrl.u32 s1, $0x2  }
0xba: {  	s3 =	sand.u32 $0x4000, s31;
	s1 =	sadd.s32 s1, s30  }
0xbb: {  	s0 =	sor.u32 s3, s0;
	s1 =	sshll.u32 s1, $0x11  }
0xbc: {  	s0 =	sor.u32 s1, s0  }
0xbd: {  	s0 =	sadd.s32 $0x8F2B, s0  }
0xbe: {  	[sflag:s0] =	ssyncadd.remote.s32 $0x1  }
0xbf: {  	_ =	sfence.sel $0xFFFF  }
0xc0: {  	[dreg:$0x0] =	wrdreg $0xFFFFFFFF;
	(pc) =	sbr.abs _section_cstart, $3  }
0xc1: {  	[dreg:$0x1] =	wrdreg $0xFFFFFFFF  }
0xc2: {  	_ =	task.clear_ibuf [dreg:s7], $0x2FFFF;
	_ =	strace $0x9FFFFFFF  }
0xc3: {  	(tm) =	ssettm $0x7FFFFFFF  }
tec
execute0_lowered:
.L_overlay_start_1:
0x0: {  	(tag) =	ssettag $0x1  }
0x1: {  	s2 =	rddreg [dreg:$0x0]  }
0x2: {  	s0 =	rddreg [dreg:$0x1]  }
0x3: {  	s3 =	rddreg [dreg:$0x2]  }
0x4: {  	s13 =	stileid.u32;
	s1 =	srdreg.scid;
	s4 =	simm.s32 $0x0  }
0x5: {  	s14 =	simm.s32 $0x7D;
	s15 =	simm.s32 $0xA000;
	s19 =	simm.s32 $0xAFA0  }
0x6: {  	s23 =	simm.s32 $0xBF40;
	s28 =	simm.s32 $0xCEE0;
	s30 =	simm.s32 $0xD6B0  }
0x7: {  	s31 =	simm.s32 $0x1;
	s16 =	simm.s32 $0x8;
	s5 =	smul.u32 $0x3E80, s13  }
0x8: {  	s17 =	simm.s32 $0x0;
	s1 =	sand.u32 $0x1, s1;
	s11 =	smul.u32 $0x5000, s13  }
0x9: {  	[smem:$0x7FF] =	sst s4;
	s7 =	sadd.s32 $0x1E00, s0;
	s6 =	smul.u32 $0x27100, s1  }
0xa: {  	p0 =	sgt.u32 s13, $0x9;
	_ =	strace $0x8000004D;
	s9 =	smul.u32 $0x50000, s1  }
0xb: {  	s10 =	ssub.s32 $0x2, s1;
	s1 =	sxor.u32 $0x1, s1;
	s8 =	sshrl.u32 s5, $0x3  }
0xc: {  	s24 =	sshrl.u32 s10, $0x1;
	s1 =	smul.u32 $0x50000, s1;
	s12 =	sadd.s32 s5, s3  }
0xd: {  	s6 =	sadd.s32 s5, s6;
	s8 =	sadd.s32 s8, s0;
	s10 =	ssub.s32 s10, s24  }
0xe: {  	s25 =	sadd.s32 s11, s9;
	s6 =	sshrl.u32 s6, $0x3;
	s26 =	sadd.s32 $0x15E00, s8  }
0xf: {  	s1 =	sadd.s32 s11, s1;
	s9 =	smax.u32 s10, $0x1;
	s11 =	sshrl.u32 @!p0 s12, $0x3  }
.Ltmp0:
0x10: {  	s12 =	simm.s32 $0x9;
	s0 =	sadd.s32 s6, s0;
	(pc) =	sbr.rel .LBB2_1-.Ltmp0, $4  }
0x11: {  	[dreg:$0x4] =	wrdreg s26;
	s6 =	sshrl.u32 s25, $0x3;
	s1 =	sshrl.u32 s1, $0x3  }
0x12: {  	s29 =	sadd.s32 s7, s6;
	s7 =	sadd.s32 s7, s1;
	s8 =	sadd.s32 $0x1AE00, s0  }
0x13: {  	s0 =	sshll.u32 @!p0 s13, $0x6;
	s1 =	simm.s32 $0x5;
	s13 =	simm.s32 $0x7  }
0x14: {  	[dreg:$0x5] =	wrdreg s29;
	s10 =	sor.u32 @!p0 $0x1C09, s0;
	s0 =	simm.s32 $0x3  }
.LBB2_4:
0x15: {  	_ =	swait.ge [sflag:s16], $0x7D0  }
0x16: {  	[sflag:s16] =	ssyncset.done $0x0  }
0x17: {  	[sflag:s16] =	ssyncadd.s32 $0xFFFFF830  }
0x18: {  	[spmem:s3] =	stream.indirect.scatter.add.f32 [tilespmem:s30], [sflag:$0x9], $0x10, s21, s14, $0xb8;
	[tilespmem:$0x10590] =	vst v63  }
0x19: {  	_ =	swait.ge [sflag:s12], $0x7D0  }
0x1a: {  	s17 =	sadd.s32 $0x1, s17;
	[sflag:s12] =	ssyncset.done $0x0  }
0x1b: {  	p1 =	sne.s32 s17, s9;
	[sflag:s12] =	ssyncadd.s32 $0xFFFFF830  }
.Ltmp1:
0x1c: {  	s5 =	simm.s32 @!p0 $0x9;
	[bflag:$0x0] =	sbarrier.arrive $0xFFFF;
	(pc) =	sbr.rel @!p1 .LBB2_5-.Ltmp1, $4  }
0x1d: {  	[hbm:s8], [sflag:s10] =	dma.local @!p0 [spmem:s11], $0x7D0  }
0x1e: {  	_ =	swait.ge @!p0 [sflag:s5], $0x7D0  }
0x1f: {  	[sflag:s5] =	ssyncset.done @!p0 $0x0  }
0x20: {  	[sflag:s5] =	ssyncadd.s32 @!p0 $0xFFFFF830  }
.LBB2_1:
0x21: {  	s5 =	rddreg [dreg:$0x4];
	s18 =	simm.s32 @!p0 $0x9  }
0x22: {  	[spmem:s11], [sflag:s10] =	dma.local @!p0 [hbm:s5], $0x7D0  }
0x23: {  	_ =	swait.ge @!p0 [sflag:s18], $0x7D0  }
0x24: {  	[sflag:s18] =	ssyncset.done @!p0 $0x0  }
0x25: {  	s25 =	rddreg [dreg:$0x5];
	[sflag:s18] =	ssyncadd.s32 @!p0 $0xFFFFF830  }
0x26: {  	[tilespmem:s4], [sflag:$0x9] =	stream.linear.gather [hbm4b:s25+s4], $0x5000, $0x38;
	[tilespmem:$0x10590] =	vst v63  }
0x27: {  	_ =	swait.ge [sflag:s12], $0x5000  }
0x28: {  	[sflag:s12] =	ssyncset.done $0x0  }
0x29: {  	s26 =	simm.s32 $0x5000;
	[sflag:s12] =	ssyncadd.s32 $0xFFFFB000  }
0x2a: {  	[tilespmem:s26], [sflag:$0x9] =	stream.linear.gather [hbm4b:s7+s4], $0x5000, $0x38;
	[tilespmem:$0x10590] =	vst v63  }
0x2b: {  	_ =	swait.ge [sflag:s12], $0x5000  }
0x2c: {  	[sflag:s12] =	ssyncset.done $0x0  }
0x2d: {  	[sflag:s12] =	ssyncadd.s32 $0xFFFFB000  }
0x2e: {  	[bflag:$0x0] =	sbarrier.arrive $0xFFFF  }
0x2f: {  	[tilespmem:s15], [sflag:$0x1] =	stream.indirect.gather [hbm4b:s2+s14], $0x10, s4, s14, $0xb8;
	[tilespmem:$0x10590] =	vst v63  }
0x30: {  	s29 =	simm.s32 $0x80;
	s6 =	simm.s32 $0xA7D0  }
0x31: {  	[tilespmem:s6], [sflag:$0x2] =	stream.indirect.gather [hbm4b:s2+s14], $0x10, s29, s14, $0xb8;
	[tilespmem:$0x10590] =	vst v63  }
0x32: {  	s18 =	simm.s32 $0x100  }
0x33: {  	[tilespmem:s19], [sflag:$0x3] =	stream.indirect.gather [hbm4b:s2+s14], $0x10, s18, s14, $0xb8;
	[tilespmem:$0x10590] =	vst v63  }
0x34: {  	s20 =	simm.s32 $0x180;
	s21 =	simm.s32 $0xB770  }
0x35: {  	[tilespmem:s21], [sflag:$0x4] =	stream.indirect.gather [hbm4b:s2+s14], $0x10, s20, s14, $0xb8;
	[tilespmem:$0x10590] =	vst v63  }
0x36: {  	s22 =	simm.s32 $0x200  }
0x37: {  	[tilespmem:s23], [sflag:$0x5] =	stream.indirect.gather [hbm4b:s2+s14], $0x10, s22, s14, $0xb8;
	[tilespmem:$0x10590] =	vst v63  }
0x38: {  	s24 =	simm.s32 $0x280;
	s25 =	simm.s32 $0xC710  }
0x39: {  	[tilespmem:s25], [sflag:$0x6] =	stream.indirect.gather [hbm4b:s2+s14], $0x10, s24, s14, $0xb8;
	[tilespmem:$0x10590] =	vst v63  }
0x3a: {  	s26 =	simm.s32 $0x300  }
0x3b: {  	[tilespmem:s28], [sflag:$0x7] =	stream.indirect.gather [hbm4b:s2+s14], $0x10, s26, s14, $0xb8;
	[tilespmem:$0x10590] =	vst v63  }
0x3c: {  	s29 =	simm.s32 $0x380;
	s18 =	simm.s32 $0x0  }
0x3d: {  	[tilespmem:s30], [sflag:$0x8] =	stream.indirect.gather [hbm4b:s2+s14], $0x10, s29, s14, $0xb8;
	[tilespmem:$0x10590] =	vst v63  }
.LBB2_2:
0x3e: {  	_ =	swait.ge [sflag:s31], $0x7D0  }
0x3f: {  	s20 =	sshra.s32 s18, $0x2;
	[sflag:s31] =	ssyncset.done $0x0  }
0x40: {  	s21 =	sadd.s32 $0x5000, s20;
	[sflag:s31] =	ssyncadd.s32 $0xFFFFF830  }
0x41: {  	[spmem:s3] =	stream.indirect.scatter.add.f32 [tilespmem:s15], [sflag:$0x9], $0x10, s21, s14, $0xb8;
	[tilespmem:$0x10590] =	vst v63  }
0x42: {  	_ =	swait.ge [sflag:s12], $0x7D0  }
0x43: {  	p1 =	seq.s32 s18, $0x13000;
	[sflag:s12] =	ssyncset.done $0x0  }
0x44: {  	s21 =	simm.s32 @p1 $0x2;
	[sflag:s12] =	ssyncadd.s32 $0xFFFFF830  }
0x45: {  	s24 =	sshra.s32 @p1 s18, $0x2;
	_ =	swait.ge @p1 [sflag:s21], $0x7D0  }
0x46: {  	s25 =	simm.s32 @p1 $0x7D;
	s22 =	simm.s32 @p1 $0xA7D0;
	[sflag:s21] =	ssyncset.done @p1 $0x0  }
0x47: {  	s26 =	simm.s32 @p1 $0x9;
	[sflag:s21] =	ssyncadd.s32 @p1 $0xFFFFF830;
	s21 =	sadd.s32 @p1 $0x5080, s24  }
0x48: {  	[spmem:s3] =	stream.indirect.scatter.add.f32 @p1 [tilespmem:s22], [sflag:$0x9], $0x10, s21, s25, $0xb8;
	[tilespmem:$0x10590] =	vst v63  }
0x49: {  	_ =	swait.ge @p1 [sflag:s26], $0x7D0  }
0x4a: {  	s5 =	simm.s32 @!p1 $0xA000;
	s21 =	sshra.s32 @!p1 s18, $0x2;
	[sflag:s26] =	ssyncset.done @p1 $0x0  }
0x4b: {  	s22 =	simm.s32 @!p1 $0x7D;
	s29 =	sadd.s32 @!p1 $0x400, s21;
	[sflag:s26] =	ssyncadd.s32 @p1 $0xFFFFF830  }
0x4c: {  	[tilespmem:s5], [sflag:$0x1] =	stream.indirect.gather @!p1 [hbm4b:s2+s22], $0x10, s29, s22, $0xb8;
	[tilespmem:$0x10590] =	vst v63  }
0x4d: {  	s5 =	simm.s32 @!p1 $0x2  }
0x4e: {  	_ =	swait.ge @!p1 [sflag:s5], $0x7D0  }
0x4f: {  	s6 =	simm.s32 @!p1 $0xA7D0;
	[sflag:s5] =	ssyncset.done @!p1 $0x0  }
0x50: {  	s29 =	simm.s32 @!p1 $0x9;
	[sflag:s5] =	ssyncadd.s32 @!p1 $0xFFFFF830;
	s5 =	sadd.s32 @!p1 $0x5080, s21  }
0x51: {  	[spmem:s3] =	stream.indirect.scatter.add.f32 @!p1 [tilespmem:s6], [sflag:$0x9], $0x10, s5, s22, $0xb8;
	[tilespmem:$0x10590] =	vst v63  }
0x52: {  	_ =	swait.ge @!p1 [sflag:s29], $0x7D0  }
0x53: {  	[sflag:s29] =	ssyncset.done @!p1 $0x0  }
0x54: {  	s5 =	sadd.s32 @!p1 $0x480, s21;
	[sflag:s29] =	ssyncadd.s32 @!p1 $0xFFFFF830  }
0x55: {  	[tilespmem:s6], [sflag:$0x2] =	stream.indirect.gather @!p1 [hbm4b:s2+s22], $0x10, s5, s22, $0xb8;
	[tilespmem:$0x10590] =	vst v63  }
0x56: {  	_ =	swait.ge [sflag:s0], $0x7D0  }
0x57: {  	[sflag:s0] =	ssyncset.done $0x0  }
0x58: {  	s6 =	sadd.s32 $0x5100, s20;
	[sflag:s0] =	ssyncadd.s32 $0xFFFFF830  }
0x59: {  	[spmem:s3] =	stream.indirect.scatter.add.f32 [tilespmem:s19], [sflag:$0x9], $0x10, s6, s14, $0xb8;
	[tilespmem:$0x10590] =	vst v63  }
0x5a: {  	_ =	swait.ge [sflag:s12], $0x7D0  }
0x5b: {  	[sflag:s12] =	ssyncset.done $0x0  }
0x5c: {  	s5 =	simm.s32 @p1 $0x4;
	[sflag:s12] =	ssyncadd.s32 $0xFFFFF830  }
0x5d: {  	_ =	swait.ge @p1 [sflag:s5], $0x7D0  }
0x5e: {  	[sflag:s5] =	ssyncset.done @p1 $0x0  }
0x5f: {  	s6 =	simm.s32 @p1 $0xB770;
	[sflag:s5] =	ssyncadd.s32 @p1 $0xFFFFF830;
	s5 =	sadd.s32 @p1 $0x5180, s24  }
0x60: {  	[spmem:s3] =	stream.indirect.scatter.add.f32 @p1 [tilespmem:s6], [sflag:$0x9], $0x10, s5, s25, $0xb8;
	[tilespmem:$0x10590] =	vst v63  }
0x61: {  	_ =	swait.ge @p1 [sflag:s26], $0x7D0  }
0x62: {  	[sflag:s26] =	ssyncset.done @p1 $0x0  }
0x63: {  	s5 =	sadd.s32 @!p1 $0x500, s21;
	s6 =	simm.s32 @!p1 $0xAFA0;
	[sflag:s26] =	ssyncadd.s32 @p1 $0xFFFFF830  }
0x64: {  	[tilespmem:s6], [sflag:$0x3] =	stream.indirect.gather @!p1 [hbm4b:s2+s22], $0x10, s5, s22, $0xb8;
	[tilespmem:$0x10590] =	vst v63  }
0x65: {  	s5 =	simm.s32 @!p1 $0x4  }
0x66: {  	_ =	swait.ge @!p1 [sflag:s5], $0x7D0  }
0x67: {  	[sflag:s5] =	ssyncset.done @!p1 $0x0  }
0x68: {  	s6 =	simm.s32 @!p1 $0xB770;
	[sflag:s5] =	ssyncadd.s32 @!p1 $0xFFFFF830;
	s5 =	sadd.s32 @!p1 $0x5180, s21  }
0x69: {  	[spmem:s3] =	stream.indirect.scatter.add.f32 @!p1 [tilespmem:s6], [sflag:$0x9], $0x10, s5, s22, $0xb8;
	[tilespmem:$0x10590] =	vst v63  }
0x6a: {  	_ =	swait.ge @!p1 [sflag:s29], $0x7D0  }
0x6b: {  	[sflag:s29] =	ssyncset.done @!p1 $0x0  }
0x6c: {  	s5 =	sadd.s32 @!p1 $0x580, s21;
	[sflag:s29] =	ssyncadd.s32 @!p1 $0xFFFFF830  }
0x6d: {  	[tilespmem:s6], [sflag:$0x4] =	stream.indirect.gather @!p1 [hbm4b:s2+s22], $0x10, s5, s22, $0xb8;
	[tilespmem:$0x10590] =	vst v63  }
0x6e: {  	_ =	swait.ge [sflag:s1], $0x7D0  }
0x6f: {  	[sflag:s1] =	ssyncset.done $0x0  }
0x70: {  	s6 =	sadd.s32 $0x5200, s20;
	[sflag:s1] =	ssyncadd.s32 $0xFFFFF830  }
0x71: {  	[spmem:s3] =	stream.indirect.scatter.add.f32 [tilespmem:s23], [sflag:$0x9], $0x10, s6, s14, $0xb8;
	[tilespmem:$0x10590] =	vst v63  }
0x72: {  	_ =	swait.ge [sflag:s12], $0x7D0  }
0x73: {  	[sflag:s12] =	ssyncset.done $0x0  }
0x74: {  	s5 =	simm.s32 @p1 $0x6;
	[sflag:s12] =	ssyncadd.s32 $0xFFFFF830  }
0x75: {  	_ =	swait.ge @p1 [sflag:s5], $0x7D0  }
0x76: {  	[sflag:s5] =	ssyncset.done @p1 $0x0  }
0x77: {  	s6 =	simm.s32 @p1 $0xC710;
	[sflag:s5] =	ssyncadd.s32 @p1 $0xFFFFF830;
	s5 =	sadd.s32 @p1 $0x5280, s24  }
0x78: {  	[spmem:s3] =	stream.indirect.scatter.add.f32 @p1 [tilespmem:s6], [sflag:$0x9], $0x10, s5, s25, $0xb8;
	[tilespmem:$0x10590] =	vst v63  }
0x79: {  	_ =	swait.ge @p1 [sflag:s26], $0x7D0  }
0x7a: {  	[sflag:s26] =	ssyncset.done @p1 $0x0  }
0x7b: {  	s5 =	sadd.s32 @!p1 $0x600, s21;
	s6 =	simm.s32 @!p1 $0xBF40;
	[sflag:s26] =	ssyncadd.s32 @p1 $0xFFFFF830  }
0x7c: {  	[tilespmem:s6], [sflag:$0x5] =	stream.indirect.gather @!p1 [hbm4b:s2+s22], $0x10, s5, s22, $0xb8;
	[tilespmem:$0x10590] =	vst v63  }
0x7d: {  	s5 =	simm.s32 @!p1 $0x6  }
0x7e: {  	_ =	swait.ge @!p1 [sflag:s5], $0x7D0  }
0x7f: {  	[sflag:s5] =	ssyncset.done @!p1 $0x0  }
0x80: {  	s6 =	simm.s32 @!p1 $0xC710;
	[sflag:s5] =	ssyncadd.s32 @!p1 $0xFFFFF830;
	s5 =	sadd.s32 @!p1 $0x5280, s21  }
0x81: {  	[spmem:s3] =	stream.indirect.scatter.add.f32 @!p1 [tilespmem:s6], [sflag:$0x9], $0x10, s5, s22, $0xb8;
	[tilespmem:$0x10590] =	vst v63  }
0x82: {  	_ =	swait.ge @!p1 [sflag:s29], $0x7D0  }
0x83: {  	[sflag:s29] =	ssyncset.done @!p1 $0x0  }
0x84: {  	s5 =	sadd.s32 @!p1 $0x680, s21;
	[sflag:s29] =	ssyncadd.s32 @!p1 $0xFFFFF830  }
0x85: {  	[tilespmem:s6], [sflag:$0x6] =	stream.indirect.gather @!p1 [hbm4b:s2+s22], $0x10, s5, s22, $0xb8;
	[tilespmem:$0x10590] =	vst v63  }
0x86: {  	_ =	swait.ge [sflag:s13], $0x7D0  }
0x87: {  	[sflag:s13] =	ssyncset.done $0x0  }
.Ltmp2:
0x88: {  	s29 =	sadd.s32 $0x5300, s20;
	[sflag:s13] =	ssyncadd.s32 $0xFFFFF830;
	(pc) =	sbr.rel @p1 .LBB2_4-.Ltmp2, $4  }
0x89: {  	[spmem:s3] =	stream.indirect.scatter.add.f32 [tilespmem:s28], [sflag:$0x9], $0x10, s29, s14, $0xb8;
	[tilespmem:$0x10590] =	vst v63  }
0x8a: {  	_ =	swait.ge [sflag:s12], $0x7D0  }
0x8b: {  	[sflag:s12] =	ssyncset.done $0x0  }
0x8c: {  	s21 =	sadd.s32 $0x5380, s20;
	[sflag:s12] =	ssyncadd.s32 $0xFFFFF830  }
0x8d: {  	s5 =	sadd.s32 $0x700, s20  }
0x8e: {  	[tilespmem:s28], [sflag:$0x7] =	stream.indirect.gather [hbm4b:s2+s14], $0x10, s5, s14, $0xb8;
	[tilespmem:$0x10590] =	vst v63  }
0x8f: {  	_ =	swait.ge [sflag:s16], $0x7D0  }
0x90: {  	[sflag:s16] =	ssyncset.done $0x0  }
0x91: {  	[sflag:s16] =	ssyncadd.s32 $0xFFFFF830  }
0x92: {  	[spmem:s3] =	stream.indirect.scatter.add.f32 [tilespmem:s30], [sflag:$0x9], $0x10, s21, s14, $0xb8;
	[tilespmem:$0x10590] =	vst v63  }
.Ltmp3:
0x93: {  	_ = 	snop;
	(pc) =	sbr.rel .LBB2_2-.Ltmp3, $4  }
0x94: {  	_ =	swait.ge [sflag:s12], $0x7D0  }
0x95: {  	[sflag:s12] =	ssyncset.done $0x0  }
0x96: {  	s29 =	sadd.s32 $0x780, s20;
	s18 =	sadd.s32 $0x1000, s18;
	[sflag:s12] =	ssyncadd.s32 $0xFFFFF830  }
0x97: {  	[tilespmem:s30], [sflag:$0x8] =	stream.indirect.gather [hbm4b:s2+s14], $0x10, s29, s14, $0xb8;
	[tilespmem:$0x10590] =	vst v63  }
.LBB2_5:
0x98: {  	_ =	sfence.sel $0x180000  }
0x99: {  	[bflag:$0x0] =	sbarrier.arrive $0xFFFF  }
0x9a: {  	_ =	strace $0x9000004D  }
0x9b: {  	s0 =	stileid.u32;
	[bflag:$0x2] =	sbarrier.arrive $0xFFFF  }
0x9c: {  	p0 =	sne.s32 s0, $0x0;
	s0 =	rddreg [dreg:$0x3]  }
0x9d: {  	s0 =	sadd.s32 @!p0 $0x100000, s0  }
0x9e: {  	[sflag:s0] =	ssyncadd.tile.s32 @!p0 $0x1;
	_ =	shalt  }
.Lfunc_end2:
_tile_overlayer_lowered:
.L_overlay_start_2:
0x9f: {  	(tag) =	ssettag $0x2  }
0xa0: {  	s0 =	rddreg [dreg:$0x0];
	s2 =	stileid.u32  }
0xa1: {  	s1 =	rddreg [dreg:$0x1];
	p0 =	sne.s32 s2, $0x0  }
0xa2: {  	s3 =	rddreg [dreg:$0x2];
	[bflag:$0x3] =	sbarrier.arrive $0xFFFF;
	s2 =	simm.s32 @!p0 $0x1C09  }
0xa3: {  	[timem:s3], [sflag:s2] =	dma.local @!p0 [hbm:s0], s1  }
0xa4: {  	s0 =	simm.s32 @!p0 $0x9  }
0xa5: {  	_ =	swait.ge @!p0 [sflag:s0], s1  }
0xa6: {  	s1 =	ssub.s32 @!p0 $0x0, s1;
	[sflag:s0] =	ssyncset.done @!p0 $0x0  }
0xa7: {  	[sflag:s0] =	ssyncadd.s32 @!p0 s1  }
0xa8: {  	[bflag:$0x3] =	sbarrier.arrive $0xFFFF  }
0xa9: {  	_ =	shalt  }

// kernel: kernel.9.cloned.1.call-start
scs
__scs_entry_jumppad:
0x0: {  	(pc) =	sbr.rel $0x88, $3  }
0x1: {  	(tag) =	ssettag $0x0;
	lr =	simm.s32 $0x1  }
0x2: {  	[smem:$0x3F9B] =	sst lr;
	_ =	strace $0xD0000000  }
0x3: {  	_ = 	snop  }
0x4: {  	_ = 	snop  }
0x5: {  	_ = 	snop  }
0x6: {  	_ = 	snop  }
0x7: {  	_ = 	snop  }
__scs_overlays_trampoline_lowered:
0x8: {  	[smem:$0x3FAA] =	sst s0  }
0x9: {  	[smem:$0x3FAB] =	sst s1  }
0xa: {  	[smem:$0x3FAC] =	sst s2  }
0xb: {  	[smem:$0x3FAD] =	sst s3  }
0xc: {  	[smem:$0x3FAE] =	sst s4  }
0xd: {  	[smem:$0x3FAF] =	sst s5  }
0xe: {  	[smem:$0x3FB0] =	sst s6  }
0xf: {  	[smem:$0x3FB1] =	sst s7  }
0x10: {  	[smem:$0x3FB2] =	sst s8  }
0x11: {  	[smem:$0x3FB3] =	sst s9;
	s0 =	simm.s32 @!p0 $0x0  }
0x12: {  	s1 =	sld [smem:$0x3F99];
	s0 =	simm.s32 @p0 $0x1  }
0x13: {  	[smem:$0x3FB4] =	sst s0;
	s0 =	simm.s32 @!p1 $0x0  }
0x14: {  	s2 =	sld [smem:$0x3F98];
	s0 =	simm.s32 @p1 $0x1  }
0x15: {  	[smem:$0x3FB5] =	sst s0;
	s0 =	simm.s32 @!p2 $0x0  }
0x16: {  	s3 =	sld [smem:$0x3FDB];
	s0 =	simm.s32 @p2 $0x1  }
0x17: {  	s4 =	simm.s32 $0x1BF5;
	[smem:$0x3FB7] =	sst s0  }
0x18: {  	s0 =	sld [smem:$0x3F9A];
	_ =	swait.ge [sflag:s4], $0x0  }
0x19: {  	s7 =	sld [smem:$0x3F9B]  }
0x1a: {  	s8 =	sadd.s32 $0xFFFFE003, lr  }
0x1b: {  	s9 =	sadd.s32 $0xFFFFFEF7, lr;
	s5 =	simm.s32 $0xFFFFFFFF;
	p2 =	slt.u32 s8, $0xFFFFF086  }
0x1c: {  	p1 =	slt.u32 s9, $0xF7A;
	s5 =	simm.s32 @!p2 $0x0  }
0x1d: {  	s5 =	simm.s32 @p1 $0x1;
	p0 =	seq.s32 s7, s2  }
0x1e: {  	s7 =	smul.u32 @!p0 $0xF7A, s2;
	p2 =	seq.s32 @!p0 s5, $0x0  }
0x1f: {  	s9 =	smul.u32 $0xF7A, s1;
	s8 =	simm.s32 @!p0 $0x1BF5;
	p2 =	por !p2, p0  }
0x20: {  	[sflag:s8] =	ssyncset.s32 @!p0 $0xFFFFF086;
	s6 =	sadd.s32 @!p0 s3, s7;
	s7 =	simm.s32 @!p0 $0x108  }
0x21: {  	s3 =	sadd.s32 s3, s9;
	s6 =	sadd.s32 @!p0 $0x88, s6;
	s7 =	simm.s32 @p2 $0x1082  }
0x22: {  	[simem:s7], [sflag:s8] =	dma.local @!p0 [hbm:s6], $0xF7A  }
0x23: {  	s9 =	sor.u32 $0xD0000000, s2;
	s6 =	simm.s32 $0x108;
	_ =	swait.ge @!p0 [sflag:s8], $0x0  }
0x24: {  	s3 =	sadd.s32 $0x88, s3;
	s6 =	simm.s32 @!p1 $0x1082;
	[sflag:s4] =	ssyncset.s32 $0xFFFFF086  }
0x25: {  	[simem:s6], [sflag:s4] =	dma.local [hbm:s3], $0xF7A  }
0x26: {  	[smem:$0x3F9B] =	sst s1;
	(tag) =	ssettag s2;
	_ =	strace s9  }
0x27: {  	s1 =	sld [smem:$0x3FAB]  }
0x28: {  	s2 =	sld [smem:$0x3FAC]  }
0x29: {  	s4 =	sld [smem:$0x3FAE]  }
0x2a: {  	p0 =	seq.s32 s5, $0x0;
	s5 =	sld [smem:$0x3FAF]  }
0x2b: {  	s6 =	sld [smem:$0x3FB0]  }
0x2c: {  	s7 =	sld [smem:$0x3FB1]  }
0x2d: {  	s3 =	simm.s32 $0x108;
	s8 =	sld [smem:$0x3FB2]  }
0x2e: {  	s3 =	simm.s32 @!p0 $0x1082;
	s9 =	sld [smem:$0x3FB3]  }
0x2f: {  	lr =	sadd.s32 s0, s3;
	s0 =	sld [smem:$0x3FAA]  }
0x30: {  	s3 =	sld [smem:$0x3FAD]  }
0x31: {  	[smem:$0x3FB6] =	sst s10  }
0x32: {  	s10 =	sld [smem:$0x3FB4];
	_ =	sdelay $0x3  }
0x33: {  	p0 =	seq.s32 s10, $0x1;
	s10 =	sld [smem:$0x3FB6];
	_ =	sdelay $0x3  }
0x34: {  	[smem:$0x3FB6] =	sst s10  }
0x35: {  	s10 =	sld [smem:$0x3FB5];
	_ =	sdelay $0x3  }
0x36: {  	p1 =	seq.s32 s10, $0x1;
	s10 =	sld [smem:$0x3FB6];
	_ =	sdelay $0x3  }
0x37: {  	[smem:$0x3FB6] =	sst s10  }
0x38: {  	s10 =	sld [smem:$0x3FB7]  }
0x39: {  	_ = 	snop;
	(pc) =	sbr.ind lr, $3  }
0x3a: {  	_ = 	snop  }
0x3b: {  	_ = 	snop  }
0x3c: {  	p2 =	seq.s32 s10, $0x1;
	s10 =	sld [smem:$0x3FB6]  }
0x3d: {  	_ =	shalt  }
0x3e: {  	_ =	shalt  }
0x3f: {  	_ =	shalt  }
0x40: {  	_ =	shalt  }
0x41: {  	_ =	shalt  }
0x42: {  	_ =	shalt  }
0x43: {  	_ =	shalt  }
0x44: {  	_ =	shalt  }
0x45: {  	_ =	shalt  }
0x46: {  	_ =	shalt  }
0x47: {  	_ =	shalt  }
0x48: {  	_ =	shalt  }
0x49: {  	_ =	shalt  }
0x4a: {  	_ =	shalt  }
0x4b: {  	_ =	shalt  }
0x4c: {  	_ =	shalt  }
0x4d: {  	_ =	shalt  }
0x4e: {  	_ =	shalt  }
0x4f: {  	_ =	shalt  }
0x50: {  	_ =	shalt  }
0x51: {  	_ =	shalt  }
0x52: {  	_ =	shalt  }
0x53: {  	_ =	shalt  }
0x54: {  	_ =	shalt  }
0x55: {  	_ =	shalt  }
0x56: {  	_ =	shalt  }
0x57: {  	_ =	shalt  }
0x58: {  	_ =	shalt  }
0x59: {  	_ =	shalt  }
0x5a: {  	_ =	shalt  }
0x5b: {  	_ =	shalt  }
0x5c: {  	_ =	shalt  }
0x5d: {  	_ =	shalt  }
0x5e: {  	_ =	shalt  }
0x5f: {  	_ =	shalt  }
0x60: {  	_ =	shalt  }
0x61: {  	_ =	shalt  }
0x62: {  	_ =	shalt  }
0x63: {  	_ =	shalt  }
0x64: {  	_ =	shalt  }
0x65: {  	_ =	shalt  }
0x66: {  	_ =	shalt  }
0x67: {  	_ =	shalt  }
0x68: {  	_ =	shalt  }
0x69: {  	_ =	shalt  }
0x6a: {  	_ =	shalt  }
0x6b: {  	_ =	shalt  }
0x6c: {  	_ =	shalt  }
0x6d: {  	_ =	shalt  }
0x6e: {  	_ =	shalt  }
0x6f: {  	_ =	shalt  }
0x70: {  	_ =	shalt  }
0x71: {  	_ =	shalt  }
0x72: {  	_ =	shalt  }
0x73: {  	_ =	shalt  }
0x74: {  	_ =	shalt  }
0x75: {  	_ =	shalt  }
0x76: {  	_ =	shalt  }
0x77: {  	_ =	shalt  }
0x78: {  	_ =	shalt  }
0x79: {  	_ =	shalt  }
0x7a: {  	_ =	shalt  }
0x7b: {  	_ =	shalt  }
0x7c: {  	_ =	shalt  }
0x7d: {  	_ =	shalt  }
0x7e: {  	_ =	shalt  }
0x7f: {  	_ =	shalt  }
0x80: {  	_ =	shalt  }
0x81: {  	_ =	shalt  }
0x82: {  	_ =	shalt  }
0x83: {  	_ =	shalt  }
0x84: {  	_ =	shalt  }
0x85: {  	_ =	shalt  }
0x86: {  	_ =	shalt  }
0x87: {  	_ =	shalt  }
.Lfunc_end0:
.L_simem_size_0:
called_computation_lowered:
.L_overlay_start_0:
0x88: {  	s2 =	sld [smem:$0x3FD9]  }
0x89: {  	s3 =	sld [smem:$0x3FFE];
	_ =	sdelay $0x1  }
0x8a: {  	s1 =	srdreg.scid  }
0x8b: {  	s0 =	sand.u32 $0x1, s1  }
0x8c: {  	s17 =	sshll.u32 s0, $0xA;
	s2 =	sadd.s32 s3, s2  }
0x8d: {  	s2 =	sadd.s32 s2, s17  }
0x8e: {  	[smem:$0x3FC2] =	sst s2  }
0x8f: {  	_ = 	snop  }
0x90: {  	s2 =	sld [smem:$0x3FD0];
	(tm) =	ssettm $0x1  }
0x91: {  	s18 =	sld [smem:$0x3FFB];
	_ =	sdelay $0x3  }
0x92: {  	_ =	strace s18  }
0x93: {  	s3 =	sld [smem:$0x3FFC];
	_ =	sdelay $0x3  }
0x94: {  	_ =	strace s3  }
0x95: {  	s3 =	sld [smem:$0x3FFD];
	_ =	sdelay $0x3  }
0x96: {  	_ =	strace s3  }
0x97: {  	_ =	strace $0x8FFFFFFF  }
0x98: {  	s19 =	sld [smem:$0x3FDB];
	_ =	sdelay $0x1  }
0x99: {  	s4 =	simm.s32 $_scs_section_size  }
0x9a: {  	s5 =	simm.s32 $_size__tile_overlayer_lowered;
	s6 =	simm.s32 $_tile_overlayer_lowered  }
0x9b: {  	s22 =	simm.s32 $0x1BFF;
	s21 =	sshll.u32 s6, $0x1;
	s3 =	sadd.s32 s4, s19  }
0x9c: {  	s7 =	simm.s32 $0x0;
	s20 =	sshll.u32 s5, $0x1;
	s5 =	sadd.s32 s21, s3  }
0x9d: {  	[timem:s7], [sflag:s22] =	dma.local [hbm:s5], s20  }
0x9e: {  	_ =	swait.ge [sflag:s22], s20  }
0x9f: {  	s4 =	ssub.s32 $0x0, s20;
	[sflag:s22] =	ssyncset.done $0x0  }
0xa0: {  	[sflag:s22] =	ssyncadd.s32 s4;
	_ =	sdelay $0x1  }
0xa1: {  	s23 =	simm.s32 $0x1B8B  }
0xa2: {  	_ =	swait.ge [sflag:s23], $0x1  }
0xa3: {  	[sflag:s23] =	ssyncset.done $0x0  }
0xa4: {  	s25 =	simm.s32 $0x1B8E;
	s24 =	sld [smem:$0x3FFE];
	[sflag:s23] =	ssyncadd.s32 $0xFFFFFFFF  }
0xa5: {  	s26 =	simm.s32 $execute0_lowered;
	[smem:$0x3FD2] =	sst s25  }
0xa6: {  	s5 =	sshll.u32 s26, $0x1;
	_ =	strace $0x80000046;
	[dreg:$0x1] =	wrdreg $0xFFFFFFFF  }
0xa7: {  	s28 =	simm.s32 $_size_execute0_lowered;
	s3 =	sadd.s32 s3, s5;
	[dreg:$0x0] =	wrdreg $0x0  }
0xa8: {  	s5 =	sshll.u32 s28, $0x1;
	[dreg:$0x2] =	wrdreg s3  }
0xa9: {  	[dreg:$0x3] =	wrdreg s5  }
0xaa: {  	[dreg:$0x4] =	wrdreg $0xC0  }
0xab: {  	_ =	task [dreg:s7], $0x5FFFF  }
0xac: {  	[dreg:$0x1] =	wrdreg $0xFFFFFFFF  }
0xad: {  	[dreg:$0x0] =	wrdreg $0x60  }
0xae: {  	[dreg:$0x2] =	wrdreg s24  }
0xaf: {  	[dreg:$0x3] =	wrdreg s2  }
0xb0: {  	[dreg:$0x4] =	wrdreg $0x53E80  }
0xb1: {  	[dreg:$0x5] =	wrdreg $0x9  }
0xb2: {  	_ =	task.clear_ibuf [dreg:s7], $0x6FFFF;
	_ =	strace $0x90000046  }
0xb3: {  	s29 =	simm.s32 $0x9;
	_ =	strace $0x80000048  }
0xb4: {  	_ =	swait.ge [sflag:s29], $0x1  }
0xb5: {  	[sflag:s29] =	ssyncadd.s32 $0xFFFFFFFF  }
0xb6: {  	_ =	strace $0x90000048  }
0xb7: {  	_ =	sfence  }
0xb8: {  	s30 =	sld [smem:$0x0];
	_ =	sdelay $0x2  }
0xb9: {  	s31 =	sshll.u32 s1, $0xD;
	s1 =	sshrl.u32 s1, $0x2  }
0xba: {  	s3 =	sand.u32 $0x4000, s31;
	s1 =	sadd.s32 s1, s30  }
0xbb: {  	s0 =	sor.u32 s3, s0;
	s1 =	sshll.u32 s1, $0x11  }
0xbc: {  	s0 =	sor.u32 s1, s0  }
0xbd: {  	s0 =	sadd.s32 $0x8F2B, s0  }
0xbe: {  	[sflag:s0] =	ssyncadd.remote.s32 $0x1  }
0xbf: {  	_ =	sfence.sel $0xFFFF  }
0xc0: {  	[dreg:$0x0] =	wrdreg $0xFFFFFFFF;
	(pc) =	sbr.abs _section_cstart, $3  }
0xc1: {  	[dreg:$0x1] =	wrdreg $0xFFFFFFFF  }
0xc2: {  	_ =	task.clear_ibuf [dreg:s7], $0x2FFFF;
	_ =	strace $0x9FFFFFFF  }
0xc3: {  	(tm) =	ssettm $0x7FFFFFFF  }
tec
execute0_lowered:
.L_overlay_start_1:
0x0: {  	(tag) =	ssettag $0x1  }
0x1: {  	s5 =	rddreg [dreg:$0x0]  }
0x2: {  	s0 =	srdreg.scid;
	s7 =	rddreg [dreg:$0x1]  }
0x3: {  	s2 =	rddreg [dreg:$0x2];
	s4 =	sand.u32 $0x1, s0;
	s0 =	stileid.u32  }
0x4: {  	s3 =	simm.s32 $0x0;
	s12 =	simm.s32 $0x5000;
	s8 =	smul.u32 $0x5000, s0  }
0x5: {  	s13 =	simm.s32 $0x7D;
	s14 =	simm.s32 $0x0;
	s9 =	smul.u32 $0x1F40, s0  }
0x6: {  	[smem:$0x7FF] =	sst s3;
	s1 =	sxor.u32 $0x1, s4;
	s10 =	smul.u32 $0x13880, s4  }
0x7: {  	s29 =	ssub.s32 $0x2, s4;
	s4 =	sadd.s32 $0x15E00, s5;
	p0 =	sgt.u32 s0, $0x9  }
0x8: {  	s6 =	smul.u32 $0x50000, s1;
	s1 =	rddreg [dreg:$0x3];
	s30 =	sshrl.u32 s29, $0x1  }
0x9: {  	_ =	strace $0x80000047;
	s28 =	sadd.s32 s9, s10;
	s10 =	ssub.s32 s29, s30  }
0xa: {  	s11 =	sadd.s32 s9, s2;
	s31 =	sshrl.u32 s9, $0x3;
	s6 =	sadd.s32 s8, s6  }
0xb: {  	s9 =	sshll.u32 @!p0 s0, $0x6;
	s8 =	sshrl.u32 s28, $0x3;
	s6 =	sshrl.u32 s6, $0x3  }
0xc: {  	s9 =	sor.u32 @!p0 $0x1C01, s9;
	s8 =	sadd.s32 s8, s5;
	s6 =	sadd.s32 s6, s5  }
0xd: {  	s5 =	sadd.s32 s7, s31;
	s7 =	sadd.s32 $0x16000, s8;
	s8 =	smax.u32 s10, $0x1  }
0xe: {  	s10 =	sshrl.u32 @!p0 s11, $0x3;
	s11 =	simm.s32 $0x1;
	s6 =	sadd.s32 $0x1E00, s6  }
.LBB2_1:
0xf: {  	[spmem:s10], [sflag:s9] =	dma.local @!p0 [hbm:s5], $0x3E8  }
0x10: {  	s15 =	simm.s32 @!p0 $0x1  }
0x11: {  	_ =	swait.ge @!p0 [sflag:s15], $0x3E8  }
0x12: {  	[sflag:s15] =	ssyncset.done @!p0 $0x0  }
0x13: {  	[sflag:s15] =	ssyncadd.s32 @!p0 $0xFFFFFC18  }
0x14: {  	[tilespmem:s3], [sflag:$0x1] =	stream.linear.gather [hbm4b:s6+s3], $0x5000, $0x38;
	[tilespmem:$0x6770] =	vst v63  }
0x15: {  	_ =	swait.ge [sflag:s11], $0x5000  }
0x16: {  	[sflag:s11] =	ssyncset.done $0x0  }
0x17: {  	[sflag:s11] =	ssyncadd.s32 $0xFFFFB000  }
0x18: {  	[tilespmem:s12], [sflag:$0x1] =	stream.linear.gather [hbm4b:s4+s3], $0x3E8, $0x38;
	[tilespmem:$0x6770] =	vst v63  }
0x19: {  	_ =	swait.ge [sflag:s11], $0x3E8  }
0x1a: {  	[sflag:s11] =	ssyncset.done $0x0  }
0x1b: {  	[sflag:s11] =	ssyncadd.s32 $0xFFFFFC18  }
0x1c: {  	s31 =	simm.s32 $0x0;
	[bflag:$0x0] =	sbarrier.arrive $0xFFFF  }
0x1d: {  	[spmem:s2] =	stream.indirect.scatter.add.f32 [tilespmem:s12], [sflag:$0x1], $0x8, s31, s13, $0xb8;
	[tilespmem:$0x6770] =	vst v63  }
0x1e: {  	_ =	swait.ge [sflag:s11], $0x3E8  }
0x1f: {  	s15 =	simm.s32 $0x200;
	[sflag:s11] =	ssyncset.done $0x0  }
.LBB2_2:
0x20: {  	s16 =	sshra.s32 s15, $0x2;
	[sflag:s11] =	ssyncadd.s32 $0xFFFFFC18;
	p1 =	sne.s32 s15, $0x13E00  }
0x21: {  	[spmem:s2] =	stream.indirect.scatter.add.f32 [tilespmem:s12], [sflag:$0x1], $0x8, s16, s13, $0xb8;
	[tilespmem:$0x6770] =	vst v63  }
.Ltmp0:
0x22: {  	_ = 	snop;
	(pc) =	sbr.rel @p1 .LBB2_2-.Ltmp0, $4  }
0x23: {  	_ = 	snop  }
0x24: {  	s15 =	sadd.s32 $0x200, s15  }
0x25: {  	_ =	swait.ge [sflag:s11], $0x3E8  }
0x26: {  	[sflag:s11] =	ssyncset.done $0x0  }
0x27: {  	s14 =	sadd.s32 $0x1, s14  }
0x28: {  	[sflag:s11] =	ssyncadd.s32 $0xFFFFFC18;
	p1 =	sne.s32 s14, s8  }
.Ltmp1:
0x29: {  	s15 =	simm.s32 @!p0 $0x1;
	[bflag:$0x0] =	sbarrier.arrive $0xFFFF;
	(pc) =	sbr.rel @p1 .LBB2_1-.Ltmp1, $4  }
0x2a: {  	[hbm:s7], [sflag:s9] =	dma.local @!p0 [spmem:s10], $0x3E8  }
0x2b: {  	_ =	swait.ge @!p0 [sflag:s15], $0x3E8  }
0x2c: {  	[sflag:s15] =	ssyncset.done @!p0 $0x0  }
0x2d: {  	[sflag:s15] =	ssyncadd.s32 @!p0 $0xFFFFFC18  }
0x2e: {  	_ =	sfence.sel $0x180000  }
0x2f: {  	[bflag:$0x0] =	sbarrier.arrive $0xFFFF  }
0x30: {  	p0 =	sne.s32 s0, $0x0;
	_ =	strace $0x90000047  }
0x31: {  	s0 =	sadd.s32 @!p0 $0x100000, s1;
	[bflag:$0x2] =	sbarrier.arrive $0xFFFF  }
0x32: {  	[sflag:s0] =	ssyncadd.tile.s32 @!p0 $0x1;
	_ =	shalt  }
.Lfunc_end2:
_tile_overlayer_lowered:
.L_overlay_start_2:
0x33: {  	(tag) =	ssettag $0x2  }
0x34: {  	s0 =	rddreg [dreg:$0x0];
	s2 =	stileid.u32  }
0x35: {  	s1 =	rddreg [dreg:$0x1];
	p0 =	sne.s32 s2, $0x0  }
0x36: {  	s3 =	rddreg [dreg:$0x2];
	[bflag:$0x3] =	sbarrier.arrive $0xFFFF;
	s2 =	simm.s32 @!p0 $0x1C01  }
0x37: {  	[timem:s3], [sflag:s2] =	dma.local @!p0 [hbm:s0], s1  }
0x38: {  	s0 =	simm.s32 @!p0 $0x1  }
0x39: {  	_ =	swait.ge @!p0 [sflag:s0], s1  }
0x3a: {  	s1 =	ssub.s32 @!p0 $0x0, s1;
	[sflag:s0] =	ssyncset.done @!p0 $0x0  }
0x3b: {  	[sflag:s0] =	ssyncadd.s32 @!p0 s1  }
0x3c: {  	[bflag:$0x3] =	sbarrier.arrive $0xFFFF  }
0x3d: {  	_ =	shalt  }

</sc_bundles>
